<compile_context>
chip_gen: v7x
topology: tpu7x:2x2x1
jax: 0.10.2.dev20260603
libtpu: 0.0.44.dev20260713+nightly
codegen_flags: <defaults>
</compile_context>

<pallas_src>
import functools

import jax
import jax.numpy as jnp
from jax import lax
from jax.experimental import pallas as pl
from jax.experimental.pallas import tpu as pltpu
from jax.experimental.pallas import tpu_sc as plsc

N = 10000
E = 320000
D = 128
NPAD = 10240
NW = 32
CHUNK = 128
TOT_CH = 2528
EPAD = TOT_CH * CHUNK
CH0 = 79
CH1 = 79
DCH = TOT_CH // NW
RING = 8
ROWS_PER_TILE = NPAD // 16

_mesh = plsc.VectorSubcoreMesh(core_axis_name="c", subcore_axis_name="s")


def _zero_buf(buf):
    rows, cols = buf.shape

    @pl.loop(0, rows)
    def _(j):
        @pl.loop(0, cols // 16)
        def _(k):
            buf[j, pl.ds(k * 16, 16)] = jnp.zeros((16,), jnp.float32)


@functools.partial(
    pl.kernel,
    out_type=jax.ShapeDtypeStruct((2, NPAD, 16), jnp.float32),
    mesh=_mesh,
    scratch_types=[
        pltpu.VMEM((DCH, CHUNK), jnp.int32),
        pltpu.VMEM((CHUNK, 16), jnp.float32),
        pltpu.VMEM((CHUNK, 16), jnp.float32),
        pltpu.VMEM_SHARED((NPAD, 16), jnp.float32),
        pltpu.SemaphoreType.DMA,
    ],
)
def _deg_kernel(dst_hbm, out_hbm, dst_v, ones_v, z_v, acc, sem):
    c = lax.axis_index("c")
    s = lax.axis_index("s")
    wid = c * 16 + s
    pltpu.sync_copy(dst_hbm.at[wid], dst_v)
    _zero_buf(z_v)

    @pl.loop(0, CHUNK)
    def _(j):
        ones_v[j, pl.ds(0, 16)] = jnp.ones((16,), jnp.float32)

    @pl.loop(0, ROWS_PER_TILE // CHUNK)
    def _(j):
        pltpu.sync_copy(z_v, acc.at[pl.ds(s * ROWS_PER_TILE + j * CHUNK, CHUNK)])

    plsc.subcore_barrier()

    @pl.loop(0, DCH)
    def _(i):
        pltpu.sync_copy(ones_v, acc.at[dst_v.at[i]], add=True)

    plsc.subcore_barrier()

    @pl.loop(0, ROWS_PER_TILE // CHUNK)
    def _(j):
        r = s * ROWS_PER_TILE + j * CHUNK
        pltpu.sync_copy(acc.at[pl.ds(r, CHUNK)], out_hbm.at[c, pl.ds(r, CHUNK)])


@functools.partial(
    pl.kernel,
    out_type=jax.ShapeDtypeStruct((2, NPAD, D), jnp.float32),
    mesh=_mesh,
    scratch_types=[
        pltpu.VMEM((2 * RING, CHUNK), jnp.int32),
        pltpu.VMEM((CHUNK, D), jnp.float32),
        pltpu.VMEM((CHUNK, D), jnp.float32),
        pltpu.VMEM_SHARED((NPAD, D), jnp.float32),
        pltpu.SemaphoreType.DMA,
        pltpu.SemaphoreType.DMA,
        pltpu.SemaphoreType.DMA,
    ],
)
def _agg_kernel(g_hbm, idx_hbm, out_hbm,
                ring, rows_a, rows_b, acc, sem_i, sem_a, sem_b):
    c = lax.axis_index("c")
    s = lax.axis_index("s")
    base = jnp.where(c == 0, s * CH0, 16 * CH0 + s * CH1)
    nch = jnp.where(c == 0, CH0, CH1)

    _zero_buf(rows_a)

    @pl.loop(0, ROWS_PER_TILE // CHUNK)
    def _(j):
        pltpu.sync_copy(rows_a, acc.at[pl.ds(s * ROWS_PER_TILE + j * CHUNK, CHUNK)])

    pltpu.sync_copy(idx_hbm.at[base], ring.at[pl.ds(0, 2)])
    pltpu.sync_copy(idx_hbm.at[base + 1], ring.at[pl.ds(2, 2)])
    plsc.subcore_barrier()
    pltpu.async_copy(g_hbm.at[ring.at[0]], rows_a, sem_a)

    @pl.loop(0, CH0)
    def _(i):
        @pl.when(i < nch)
        def _():
            nxt = i + 2

            @pl.when((i >= 1) & (i + 1 < nch))
            def _():
                pltpu.make_async_copy(idx_hbm.at[base],
                                      ring.at[pl.ds(0, 2)], sem_i).wait()

            @pl.when(nxt < nch)
            def _():
                pltpu.async_copy(idx_hbm.at[base + nxt],
                                 ring.at[pl.ds(2 * (nxt % RING), 2)], sem_i)

            even = i % 2 == 0
            g_row = 2 * ((i + 1) % RING)
            s_row = 2 * (i % RING) + 1

            @pl.when(even)
            def _():
                @pl.when(i + 1 < nch)
                def _():
                    pltpu.async_copy(g_hbm.at[ring.at[g_row]], rows_b, sem_b)
                pltpu.make_async_copy(g_hbm.at[ring.at[g_row]], rows_a,
                                      sem_a).wait()
                pltpu.sync_copy(rows_a, acc.at[ring.at[s_row]], add=True)

            @pl.when(jnp.logical_not(even))
            def _():
                @pl.when(i + 1 < nch)
                def _():
                    pltpu.async_copy(g_hbm.at[ring.at[g_row]], rows_a, sem_a)
                pltpu.make_async_copy(g_hbm.at[ring.at[g_row]], rows_b,
                                      sem_b).wait()
                pltpu.sync_copy(rows_b, acc.at[ring.at[s_row]], add=True)

    plsc.subcore_barrier()

    @pl.loop(0, ROWS_PER_TILE // CHUNK)
    def _(j):
        r = s * ROWS_PER_TILE + j * CHUNK
        pltpu.sync_copy(acc.at[pl.ds(r, CHUNK)], out_hbm.at[c, pl.ds(r, CHUNK)])



def _mm_body(x_ref, w_ref, o_ref):
    o_ref[...] = jnp.dot(x_ref[...], w_ref[...],
                         preferred_element_type=jnp.float32)


def _tc_matmul(x, w):
    return pl.pallas_call(
        _mm_body,
        out_shape=jax.ShapeDtypeStruct((x.shape[0], w.shape[1]), jnp.float32),
    )(x, w)


def _scale_body(d0_ref, d1_ref, xw_ref, g_ref, dinv_ref):
    deg = d0_ref[:, :1] + d1_ref[:, :1] + 1.0
    dinv = lax.rsqrt(deg)
    g_ref[...] = dinv * xw_ref[...]
    dinv_ref[...] = dinv


def _tc_scale(deg0, deg1, xw):
    return pl.pallas_call(
        _scale_body,
        out_shape=(jax.ShapeDtypeStruct((NPAD, D), jnp.float32),
                   jax.ShapeDtypeStruct((NPAD, 1), jnp.float32)),
    )(deg0, deg1, xw)


def _mid_body(p0_ref, p1_ref, g_ref, dinv_ref, b_ref, w_ref, gout_ref):
    h = jnp.maximum(
        dinv_ref[...] * (p0_ref[...] + p1_ref[...] + g_ref[...]) + b_ref[...],
        0.0)
    gout_ref[...] = dinv_ref[...] * jnp.dot(h, w_ref[...],
                                            preferred_element_type=jnp.float32)


def _tc_mid(p0, p1, g, dinv, b, w):
    return pl.pallas_call(
        _mid_body,
        out_shape=jax.ShapeDtypeStruct((NPAD, D), jnp.float32),
    )(p0, p1, g, dinv, b, w)


def _fin_body(p0_ref, p1_ref, g_ref, dinv_ref, b_ref, o_ref):
    o_ref[...] = (dinv_ref[...] * (p0_ref[...] + p1_ref[...] + g_ref[...])
                  + b_ref[...])


def _tc_fin(p0, p1, g, dinv, b):
    return pl.pallas_call(
        _fin_body,
        out_shape=jax.ShapeDtypeStruct((NPAD, D), jnp.float32),
    )(p0, p1, g, dinv, b)


def kernel(x, edge_index, W1, b1, W2, b2, W3, b3):
    src = edge_index[0].astype(jnp.int32)
    dst = edge_index[1].astype(jnp.int32)
    pad = N + (jnp.arange(EPAD - E, dtype=jnp.int32) % (NPAD - N))
    src_p = jnp.concatenate([src, pad])
    dst_p = jnp.concatenate([dst, pad])
    dst_r = dst_p.reshape(NW, DCH, CHUNK)
    idx_comb = jnp.stack(
        [src_p.reshape(TOT_CH, CHUNK), dst_p.reshape(TOT_CH, CHUNK)], axis=1)
    x_pad = jnp.pad(x, ((0, NPAD - N), (0, 0)))

    degp = _deg_kernel(dst_r)
    xw1 = _tc_matmul(x_pad, W1)
    g1, dinv = _tc_scale(degp[0], degp[1], xw1)

    b1r = b1.reshape(1, D)
    b2r = b2.reshape(1, D)
    b3r = b3.reshape(1, D)

    p = _agg_kernel(g1, idx_comb)
    g2 = _tc_mid(p[0], p[1], g1, dinv, b1r, W2)
    p = _agg_kernel(g2, idx_comb)
    g3 = _tc_mid(p[0], p[1], g2, dinv, b2r, W3)
    p = _agg_kernel(g3, idx_comb)
    out = _tc_fin(p[0], p[1], g3, dinv, b3r)
    return out[:N]

# --- scband reference (transcript-rebuilt; emitter-appended) ---
"""Pipeline reference for scband-three-layer-gcn-47227460387503 (READ-ONLY COPY).

The authoritative reference and input builder live on the scoring server;
editing this copy changes nothing except your own understanding.
"""

import jax, jax.numpy as jnp
import numpy as np

N = 10000
E = 320000
D_IN = 128
D_H1 = 128
D_H2 = 128
D_OUT = 128


def setup_inputs(seed: int = 0) -> dict:
    key = jax.random.key(seed)
    ks = jax.random.split(key, 8)
    x = jax.random.normal(ks[0], (N, D_IN), dtype=jnp.float32)
    edge_index = jax.random.randint(ks[1], (2, E), 0, N)
    def glorot(k, fan_in, fan_out):
        lim = float(np.sqrt(6.0 / (fan_in + fan_out)))
        return jax.random.uniform(k, (fan_in, fan_out), dtype=jnp.float32, minval=-lim, maxval=lim)
    W1 = glorot(ks[2], D_IN, D_H1)
    b1 = jnp.zeros((D_H1,), dtype=jnp.float32)
    W2 = glorot(ks[3], D_H1, D_H2)
    b2 = jnp.zeros((D_H2,), dtype=jnp.float32)
    W3 = glorot(ks[4], D_H2, D_OUT)
    b3 = jnp.zeros((D_OUT,), dtype=jnp.float32)
    return {"x": x, "edge_index": edge_index, "W1": W1, "b1": b1, "W2": W2, "b2": b2, "W3": W3, "b3": b3}


def _gcn_conv(x, src, dst, norm, W, b):
    # x @ W, then normalized scatter-add aggregation over edges (incl. self-loops)
    h = x @ W
    msg = jnp.take(h, src, axis=0) * norm[:, None]
    out = jnp.zeros((x.shape[0], W.shape[1]), dtype=h.dtype).at[dst].add(msg)
    return out + b


def reference(x, edge_index, W1, b1, W2, b2, W3, b3):
    n = x.shape[0]
    loop = jnp.arange(n, dtype=edge_index.dtype)
    src = jnp.concatenate([edge_index[0], loop])
    dst = jnp.concatenate([edge_index[1], loop])
    # symmetric normalization deg^{-1/2} A_hat deg^{-1/2} with self-loops
    deg = jnp.zeros((n,), dtype=jnp.float32).at[dst].add(1.0)
    dinv = jnp.where(deg > 0, jax.lax.rsqrt(deg), 0.0)
    norm = dinv[src] * dinv[dst]
    h = jax.nn.relu(_gcn_conv(x, src, dst, norm, W1, b1))
    h = jax.nn.relu(_gcn_conv(h, src, dst, norm, W2, b2))
    h = _gcn_conv(h, src, dst, norm, W3, b3)
    return h

if __name__ == "__main__":
    import jax
    _d = setup_inputs()
    print(jax.jit(kernel)(*tuple(_d.values())))

</pallas_src>

<mosaic_0001>
#map = affine_map<(d0, d1) -> (0, 0)>
#map1 = affine_map<(d0, d1) -> (0, 0, 0)>
module attributes {stable_mosaic.version = 14 : i64} {
  func.func @_agg_kernel(%arg0: i32, %arg1: i32, %arg2: memref<10240x128xf32, #tpu.memory_space<hbm>>, %arg3: memref<2528x2x128xi32, #tpu.memory_space<hbm>>, %arg4: memref<2x10240x128xf32, #tpu.memory_space<hbm>>, %arg5: memref<16x128xi32, #tpu.memory_space<vmem>>, %arg6: memref<128x128xf32, #tpu.memory_space<vmem>>, %arg7: memref<128x128xf32, #tpu.memory_space<vmem>>, %arg8: memref<10240x128xf32, #tpu.memory_space<vmem_shared>>, %arg9: memref<!tpu.dma_semaphore, #tpu.memory_space<semaphore_mem>>, %arg10: memref<!tpu.dma_semaphore, #tpu.memory_space<semaphore_mem>>, %arg11: memref<!tpu.dma_semaphore, #tpu.memory_space<semaphore_mem>>) attributes {dimension_semantics = [#tpu.dimension_semantics<core_parallel>, #tpu.dimension_semantics<subcore_parallel>], iteration_bounds = array<i64: 2, 16>, scalar_prefetch = 0 : i64, scratch_operands = 7 : i64, tpu.core_type = #tpu.core_type<sc_vector_subcore>, window_params = [{transform_indices = #map}, {transform_indices = #map1}, {transform_indices = #map1}]} {
    %eq3A = arith.constant 0 : i32
    %eq3A_0 = arith.cmpi eq, %arg0, %eq3A : i32
    %mul3A = arith.constant 79 : i32
    %mul3A_1 = arith.muli %arg1, %mul3A : i32
    %mul3A_2 = arith.constant 79 : i32
    %mul3A_3 = arith.muli %arg1, %mul3A_2 : i32
    %add3A = arith.constant 1264 : i32
    %add3A_4 = arith.addi %add3A, %mul3A_3 : i32
    %select_n3A = arith.select %eq3A_0, %mul3A_1, %add3A_4 : i32
    %eq3A_5 = arith.constant 0 : i32
    %eq3A_6 = arith.cmpi eq, %arg0, %eq3A_5 : i32
    %jit3A = arith.constant 79 : i32
    %jit3A_7 = arith.constant 79 : i32
    %select_n3A_8 = arith.select %eq3A_6, %jit3A, %jit3A_7 : i32
    %scan3A = arith.constant 0 : i32
    %scan3A_9 = arith.constant 128 : i32
    %scan3A_10 = arith.addi %scan3A, %scan3A_9 : i32
    %scan3A_11 = arith.constant 1 : i32
    scf.for %scan3A_37 = %scan3A to %scan3A_10 step %scan3A_11  : i32 {
      %mul3A_38 = arith.constant 1 : i32
      %mul3A_39 = arith.muli %scan3A_37, %mul3A_38 : i32
      %add3A_40 = arith.constant 0 : i32
      %add3A_41 = arith.addi %add3A_40, %mul3A_39 : i32
      %scan3A_42 = arith.constant 0 : i32
      %scan3A_43 = arith.constant 8 : i32
      %scan3A_44 = arith.addi %scan3A_42, %scan3A_43 : i32
      %scan3A_45 = arith.constant 1 : i32
      scf.for %scan3A_47 = %scan3A_42 to %scan3A_44 step %scan3A_45  : i32 {
        %mul3A_48 = arith.constant 1 : i32
        %mul3A_49 = arith.muli %scan3A_47, %mul3A_48 : i32
        %add3A_50 = arith.constant 0 : i32
        %add3A_51 = arith.addi %add3A_50, %mul3A_49 : i32
        %broadcast_in_dim3A = arith.constant 0.000000e+00 : f32
        %broadcast_in_dim3A_52 = vector.broadcast %broadcast_in_dim3A : f32 to vector<16xf32>
        %mul3A_53 = arith.constant 16 : i32
        %mul3A_54 = arith.muli %add3A_51, %mul3A_53 : i32
        %swap3A = arith.index_cast %add3A_41 : i32 to index
        %swap3A_55 = arith.index_cast %mul3A_54 : i32 to index
        %swap3A_56 = tpu.vector_load %arg6[%swap3A, %swap3A_55] {strides = array<i32>} : memref<128x128xf32, #tpu.memory_space<vmem>>, vector<1x16xf32>,
        %swap3A_57 = vector.shape_cast %swap3A_56 : vector<1x16xf32> to vector<16xf32>
        %swap3A_58 = vector.shape_cast %broadcast_in_dim3A_52 : vector<16xf32> to vector<1x16xf32>
        tpu.vector_store %arg6[%swap3A, %swap3A_55], %swap3A_58 {strides = array<i32>} : memref<128x128xf32, #tpu.memory_space<vmem>>, vector<1x16xf32>,
      }
      %scan3A_46 = arith.constant 8 : i32
    }
    %scan3A_12 = arith.constant 128 : i32
    %scan3A_13 = arith.constant 0 : i32
    %scan3A_14 = arith.constant 5 : i32
    %scan3A_15 = arith.addi %scan3A_13, %scan3A_14 : i32
    %scan3A_16 = arith.constant 1 : i32
    scf.for %scan3A_37 = %scan3A_13 to %scan3A_15 step %scan3A_16  : i32 {
      %mul3A_38 = arith.constant 1 : i32
      %mul3A_39 = arith.muli %scan3A_37, %mul3A_38 : i32
      %add3A_40 = arith.constant 0 : i32
      %add3A_41 = arith.addi %add3A_40, %mul3A_39 : i32
      %mul3A_42 = arith.constant 640 : i32
      %mul3A_43 = arith.muli %arg1, %mul3A_42 : i32
      %mul3A_44 = arith.constant 128 : i32
      %mul3A_45 = arith.muli %add3A_41, %mul3A_44 : i32
      %add3A_46 = arith.addi %mul3A_43, %mul3A_45 : i32
      "tpu.region"() ({
        %run_scoped3A = tpu.sem_alloc : memref<!tpu.dma_semaphore, #tpu.memory_space<semaphore_mem>>
        %dma_start3A_47 = arith.constant 0 : i32
        %dma_start3A_48 = tpu.memref_slice %arg8[%add3A_46, %dma_start3A_47] : memref<10240x128xf32, #tpu.memory_space<vmem_shared>> -> memref<128x128xf32, #tpu.memory_space<vmem_shared>>
        %dma_start3A_49 = arith.constant 0 : i32
        %dma_start3A_50 = tpu.memref_slice %arg8[%add3A_46, %dma_start3A_49] : memref<10240x128xf32, #tpu.memory_space<vmem_shared>> -> memref<128x128xf32, #tpu.memory_space<vmem_shared>>
        tpu.enqueue_dma source(%arg6 : memref<128x128xf32, #tpu.memory_space<vmem>>) target(%dma_start3A_50 : memref<128x128xf32, #tpu.memory_space<vmem_shared>>) target_semaphore(%run_scoped3A : memref<!tpu.dma_semaphore, #tpu.memory_space<semaphore_mem>>)
        %dma_wait3A = arith.constant 0 : i32
        %dma_wait3A_51 = tpu.memref_slice %arg8[%add3A_46, %dma_wait3A] : memref<10240x128xf32, #tpu.memory_space<vmem_shared>> -> memref<128x128xf32, #tpu.memory_space<vmem_shared>>
        %dma_wait3A_52 = arith.constant 0 : i32
        %dma_wait3A_53 = tpu.memref_slice %arg8[%add3A_46, %dma_wait3A_52] : memref<10240x128xf32, #tpu.memory_space<vmem_shared>> -> memref<128x128xf32, #tpu.memory_space<vmem_shared>>
        tpu.wait_dma2 semaphore(%run_scoped3A : memref<!tpu.dma_semaphore, #tpu.memory_space<semaphore_mem>>) src(%arg6 : memref<128x128xf32, #tpu.memory_space<vmem>>) dst(%dma_wait3A_53 : memref<128x128xf32, #tpu.memory_space<vmem_shared>>)
        tpu.yield
      }) : () -> ()
    }
    %scan3A_17 = arith.constant 5 : i32
    "tpu.region"() ({
      %run_scoped3A = tpu.sem_alloc : memref<!tpu.dma_semaphore, #tpu.memory_space<semaphore_mem>>
      %dma_start3A_37 = arith.constant 0 : i32
      %dma_start3A_38 = arith.constant 0 : i32
      %dma_start3A_39 = tpu.memref_slice %arg5[%dma_start3A_37, %dma_start3A_38] : memref<16x128xi32, #tpu.memory_space<vmem>> -> memref<2x128xi32, #tpu.memory_space<vmem>>
      %dma_start3A_40 = arith.constant 0 : i32
      %dma_start3A_41 = arith.constant 0 : i32
      %dma_start3A_42 = tpu.memref_slice %arg3[%select_n3A, %dma_start3A_40, %dma_start3A_41] : memref<2528x2x128xi32, #tpu.memory_space<hbm>> -> memref<1x2x128xi32, #tpu.memory_space<hbm>>
      %dma_start3A_43 = tpu.memref_squeeze %dma_start3A_42 : memref<1x2x128xi32, #tpu.memory_space<hbm>> -> memref<2x128xi32, #tpu.memory_space<hbm>>
      %dma_start3A_44 = arith.constant 0 : i32
      %dma_start3A_45 = arith.constant 0 : i32
      %dma_start3A_46 = tpu.memref_slice %arg5[%dma_start3A_44, %dma_start3A_45] : memref<16x128xi32, #tpu.memory_space<vmem>> -> memref<2x128xi32, #tpu.memory_space<vmem>>
      %dma_start3A_47 = arith.constant 0 : i32
      %dma_start3A_48 = arith.constant 0 : i32
      %dma_start3A_49 = tpu.memref_slice %arg3[%select_n3A, %dma_start3A_47, %dma_start3A_48] : memref<2528x2x128xi32, #tpu.memory_space<hbm>> -> memref<1x2x128xi32, #tpu.memory_space<hbm>>
      %dma_start3A_50 = tpu.memref_squeeze %dma_start3A_49 : memref<1x2x128xi32, #tpu.memory_space<hbm>> -> memref<2x128xi32, #tpu.memory_space<hbm>>
      tpu.enqueue_dma source(%dma_start3A_50 : memref<2x128xi32, #tpu.memory_space<hbm>>) target(%dma_start3A_46 : memref<2x128xi32, #tpu.memory_space<vmem>>) target_semaphore(%run_scoped3A : memref<!tpu.dma_semaphore, #tpu.memory_space<semaphore_mem>>)
      %dma_wait3A = arith.constant 0 : i32
      %dma_wait3A_51 = arith.constant 0 : i32
      %dma_wait3A_52 = tpu.memref_slice %arg5[%dma_wait3A, %dma_wait3A_51] : memref<16x128xi32, #tpu.memory_space<vmem>> -> memref<2x128xi32, #tpu.memory_space<vmem>>
      %dma_wait3A_53 = arith.constant 0 : i32
      %dma_wait3A_54 = arith.constant 0 : i32
      %dma_wait3A_55 = tpu.memref_slice %arg3[%select_n3A, %dma_wait3A_53, %dma_wait3A_54] : memref<2528x2x128xi32, #tpu.memory_space<hbm>> -> memref<1x2x128xi32, #tpu.memory_space<hbm>>
      %dma_wait3A_56 = tpu.memref_squeeze %dma_wait3A_55 : memref<1x2x128xi32, #tpu.memory_space<hbm>> -> memref<2x128xi32, #tpu.memory_space<hbm>>
      %dma_wait3A_57 = arith.constant 0 : i32
      %dma_wait3A_58 = arith.constant 0 : i32
      %dma_wait3A_59 = tpu.memref_slice %arg5[%dma_wait3A_57, %dma_wait3A_58] : memref<16x128xi32, #tpu.memory_space<vmem>> -> memref<2x128xi32, #tpu.memory_space<vmem>>
      %dma_wait3A_60 = arith.constant 0 : i32
      %dma_wait3A_61 = arith.constant 0 : i32
      %dma_wait3A_62 = tpu.memref_slice %arg3[%select_n3A, %dma_wait3A_60, %dma_wait3A_61] : memref<2528x2x128xi32, #tpu.memory_space<hbm>> -> memref<1x2x128xi32, #tpu.memory_space<hbm>>
      %dma_wait3A_63 = tpu.memref_squeeze %dma_wait3A_62 : memref<1x2x128xi32, #tpu.memory_space<hbm>> -> memref<2x128xi32, #tpu.memory_space<hbm>>
      tpu.wait_dma2 semaphore(%run_scoped3A : memref<!tpu.dma_semaphore, #tpu.memory_space<semaphore_mem>>) src(%dma_wait3A_63 : memref<2x128xi32, #tpu.memory_space<hbm>>) dst(%dma_wait3A_59 : memref<2x128xi32, #tpu.memory_space<vmem>>)
      tpu.yield
    }) : () -> ()
    %add3A_18 = arith.constant 1 : i32
    %add3A_19 = arith.addi %select_n3A, %add3A_18 : i32
    "tpu.region"() ({
      %run_scoped3A = tpu.sem_alloc : memref<!tpu.dma_semaphore, #tpu.memory_space<semaphore_mem>>
      %dma_start3A_37 = arith.constant 2 : i32
      %dma_start3A_38 = arith.constant 0 : i32
      %dma_start3A_39 = tpu.memref_slice %arg5[%dma_start3A_37, %dma_start3A_38] : memref<16x128xi32, #tpu.memory_space<vmem>> -> memref<2x128xi32, #tpu.memory_space<vmem>>
      %dma_start3A_40 = arith.constant 0 : i32
      %dma_start3A_41 = arith.constant 0 : i32
      %dma_start3A_42 = tpu.memref_slice %arg3[%add3A_19, %dma_start3A_40, %dma_start3A_41] : memref<2528x2x128xi32, #tpu.memory_space<hbm>> -> memref<1x2x128xi32, #tpu.memory_space<hbm>>
      %dma_start3A_43 = tpu.memref_squeeze %dma_start3A_42 : memref<1x2x128xi32, #tpu.memory_space<hbm>> -> memref<2x128xi32, #tpu.memory_space<hbm>>
      %dma_start3A_44 = arith.constant 2 : i32
      %dma_start3A_45 = arith.constant 0 : i32
      %dma_start3A_46 = tpu.memref_slice %arg5[%dma_start3A_44, %dma_start3A_45] : memref<16x128xi32, #tpu.memory_space<vmem>> -> memref<2x128xi32, #tpu.memory_space<vmem>>
      %dma_start3A_47 = arith.constant 0 : i32
      %dma_start3A_48 = arith.constant 0 : i32
      %dma_start3A_49 = tpu.memref_slice %arg3[%add3A_19, %dma_start3A_47, %dma_start3A_48] : memref<2528x2x128xi32, #tpu.memory_space<hbm>> -> memref<1x2x128xi32, #tpu.memory_space<hbm>>
      %dma_start3A_50 = tpu.memref_squeeze %dma_start3A_49 : memref<1x2x128xi32, #tpu.memory_space<hbm>> -> memref<2x128xi32, #tpu.memory_space<hbm>>
      tpu.enqueue_dma source(%dma_start3A_50 : memref<2x128xi32, #tpu.memory_space<hbm>>) target(%dma_start3A_46 : memref<2x128xi32, #tpu.memory_space<vmem>>) target_semaphore(%run_scoped3A : memref<!tpu.dma_semaphore, #tpu.memory_space<semaphore_mem>>)
      %dma_wait3A = arith.constant 2 : i32
      %dma_wait3A_51 = arith.constant 0 : i32
      %dma_wait3A_52 = tpu.memref_slice %arg5[%dma_wait3A, %dma_wait3A_51] : memref<16x128xi32, #tpu.memory_space<vmem>> -> memref<2x128xi32, #tpu.memory_space<vmem>>
      %dma_wait3A_53 = arith.constant 0 : i32
      %dma_wait3A_54 = arith.constant 0 : i32
      %dma_wait3A_55 = tpu.memref_slice %arg3[%add3A_19, %dma_wait3A_53, %dma_wait3A_54] : memref<2528x2x128xi32, #tpu.memory_space<hbm>> -> memref<1x2x128xi32, #tpu.memory_space<hbm>>
      %dma_wait3A_56 = tpu.memref_squeeze %dma_wait3A_55 : memref<1x2x128xi32, #tpu.memory_space<hbm>> -> memref<2x128xi32, #tpu.memory_space<hbm>>
      %dma_wait3A_57 = arith.constant 2 : i32
      %dma_wait3A_58 = arith.constant 0 : i32
      %dma_wait3A_59 = tpu.memref_slice %arg5[%dma_wait3A_57, %dma_wait3A_58] : memref<16x128xi32, #tpu.memory_space<vmem>> -> memref<2x128xi32, #tpu.memory_space<vmem>>
      %dma_wait3A_60 = arith.constant 0 : i32
      %dma_wait3A_61 = arith.constant 0 : i32
      %dma_wait3A_62 = tpu.memref_slice %arg3[%add3A_19, %dma_wait3A_60, %dma_wait3A_61] : memref<2528x2x128xi32, #tpu.memory_space<hbm>> -> memref<1x2x128xi32, #tpu.memory_space<hbm>>
      %dma_wait3A_63 = tpu.memref_squeeze %dma_wait3A_62 : memref<1x2x128xi32, #tpu.memory_space<hbm>> -> memref<2x128xi32, #tpu.memory_space<hbm>>
      tpu.wait_dma2 semaphore(%run_scoped3A : memref<!tpu.dma_semaphore, #tpu.memory_space<semaphore_mem>>) src(%dma_wait3A_63 : memref<2x128xi32, #tpu.memory_space<hbm>>) dst(%dma_wait3A_59 : memref<2x128xi32, #tpu.memory_space<vmem>>)
      tpu.yield
    }) : () -> ()
    %barrier3A = arith.constant 0 : index
    tpu.barrier barrier_id(%barrier3A)
    %dma_start3A = arith.constant 0 : i32
    %dma_start3A_20 = arith.constant 0 : i32
    %dma_start3A_21 = tpu.memref_slice %arg5[%dma_start3A, %dma_start3A_20] : memref<16x128xi32, #tpu.memory_space<vmem>> -> memref<1x128xi32, #tpu.memory_space<vmem>>
    %dma_start3A_22 = tpu.memref_squeeze %dma_start3A_21 : memref<1x128xi32, #tpu.memory_space<vmem>> -> memref<128xi32, #tpu.memory_space<vmem>>
    %dma_start3A_23 = arith.constant 0 : i32
    %dma_start3A_24 = arith.constant 0 : i32
    %dma_start3A_25 = tpu.memref_slice %arg2[%dma_start3A_23, %dma_start3A_24] : memref<10240x128xf32, #tpu.memory_space<hbm>> -> memref<10240x128xf32, #tpu.memory_space<hbm>>
    tpu.enqueue_indirect_dma source(%dma_start3A_25 : memref<10240x128xf32, #tpu.memory_space<hbm>>) target(%arg6 : memref<128x128xf32, #tpu.memory_space<vmem>>) offsets(%dma_start3A_22 : memref<128xi32, #tpu.memory_space<vmem>>) semaphore(%arg10 : memref<!tpu.dma_semaphore, #tpu.memory_space<semaphore_mem>>)
    %scan3A_26 = arith.constant 0 : i32
    %scan3A_27 = arith.constant 79 : i32
    %scan3A_28 = arith.addi %scan3A_26, %scan3A_27 : i32
    %scan3A_29 = arith.constant 1 : i32
    scf.for %scan3A_37 = %scan3A_26 to %scan3A_28 step %scan3A_29  : i32 {
      %mul3A_38 = arith.constant 1 : i32
      %mul3A_39 = arith.muli %scan3A_37, %mul3A_38 : i32
      %add3A_40 = arith.constant 0 : i32
      %add3A_41 = arith.addi %add3A_40, %mul3A_39 : i32
      %lt3A = arith.cmpi slt, %add3A_41, %select_n3A_8 : i32
      %convert_element_type3A = arith.extui %lt3A : i1 to i32
      %cond3A = arith.constant 0 : i32
      %cond3A_42 = arith.cmpi ne, %convert_element_type3A, %cond3A : i32
      scf.if %cond3A_42 {
        %add3A_43 = arith.constant 2 : i32
        %add3A_44 = arith.addi %add3A_41, %add3A_43 : i32
        %ge3A = arith.constant 1 : i32
        %ge3A_45 = arith.cmpi sge, %add3A_41, %ge3A : i32
        %add3A_46 = arith.constant 1 : i32
        %add3A_47 = arith.addi %add3A_41, %add3A_46 : i32
        %lt3A_48 = arith.cmpi slt, %add3A_47, %select_n3A_8 : i32
        %and3A = arith.andi %ge3A_45, %lt3A_48 : i1
        %convert_element_type3A_49 = arith.extui %and3A : i1 to i32
        %cond3A_50 = arith.constant 0 : i32
        %cond3A_51 = arith.cmpi ne, %convert_element_type3A_49, %cond3A_50 : i32
        scf.if %cond3A_51 {
          %dma_wait3A = arith.constant 0 : i32
          %dma_wait3A_119 = arith.constant 0 : i32
          %dma_wait3A_120 = tpu.memref_slice %arg5[%dma_wait3A, %dma_wait3A_119] : memref<16x128xi32, #tpu.memory_space<vmem>> -> memref<2x128xi32, #tpu.memory_space<vmem>>
          %dma_wait3A_121 = arith.constant 0 : i32
          %dma_wait3A_122 = arith.constant 0 : i32
          %dma_wait3A_123 = tpu.memref_slice %arg3[%select_n3A, %dma_wait3A_121, %dma_wait3A_122] : memref<2528x2x128xi32, #tpu.memory_space<hbm>> -> memref<1x2x128xi32, #tpu.memory_space<hbm>>
          %dma_wait3A_124 = tpu.memref_squeeze %dma_wait3A_123 : memref<1x2x128xi32, #tpu.memory_space<hbm>> -> memref<2x128xi32, #tpu.memory_space<hbm>>
          %dma_wait3A_125 = arith.constant 0 : i32
          %dma_wait3A_126 = arith.constant 0 : i32
          %dma_wait3A_127 = tpu.memref_slice %arg5[%dma_wait3A_125, %dma_wait3A_126] : memref<16x128xi32, #tpu.memory_space<vmem>> -> memref<2x128xi32, #tpu.memory_space<vmem>>
          %dma_wait3A_128 = arith.constant 0 : i32
          %dma_wait3A_129 = arith.constant 0 : i32
          %dma_wait3A_130 = tpu.memref_slice %arg3[%select_n3A, %dma_wait3A_128, %dma_wait3A_129] : memref<2528x2x128xi32, #tpu.memory_space<hbm>> -> memref<1x2x128xi32, #tpu.memory_space<hbm>>
          %dma_wait3A_131 = tpu.memref_squeeze %dma_wait3A_130 : memref<1x2x128xi32, #tpu.memory_space<hbm>> -> memref<2x128xi32, #tpu.memory_space<hbm>>
          tpu.wait_dma2 semaphore(%arg9 : memref<!tpu.dma_semaphore, #tpu.memory_space<semaphore_mem>>) src(%dma_wait3A_131 : memref<2x128xi32, #tpu.memory_space<hbm>>) dst(%dma_wait3A_127 : memref<2x128xi32, #tpu.memory_space<vmem>>)
        } else {
        }
        %lt3A_52 = arith.cmpi slt, %add3A_44, %select_n3A_8 : i32
        %convert_element_type3A_53 = arith.extui %lt3A_52 : i1 to i32
        %cond3A_54 = arith.constant 0 : i32
        %cond3A_55 = arith.cmpi ne, %convert_element_type3A_53, %cond3A_54 : i32
        scf.if %cond3A_55 {
          %add3A_119 = arith.addi %select_n3A, %add3A_44 : i32
          %jit3A_120 = arith.constant 8 : i32
          %eq3A_121 = arith.constant 0 : i32
          %eq3A_122 = arith.cmpi eq, %jit3A_120, %eq3A_121 : i32
          %jit3A_123 = arith.constant 1 : i32
          %select_n3A_124 = arith.select %eq3A_122, %jit3A_123, %jit3A_120 : i32
          %rem3A_125 = arith.remsi %add3A_44, %select_n3A_124 : i32
          %ne3A_126 = arith.constant 0 : i32
          %ne3A_127 = arith.cmpi ne, %rem3A_125, %ne3A_126 : i32
          %lt3A_128 = arith.constant 0 : i32
          %lt3A_129 = arith.cmpi slt, %rem3A_125, %lt3A_128 : i32
          %lt3A_130 = arith.constant 0 : i32
          %lt3A_131 = arith.cmpi slt, %select_n3A_124, %lt3A_130 : i32
          %ne3A_132 = arith.xori %lt3A_129, %lt3A_131 : i1
          %and3A_133 = arith.andi %ne3A_132, %ne3A_127 : i1
          %add3A_134 = arith.addi %rem3A_125, %select_n3A_124 : i32
          %select_n3A_135 = arith.select %and3A_133, %add3A_134, %rem3A_125 : i32
          %mul3A_136 = arith.constant 2 : i32
          %mul3A_137 = arith.muli %mul3A_136, %select_n3A_135 : i32
          %dma_start3A_138 = arith.constant 0 : i32
          %dma_start3A_139 = tpu.memref_slice %arg5[%mul3A_137, %dma_start3A_138] : memref<16x128xi32, #tpu.memory_space<vmem>> -> memref<2x128xi32, #tpu.memory_space<vmem>>
          %dma_start3A_140 = arith.constant 0 : i32
          %dma_start3A_141 = arith.constant 0 : i32
          %dma_start3A_142 = tpu.memref_slice %arg3[%add3A_119, %dma_start3A_140, %dma_start3A_141] : memref<2528x2x128xi32, #tpu.memory_space<hbm>> -> memref<1x2x128xi32, #tpu.memory_space<hbm>>
          %dma_start3A_143 = tpu.memref_squeeze %dma_start3A_142 : memref<1x2x128xi32, #tpu.memory_space<hbm>> -> memref<2x128xi32, #tpu.memory_space<hbm>>
          %dma_start3A_144 = arith.constant 0 : i32
          %dma_start3A_145 = tpu.memref_slice %arg5[%mul3A_137, %dma_start3A_144] : memref<16x128xi32, #tpu.memory_space<vmem>> -> memref<2x128xi32, #tpu.memory_space<vmem>>
          %dma_start3A_146 = arith.constant 0 : i32
          %dma_start3A_147 = arith.constant 0 : i32
          %dma_start3A_148 = tpu.memref_slice %arg3[%add3A_119, %dma_start3A_146, %dma_start3A_147] : memref<2528x2x128xi32, #tpu.memory_space<hbm>> -> memref<1x2x128xi32, #tpu.memory_space<hbm>>
          %dma_start3A_149 = tpu.memref_squeeze %dma_start3A_148 : memref<1x2x128xi32, #tpu.memory_space<hbm>> -> memref<2x128xi32, #tpu.memory_space<hbm>>
          tpu.enqueue_dma source(%dma_start3A_149 : memref<2x128xi32, #tpu.memory_space<hbm>>) target(%dma_start3A_145 : memref<2x128xi32, #tpu.memory_space<vmem>>) target_semaphore(%arg9 : memref<!tpu.dma_semaphore, #tpu.memory_space<semaphore_mem>>)
        } else {
        }
        %jit3A_56 = arith.constant 2 : i32
        %eq3A_57 = arith.constant 0 : i32
        %eq3A_58 = arith.cmpi eq, %jit3A_56, %eq3A_57 : i32
        %jit3A_59 = arith.constant 1 : i32
        %select_n3A_60 = arith.select %eq3A_58, %jit3A_59, %jit3A_56 : i32
        %rem3A = arith.remsi %add3A_41, %select_n3A_60 : i32
        %ne3A = arith.constant 0 : i32
        %ne3A_61 = arith.cmpi ne, %rem3A, %ne3A : i32
        %lt3A_62 = arith.constant 0 : i32
        %lt3A_63 = arith.cmpi slt, %rem3A, %lt3A_62 : i32
        %lt3A_64 = arith.constant 0 : i32
        %lt3A_65 = arith.cmpi slt, %select_n3A_60, %lt3A_64 : i32
        %ne3A_66 = arith.xori %lt3A_63, %lt3A_65 : i1
        %and3A_67 = arith.andi %ne3A_66, %ne3A_61 : i1
        %add3A_68 = arith.addi %rem3A, %select_n3A_60 : i32
        %select_n3A_69 = arith.select %and3A_67, %add3A_68, %rem3A : i32
        %eq3A_70 = arith.constant 0 : i32
        %eq3A_71 = arith.cmpi eq, %select_n3A_69, %eq3A_70 : i32
        %add3A_72 = arith.constant 1 : i32
        %add3A_73 = arith.addi %add3A_41, %add3A_72 : i32
        %jit3A_74 = arith.constant 8 : i32
        %eq3A_75 = arith.constant 0 : i32
        %eq3A_76 = arith.cmpi eq, %jit3A_74, %eq3A_75 : i32
        %jit3A_77 = arith.constant 1 : i32
        %select_n3A_78 = arith.select %eq3A_76, %jit3A_77, %jit3A_74 : i32
        %rem3A_79 = arith.remsi %add3A_73, %select_n3A_78 : i32
        %ne3A_80 = arith.constant 0 : i32
        %ne3A_81 = arith.cmpi ne, %rem3A_79, %ne3A_80 : i32
        %lt3A_82 = arith.constant 0 : i32
        %lt3A_83 = arith.cmpi slt, %rem3A_79, %lt3A_82 : i32
        %lt3A_84 = arith.constant 0 : i32
        %lt3A_85 = arith.cmpi slt, %select_n3A_78, %lt3A_84 : i32
        %ne3A_86 = arith.xori %lt3A_83, %lt3A_85 : i1
        %and3A_87 = arith.andi %ne3A_86, %ne3A_81 : i1
        %add3A_88 = arith.addi %rem3A_79, %select_n3A_78 : i32
        %select_n3A_89 = arith.select %and3A_87, %add3A_88, %rem3A_79 : i32
        %mul3A_90 = arith.constant 2 : i32
        %mul3A_91 = arith.muli %mul3A_90, %select_n3A_89 : i32
        %jit3A_92 = arith.constant 8 : i32
        %eq3A_93 = arith.constant 0 : i32
        %eq3A_94 = arith.cmpi eq, %jit3A_92, %eq3A_93 : i32
        %jit3A_95 = arith.constant 1 : i32
        %select_n3A_96 = arith.select %eq3A_94, %jit3A_95, %jit3A_92 : i32
        %rem3A_97 = arith.remsi %add3A_41, %select_n3A_96 : i32
        %ne3A_98 = arith.constant 0 : i32
        %ne3A_99 = arith.cmpi ne, %rem3A_97, %ne3A_98 : i32
        %lt3A_100 = arith.constant 0 : i32
        %lt3A_101 = arith.cmpi slt, %rem3A_97, %lt3A_100 : i32
        %lt3A_102 = arith.constant 0 : i32
        %lt3A_103 = arith.cmpi slt, %select_n3A_96, %lt3A_102 : i32
        %ne3A_104 = arith.xori %lt3A_101, %lt3A_103 : i1
        %and3A_105 = arith.andi %ne3A_104, %ne3A_99 : i1
        %add3A_106 = arith.addi %rem3A_97, %select_n3A_96 : i32
        %select_n3A_107 = arith.select %and3A_105, %add3A_106, %rem3A_97 : i32
        %mul3A_108 = arith.constant 2 : i32
        %mul3A_109 = arith.muli %mul3A_108, %select_n3A_107 : i32
        %add3A_110 = arith.constant 1 : i32
        %add3A_111 = arith.addi %mul3A_109, %add3A_110 : i32
        %convert_element_type3A_112 = arith.extui %eq3A_71 : i1 to i32
        %cond3A_113 = arith.constant 0 : i32
        %cond3A_114 = arith.cmpi ne, %convert_element_type3A_112, %cond3A_113 : i32
        scf.if %cond3A_114 {
          %add3A_119 = arith.constant 1 : i32
          %add3A_120 = arith.addi %add3A_41, %add3A_119 : i32
          %lt3A_121 = arith.cmpi slt, %add3A_120, %select_n3A_8 : i32
          %convert_element_type3A_122 = arith.extui %lt3A_121 : i1 to i32
          %cond3A_123 = arith.constant 0 : i32
          %cond3A_124 = arith.cmpi ne, %convert_element_type3A_122, %cond3A_123 : i32
          scf.if %cond3A_124 {
            %dma_start3A_130 = arith.constant 0 : i32
            %dma_start3A_131 = tpu.memref_slice %arg5[%mul3A_91, %dma_start3A_130] : memref<16x128xi32, #tpu.memory_space<vmem>> -> memref<1x128xi32, #tpu.memory_space<vmem>>
            %dma_start3A_132 = tpu.memref_squeeze %dma_start3A_131 : memref<1x128xi32, #tpu.memory_space<vmem>> -> memref<128xi32, #tpu.memory_space<vmem>>
            %dma_start3A_133 = arith.constant 0 : i32
            %dma_start3A_134 = arith.constant 0 : i32
            %dma_start3A_135 = tpu.memref_slice %arg2[%dma_start3A_133, %dma_start3A_134] : memref<10240x128xf32, #tpu.memory_space<hbm>> -> memref<10240x128xf32, #tpu.memory_space<hbm>>
            tpu.enqueue_indirect_dma source(%dma_start3A_135 : memref<10240x128xf32, #tpu.memory_space<hbm>>) target(%arg7 : memref<128x128xf32, #tpu.memory_space<vmem>>) offsets(%dma_start3A_132 : memref<128xi32, #tpu.memory_space<vmem>>) semaphore(%arg11 : memref<!tpu.dma_semaphore, #tpu.memory_space<semaphore_mem>>)
          } else {
          }
          %dma_wait3A = arith.constant 0 : i32
          %dma_wait3A_125 = tpu.memref_slice %arg5[%mul3A_91, %dma_wait3A] : memref<16x128xi32, #tpu.memory_space<vmem>> -> memref<1x128xi32, #tpu.memory_space<vmem>>
          %dma_wait3A_126 = tpu.memref_squeeze %dma_wait3A_125 : memref<1x128xi32, #tpu.memory_space<vmem>> -> memref<128xi32, #tpu.memory_space<vmem>>
          %dma_wait3A_127 = arith.constant 0 : i32
          %dma_wait3A_128 = arith.constant 0 : i32
          %dma_wait3A_129 = tpu.memref_slice %arg2[%dma_wait3A_127, %dma_wait3A_128] : memref<10240x128xf32, #tpu.memory_space<hbm>> -> memref<10240x128xf32, #tpu.memory_space<hbm>>
          tpu.wait_indirect_dma semaphore(%arg10 : memref<!tpu.dma_semaphore, #tpu.memory_space<semaphore_mem>>) src(%dma_wait3A_129 : memref<10240x128xf32, #tpu.memory_space<hbm>>) dst(%arg6 : memref<128x128xf32, #tpu.memory_space<vmem>>)
          "tpu.region"() ({
            %run_scoped3A = tpu.sem_alloc : memref<!tpu.dma_semaphore, #tpu.memory_space<semaphore_mem>>
            %dma_start3A_130 = arith.constant 0 : i32
            %dma_start3A_131 = tpu.memref_slice %arg5[%add3A_111, %dma_start3A_130] : memref<16x128xi32, #tpu.memory_space<vmem>> -> memref<1x128xi32, #tpu.memory_space<vmem>>
            %dma_start3A_132 = tpu.memref_squeeze %dma_start3A_131 : memref<1x128xi32, #tpu.memory_space<vmem>> -> memref<128xi32, #tpu.memory_space<vmem>>
            %dma_start3A_133 = arith.constant 0 : i32
            %dma_start3A_134 = arith.constant 0 : i32
            %dma_start3A_135 = tpu.memref_slice %arg8[%dma_start3A_133, %dma_start3A_134] : memref<10240x128xf32, #tpu.memory_space<vmem_shared>> -> memref<10240x128xf32, #tpu.memory_space<vmem_shared>>
            tpu.enqueue_indirect_dma source(%arg6 : memref<128x128xf32, #tpu.memory_space<vmem>>) target(%dma_start3A_135 : memref<10240x128xf32, #tpu.memory_space<vmem_shared>>) offsets(%dma_start3A_132 : memref<128xi32, #tpu.memory_space<vmem>>) semaphore(%run_scoped3A : memref<!tpu.dma_semaphore, #tpu.memory_space<semaphore_mem>>) {add = true}
            %dma_wait3A_136 = arith.constant 0 : i32
            %dma_wait3A_137 = tpu.memref_slice %arg5[%add3A_111, %dma_wait3A_136] : memref<16x128xi32, #tpu.memory_space<vmem>> -> memref<1x128xi32, #tpu.memory_space<vmem>>
            %dma_wait3A_138 = tpu.memref_squeeze %dma_wait3A_137 : memref<1x128xi32, #tpu.memory_space<vmem>> -> memref<128xi32, #tpu.memory_space<vmem>>
            %dma_wait3A_139 = arith.constant 0 : i32
            %dma_wait3A_140 = arith.constant 0 : i32
            %dma_wait3A_141 = tpu.memref_slice %arg8[%dma_wait3A_139, %dma_wait3A_140] : memref<10240x128xf32, #tpu.memory_space<vmem_shared>> -> memref<10240x128xf32, #tpu.memory_space<vmem_shared>>
            tpu.wait_indirect_dma semaphore(%run_scoped3A : memref<!tpu.dma_semaphore, #tpu.memory_space<semaphore_mem>>) src(%arg6 : memref<128x128xf32, #tpu.memory_space<vmem>>) dst(%dma_wait3A_141 : memref<10240x128xf32, #tpu.memory_space<vmem_shared>>)
            tpu.yield
          }) : () -> ()
        } else {
        }
        %not3A = arith.constant true
        %not3A_115 = arith.xori %eq3A_71, %not3A : i1
        %convert_element_type3A_116 = arith.extui %not3A_115 : i1 to i32
        %cond3A_117 = arith.constant 0 : i32
        %cond3A_118 = arith.cmpi ne, %convert_element_type3A_116, %cond3A_117 : i32
        scf.if %cond3A_118 {
          %add3A_119 = arith.constant 1 : i32
          %add3A_120 = arith.addi %add3A_41, %add3A_119 : i32
          %lt3A_121 = arith.cmpi slt, %add3A_120, %select_n3A_8 : i32
          %convert_element_type3A_122 = arith.extui %lt3A_121 : i1 to i32
          %cond3A_123 = arith.constant 0 : i32
          %cond3A_124 = arith.cmpi ne, %convert_element_type3A_122, %cond3A_123 : i32
          scf.if %cond3A_124 {
            %dma_start3A_130 = arith.constant 0 : i32
            %dma_start3A_131 = tpu.memref_slice %arg5[%mul3A_91, %dma_start3A_130] : memref<16x128xi32, #tpu.memory_space<vmem>> -> memref<1x128xi32, #tpu.memory_space<vmem>>
            %dma_start3A_132 = tpu.memref_squeeze %dma_start3A_131 : memref<1x128xi32, #tpu.memory_space<vmem>> -> memref<128xi32, #tpu.memory_space<vmem>>
            %dma_start3A_133 = arith.constant 0 : i32
            %dma_start3A_134 = arith.constant 0 : i32
            %dma_start3A_135 = tpu.memref_slice %arg2[%dma_start3A_133, %dma_start3A_134] : memref<10240x128xf32, #tpu.memory_space<hbm>> -> memref<10240x128xf32, #tpu.memory_space<hbm>>
            tpu.enqueue_indirect_dma source(%dma_start3A_135 : memref<10240x128xf32, #tpu.memory_space<hbm>>) target(%arg6 : memref<128x128xf32, #tpu.memory_space<vmem>>) offsets(%dma_start3A_132 : memref<128xi32, #tpu.memory_space<vmem>>) semaphore(%arg10 : memref<!tpu.dma_semaphore, #tpu.memory_space<semaphore_mem>>)
          } else {
          }
          %dma_wait3A = arith.constant 0 : i32
          %dma_wait3A_125 = tpu.memref_slice %arg5[%mul3A_91, %dma_wait3A] : memref<16x128xi32, #tpu.memory_space<vmem>> -> memref<1x128xi32, #tpu.memory_space<vmem>>
          %dma_wait3A_126 = tpu.memref_squeeze %dma_wait3A_125 : memref<1x128xi32, #tpu.memory_space<vmem>> -> memref<128xi32, #tpu.memory_space<vmem>>
          %dma_wait3A_127 = arith.constant 0 : i32
          %dma_wait3A_128 = arith.constant 0 : i32
          %dma_wait3A_129 = tpu.memref_slice %arg2[%dma_wait3A_127, %dma_wait3A_128] : memref<10240x128xf32, #tpu.memory_space<hbm>> -> memref<10240x128xf32, #tpu.memory_space<hbm>>
          tpu.wait_indirect_dma semaphore(%arg11 : memref<!tpu.dma_semaphore, #tpu.memory_space<semaphore_mem>>) src(%dma_wait3A_129 : memref<10240x128xf32, #tpu.memory_space<hbm>>) dst(%arg7 : memref<128x128xf32, #tpu.memory_space<vmem>>)
          "tpu.region"() ({
            %run_scoped3A = tpu.sem_alloc : memref<!tpu.dma_semaphore, #tpu.memory_space<semaphore_mem>>
            %dma_start3A_130 = arith.constant 0 : i32
            %dma_start3A_131 = tpu.memref_slice %arg5[%add3A_111, %dma_start3A_130] : memref<16x128xi32, #tpu.memory_space<vmem>> -> memref<1x128xi32, #tpu.memory_space<vmem>>
            %dma_start3A_132 = tpu.memref_squeeze %dma_start3A_131 : memref<1x128xi32, #tpu.memory_space<vmem>> -> memref<128xi32, #tpu.memory_space<vmem>>
            %dma_start3A_133 = arith.constant 0 : i32
            %dma_start3A_134 = arith.constant 0 : i32
            %dma_start3A_135 = tpu.memref_slice %arg8[%dma_start3A_133, %dma_start3A_134] : memref<10240x128xf32, #tpu.memory_space<vmem_shared>> -> memref<10240x128xf32, #tpu.memory_space<vmem_shared>>
            tpu.enqueue_indirect_dma source(%arg7 : memref<128x128xf32, #tpu.memory_space<vmem>>) target(%dma_start3A_135 : memref<10240x128xf32, #tpu.memory_space<vmem_shared>>) offsets(%dma_start3A_132 : memref<128xi32, #tpu.memory_space<vmem>>) semaphore(%run_scoped3A : memref<!tpu.dma_semaphore, #tpu.memory_space<semaphore_mem>>) {add = true}
            %dma_wait3A_136 = arith.constant 0 : i32
            %dma_wait3A_137 = tpu.memref_slice %arg5[%add3A_111, %dma_wait3A_136] : memref<16x128xi32, #tpu.memory_space<vmem>> -> memref<1x128xi32, #tpu.memory_space<vmem>>
            %dma_wait3A_138 = tpu.memref_squeeze %dma_wait3A_137 : memref<1x128xi32, #tpu.memory_space<vmem>> -> memref<128xi32, #tpu.memory_space<vmem>>
            %dma_wait3A_139 = arith.constant 0 : i32
            %dma_wait3A_140 = arith.constant 0 : i32
            %dma_wait3A_141 = tpu.memref_slice %arg8[%dma_wait3A_139, %dma_wait3A_140] : memref<10240x128xf32, #tpu.memory_space<vmem_shared>> -> memref<10240x128xf32, #tpu.memory_space<vmem_shared>>
            tpu.wait_indirect_dma semaphore(%run_scoped3A : memref<!tpu.dma_semaphore, #tpu.memory_space<semaphore_mem>>) src(%arg7 : memref<128x128xf32, #tpu.memory_space<vmem>>) dst(%dma_wait3A_141 : memref<10240x128xf32, #tpu.memory_space<vmem_shared>>)
            tpu.yield
          }) : () -> ()
        } else {
        }
      } else {
      }
    }
    %scan3A_30 = arith.constant 79 : i32
    %barrier3A_31 = arith.constant 0 : index
    tpu.barrier barrier_id(%barrier3A_31)
    %scan3A_32 = arith.constant 0 : i32
    %scan3A_33 = arith.constant 5 : i32
    %scan3A_34 = arith.addi %scan3A_32, %scan3A_33 : i32
    %scan3A_35 = arith.constant 1 : i32
    scf.for %scan3A_37 = %scan3A_32 to %scan3A_34 step %scan3A_35  : i32 {
      %mul3A_38 = arith.constant 1 : i32
      %mul3A_39 = arith.muli %scan3A_37, %mul3A_38 : i32
      %add3A_40 = arith.constant 0 : i32
      %add3A_41 = arith.addi %add3A_40, %mul3A_39 : i32
      %mul3A_42 = arith.constant 640 : i32
      %mul3A_43 = arith.muli %arg1, %mul3A_42 : i32
      %mul3A_44 = arith.constant 128 : i32
      %mul3A_45 = arith.muli %add3A_41, %mul3A_44 : i32
      %add3A_46 = arith.addi %mul3A_43, %mul3A_45 : i32
      "tpu.region"() ({
        %run_scoped3A = tpu.sem_alloc : memref<!tpu.dma_semaphore, #tpu.memory_space<semaphore_mem>>
        %dma_start3A_47 = arith.constant 0 : i32
        %dma_start3A_48 = tpu.memref_slice %arg4[%arg0, %add3A_46, %dma_start3A_47] : memref<2x10240x128xf32, #tpu.memory_space<hbm>> -> memref<1x128x128xf32, #tpu.memory_space<hbm>>
        %dma_start3A_49 = tpu.memref_squeeze %dma_start3A_48 : memref<1x128x128xf32, #tpu.memory_space<hbm>> -> memref<128x128xf32, #tpu.memory_space<hbm>>
        %dma_start3A_50 = arith.constant 0 : i32
        %dma_start3A_51 = tpu.memref_slice %arg8[%add3A_46, %dma_start3A_50] : memref<10240x128xf32, #tpu.memory_space<vmem_shared>> -> memref<128x128xf32, #tpu.memory_space<vmem_shared>>
        tpu.enqueue_dma source(%dma_start3A_51 : memref<128x128xf32, #tpu.memory_space<vmem_shared>>) target(%dma_start3A_49 : memref<128x128xf32, #tpu.memory_space<hbm>>) target_semaphore(%run_scoped3A : memref<!tpu.dma_semaphore, #tpu.memory_space<semaphore_mem>>)
        %dma_wait3A = arith.constant 0 : i32
        %dma_wait3A_52 = tpu.memref_slice %arg4[%arg0, %add3A_46, %dma_wait3A] : memref<2x10240x128xf32, #tpu.memory_space<hbm>> -> memref<1x128x128xf32, #tpu.memory_space<hbm>>
        %dma_wait3A_53 = tpu.memref_squeeze %dma_wait3A_52 : memref<1x128x128xf32, #tpu.memory_space<hbm>> -> memref<128x128xf32, #tpu.memory_space<hbm>>
        %dma_wait3A_54 = arith.constant 0 : i32
        %dma_wait3A_55 = tpu.memref_slice %arg8[%add3A_46, %dma_wait3A_54] : memref<10240x128xf32, #tpu.memory_space<vmem_shared>> -> memref<128x128xf32, #tpu.memory_space<vmem_shared>>
        tpu.wait_dma2 semaphore(%run_scoped3A : memref<!tpu.dma_semaphore, #tpu.memory_space<semaphore_mem>>) src(%dma_wait3A_55 : memref<128x128xf32, #tpu.memory_space<vmem_shared>>) dst(%dma_wait3A_53 : memref<128x128xf32, #tpu.memory_space<hbm>>)
        tpu.yield
      }) : () -> ()
    }
    %scan3A_36 = arith.constant 5 : i32
    return
  }
}

#map = affine_map<(d0, d1) -> (0, 0, 0)>
module attributes {stable_mosaic.version = 14 : i64} {
  func.func @_deg_kernel(%arg0: i32, %arg1: i32, %arg2: memref<32x79x128xi32, #tpu.memory_space<hbm>>, %arg3: memref<2x10240x16xf32, #tpu.memory_space<hbm>>, %arg4: memref<79x128xi32, #tpu.memory_space<vmem>>, %arg5: memref<128x16xf32, #tpu.memory_space<vmem>>, %arg6: memref<128x16xf32, #tpu.memory_space<vmem>>, %arg7: memref<10240x16xf32, #tpu.memory_space<vmem_shared>>, %arg8: memref<!tpu.dma_semaphore, #tpu.memory_space<semaphore_mem>>) attributes {dimension_semantics = [#tpu.dimension_semantics<core_parallel>, #tpu.dimension_semantics<subcore_parallel>], iteration_bounds = array<i64: 2, 16>, scalar_prefetch = 0 : i64, scratch_operands = 5 : i64, tpu.core_type = #tpu.core_type<sc_vector_subcore>, window_params = [{transform_indices = #map}, {transform_indices = #map}]} {
    %mul3A = arith.constant 16 : i32
    %mul3A_0 = arith.muli %arg0, %mul3A : i32
    %add3A = arith.addi %mul3A_0, %arg1 : i32
    "tpu.region"() ({
      %run_scoped3A = tpu.sem_alloc : memref<!tpu.dma_semaphore, #tpu.memory_space<semaphore_mem>>
      %dma_start3A = arith.constant 0 : i32
      %dma_start3A_26 = arith.constant 0 : i32
      %dma_start3A_27 = tpu.memref_slice %arg2[%add3A, %dma_start3A, %dma_start3A_26] : memref<32x79x128xi32, #tpu.memory_space<hbm>> -> memref<1x79x128xi32, #tpu.memory_space<hbm>>
      %dma_start3A_28 = tpu.memref_squeeze %dma_start3A_27 : memref<1x79x128xi32, #tpu.memory_space<hbm>> -> memref<79x128xi32, #tpu.memory_space<hbm>>
      %dma_start3A_29 = arith.constant 0 : i32
      %dma_start3A_30 = arith.constant 0 : i32
      %dma_start3A_31 = tpu.memref_slice %arg2[%add3A, %dma_start3A_29, %dma_start3A_30] : memref<32x79x128xi32, #tpu.memory_space<hbm>> -> memref<1x79x128xi32, #tpu.memory_space<hbm>>
      %dma_start3A_32 = tpu.memref_squeeze %dma_start3A_31 : memref<1x79x128xi32, #tpu.memory_space<hbm>> -> memref<79x128xi32, #tpu.memory_space<hbm>>
      tpu.enqueue_dma source(%dma_start3A_32 : memref<79x128xi32, #tpu.memory_space<hbm>>) target(%arg4 : memref<79x128xi32, #tpu.memory_space<vmem>>) target_semaphore(%run_scoped3A : memref<!tpu.dma_semaphore, #tpu.memory_space<semaphore_mem>>)
      %dma_wait3A = arith.constant 0 : i32
      %dma_wait3A_33 = arith.constant 0 : i32
      %dma_wait3A_34 = tpu.memref_slice %arg2[%add3A, %dma_wait3A, %dma_wait3A_33] : memref<32x79x128xi32, #tpu.memory_space<hbm>> -> memref<1x79x128xi32, #tpu.memory_space<hbm>>
      %dma_wait3A_35 = tpu.memref_squeeze %dma_wait3A_34 : memref<1x79x128xi32, #tpu.memory_space<hbm>> -> memref<79x128xi32, #tpu.memory_space<hbm>>
      %dma_wait3A_36 = arith.constant 0 : i32
      %dma_wait3A_37 = arith.constant 0 : i32
      %dma_wait3A_38 = tpu.memref_slice %arg2[%add3A, %dma_wait3A_36, %dma_wait3A_37] : memref<32x79x128xi32, #tpu.memory_space<hbm>> -> memref<1x79x128xi32, #tpu.memory_space<hbm>>
      %dma_wait3A_39 = tpu.memref_squeeze %dma_wait3A_38 : memref<1x79x128xi32, #tpu.memory_space<hbm>> -> memref<79x128xi32, #tpu.memory_space<hbm>>
      tpu.wait_dma2 semaphore(%run_scoped3A : memref<!tpu.dma_semaphore, #tpu.memory_space<semaphore_mem>>) src(%dma_wait3A_39 : memref<79x128xi32, #tpu.memory_space<hbm>>) dst(%arg4 : memref<79x128xi32, #tpu.memory_space<vmem>>)
      tpu.yield
    }) : () -> ()
    %scan3A = arith.constant 0 : i32
    %scan3A_1 = arith.constant 128 : i32
    %scan3A_2 = arith.addi %scan3A, %scan3A_1 : i32
    %scan3A_3 = arith.constant 1 : i32
    scf.for %scan3A_26 = %scan3A to %scan3A_2 step %scan3A_3  : i32 {
      %mul3A_27 = arith.constant 1 : i32
      %mul3A_28 = arith.muli %scan3A_26, %mul3A_27 : i32
      %add3A_29 = arith.constant 0 : i32
      %add3A_30 = arith.addi %add3A_29, %mul3A_28 : i32
      %scan3A_31 = arith.constant 0 : i32
      %mul3A_32 = arith.constant 1 : i32
      %mul3A_33 = arith.muli %scan3A_31, %mul3A_32 : i32
      %add3A_34 = arith.constant 0 : i32
      %add3A_35 = arith.addi %add3A_34, %mul3A_33 : i32
      %broadcast_in_dim3A = arith.constant 0.000000e+00 : f32
      %broadcast_in_dim3A_36 = vector.broadcast %broadcast_in_dim3A : f32 to vector<16xf32>
      %mul3A_37 = arith.constant 16 : i32
      %mul3A_38 = arith.muli %add3A_35, %mul3A_37 : i32
      %swap3A = arith.index_cast %add3A_30 : i32 to index
      %swap3A_39 = arith.index_cast %mul3A_38 : i32 to index
      %swap3A_40 = tpu.vector_load %arg6[%swap3A, %swap3A_39] {strides = array<i32>} : memref<128x16xf32, #tpu.memory_space<vmem>>, vector<1x16xf32>,
      %swap3A_41 = vector.shape_cast %swap3A_40 : vector<1x16xf32> to vector<16xf32>
      %swap3A_42 = vector.shape_cast %broadcast_in_dim3A_36 : vector<16xf32> to vector<1x16xf32>
      tpu.vector_store %arg6[%swap3A, %swap3A_39], %swap3A_42 {strides = array<i32>} : memref<128x16xf32, #tpu.memory_space<vmem>>, vector<1x16xf32>,
      %scan3A_43 = arith.constant 1 : i32
    }
    %scan3A_4 = arith.constant 128 : i32
    %scan3A_5 = arith.constant 0 : i32
    %scan3A_6 = arith.constant 128 : i32
    %scan3A_7 = arith.addi %scan3A_5, %scan3A_6 : i32
    %scan3A_8 = arith.constant 1 : i32
    scf.for %scan3A_26 = %scan3A_5 to %scan3A_7 step %scan3A_8  : i32 {
      %mul3A_27 = arith.constant 1 : i32
      %mul3A_28 = arith.muli %scan3A_26, %mul3A_27 : i32
      %add3A_29 = arith.constant 0 : i32
      %add3A_30 = arith.addi %add3A_29, %mul3A_28 : i32
      %broadcast_in_dim3A = arith.constant 1.000000e+00 : f32
      %broadcast_in_dim3A_31 = vector.broadcast %broadcast_in_dim3A : f32 to vector<16xf32>
      %swap3A = arith.index_cast %add3A_30 : i32 to index
      %swap3A_32 = arith.constant 0 : index
      %swap3A_33 = tpu.vector_load %arg5[%swap3A, %swap3A_32] {strides = array<i32>} : memref<128x16xf32, #tpu.memory_space<vmem>>, vector<1x16xf32>,
      %swap3A_34 = vector.shape_cast %swap3A_33 : vector<1x16xf32> to vector<16xf32>
      %swap3A_35 = vector.shape_cast %broadcast_in_dim3A_31 : vector<16xf32> to vector<1x16xf32>
      tpu.vector_store %arg5[%swap3A, %swap3A_32], %swap3A_35 {strides = array<i32>} : memref<128x16xf32, #tpu.memory_space<vmem>>, vector<1x16xf32>,
    }
    %scan3A_9 = arith.constant 128 : i32
    %scan3A_10 = arith.constant 0 : i32
    %scan3A_11 = arith.constant 5 : i32
    %scan3A_12 = arith.addi %scan3A_10, %scan3A_11 : i32
    %scan3A_13 = arith.constant 1 : i32
    scf.for %scan3A_26 = %scan3A_10 to %scan3A_12 step %scan3A_13  : i32 {
      %mul3A_27 = arith.constant 1 : i32
      %mul3A_28 = arith.muli %scan3A_26, %mul3A_27 : i32
      %add3A_29 = arith.constant 0 : i32
      %add3A_30 = arith.addi %add3A_29, %mul3A_28 : i32
      %mul3A_31 = arith.constant 640 : i32
      %mul3A_32 = arith.muli %arg1, %mul3A_31 : i32
      %mul3A_33 = arith.constant 128 : i32
      %mul3A_34 = arith.muli %add3A_30, %mul3A_33 : i32
      %add3A_35 = arith.addi %mul3A_32, %mul3A_34 : i32
      "tpu.region"() ({
        %run_scoped3A = tpu.sem_alloc : memref<!tpu.dma_semaphore, #tpu.memory_space<semaphore_mem>>
        %dma_start3A = arith.constant 0 : i32
        %dma_start3A_36 = tpu.memref_slice %arg7[%add3A_35, %dma_start3A] : memref<10240x16xf32, #tpu.memory_space<vmem_shared>> -> memref<128x16xf32, #tpu.memory_space<vmem_shared>>
        %dma_start3A_37 = arith.constant 0 : i32
        %dma_start3A_38 = tpu.memref_slice %arg7[%add3A_35, %dma_start3A_37] : memref<10240x16xf32, #tpu.memory_space<vmem_shared>> -> memref<128x16xf32, #tpu.memory_space<vmem_shared>>
        tpu.enqueue_dma source(%arg6 : memref<128x16xf32, #tpu.memory_space<vmem>>) target(%dma_start3A_38 : memref<128x16xf32, #tpu.memory_space<vmem_shared>>) target_semaphore(%run_scoped3A : memref<!tpu.dma_semaphore, #tpu.memory_space<semaphore_mem>>)
        %dma_wait3A = arith.constant 0 : i32
        %dma_wait3A_39 = tpu.memref_slice %arg7[%add3A_35, %dma_wait3A] : memref<10240x16xf32, #tpu.memory_space<vmem_shared>> -> memref<128x16xf32, #tpu.memory_space<vmem_shared>>
        %dma_wait3A_40 = arith.constant 0 : i32
        %dma_wait3A_41 = tpu.memref_slice %arg7[%add3A_35, %dma_wait3A_40] : memref<10240x16xf32, #tpu.memory_space<vmem_shared>> -> memref<128x16xf32, #tpu.memory_space<vmem_shared>>
        tpu.wait_dma2 semaphore(%run_scoped3A : memref<!tpu.dma_semaphore, #tpu.memory_space<semaphore_mem>>) src(%arg6 : memref<128x16xf32, #tpu.memory_space<vmem>>) dst(%dma_wait3A_41 : memref<128x16xf32, #tpu.memory_space<vmem_shared>>)
        tpu.yield
      }) : () -> ()
    }
    %scan3A_14 = arith.constant 5 : i32
    %barrier3A = arith.constant 0 : index
    tpu.barrier barrier_id(%barrier3A)
    %scan3A_15 = arith.constant 0 : i32
    %scan3A_16 = arith.constant 79 : i32
    %scan3A_17 = arith.addi %scan3A_15, %scan3A_16 : i32
    %scan3A_18 = arith.constant 1 : i32
    scf.for %scan3A_26 = %scan3A_15 to %scan3A_17 step %scan3A_18  : i32 {
      %mul3A_27 = arith.constant 1 : i32
      %mul3A_28 = arith.muli %scan3A_26, %mul3A_27 : i32
      %add3A_29 = arith.constant 0 : i32
      %add3A_30 = arith.addi %add3A_29, %mul3A_28 : i32
      "tpu.region"() ({
        %run_scoped3A = tpu.sem_alloc : memref<!tpu.dma_semaphore, #tpu.memory_space<semaphore_mem>>
        %dma_start3A = arith.constant 0 : i32
        %dma_start3A_31 = tpu.memref_slice %arg4[%add3A_30, %dma_start3A] : memref<79x128xi32, #tpu.memory_space<vmem>> -> memref<1x128xi32, #tpu.memory_space<vmem>>
        %dma_start3A_32 = tpu.memref_squeeze %dma_start3A_31 : memref<1x128xi32, #tpu.memory_space<vmem>> -> memref<128xi32, #tpu.memory_space<vmem>>
        %dma_start3A_33 = arith.constant 0 : i32
        %dma_start3A_34 = arith.constant 0 : i32
        %dma_start3A_35 = tpu.memref_slice %arg7[%dma_start3A_33, %dma_start3A_34] : memref<10240x16xf32, #tpu.memory_space<vmem_shared>> -> memref<10240x16xf32, #tpu.memory_space<vmem_shared>>
        tpu.enqueue_indirect_dma source(%arg5 : memref<128x16xf32, #tpu.memory_space<vmem>>) target(%dma_start3A_35 : memref<10240x16xf32, #tpu.memory_space<vmem_shared>>) offsets(%dma_start3A_32 : memref<128xi32, #tpu.memory_space<vmem>>) semaphore(%run_scoped3A : memref<!tpu.dma_semaphore, #tpu.memory_space<semaphore_mem>>) {add = true}
        %dma_wait3A = arith.constant 0 : i32
        %dma_wait3A_36 = tpu.memref_slice %arg4[%add3A_30, %dma_wait3A] : memref<79x128xi32, #tpu.memory_space<vmem>> -> memref<1x128xi32, #tpu.memory_space<vmem>>
        %dma_wait3A_37 = tpu.memref_squeeze %dma_wait3A_36 : memref<1x128xi32, #tpu.memory_space<vmem>> -> memref<128xi32, #tpu.memory_space<vmem>>
        %dma_wait3A_38 = arith.constant 0 : i32
        %dma_wait3A_39 = arith.constant 0 : i32
        %dma_wait3A_40 = tpu.memref_slice %arg7[%dma_wait3A_38, %dma_wait3A_39] : memref<10240x16xf32, #tpu.memory_space<vmem_shared>> -> memref<10240x16xf32, #tpu.memory_space<vmem_shared>>
        tpu.wait_indirect_dma semaphore(%run_scoped3A : memref<!tpu.dma_semaphore, #tpu.memory_space<semaphore_mem>>) src(%arg5 : memref<128x16xf32, #tpu.memory_space<vmem>>) dst(%dma_wait3A_40 : memref<10240x16xf32, #tpu.memory_space<vmem_shared>>)
        tpu.yield
      }) : () -> ()
    }
    %scan3A_19 = arith.constant 79 : i32
    %barrier3A_20 = arith.constant 0 : index
    tpu.barrier barrier_id(%barrier3A_20)
    %scan3A_21 = arith.constant 0 : i32
    %scan3A_22 = arith.constant 5 : i32
    %scan3A_23 = arith.addi %scan3A_21, %scan3A_22 : i32
    %scan3A_24 = arith.constant 1 : i32
    scf.for %scan3A_26 = %scan3A_21 to %scan3A_23 step %scan3A_24  : i32 {
      %mul3A_27 = arith.constant 1 : i32
      %mul3A_28 = arith.muli %scan3A_26, %mul3A_27 : i32
      %add3A_29 = arith.constant 0 : i32
      %add3A_30 = arith.addi %add3A_29, %mul3A_28 : i32
      %mul3A_31 = arith.constant 640 : i32
      %mul3A_32 = arith.muli %arg1, %mul3A_31 : i32
      %mul3A_33 = arith.constant 128 : i32
      %mul3A_34 = arith.muli %add3A_30, %mul3A_33 : i32
      %add3A_35 = arith.addi %mul3A_32, %mul3A_34 : i32
      "tpu.region"() ({
        %run_scoped3A = tpu.sem_alloc : memref<!tpu.dma_semaphore, #tpu.memory_space<semaphore_mem>>
        %dma_start3A = arith.constant 0 : i32
        %dma_start3A_36 = tpu.memref_slice %arg3[%arg0, %add3A_35, %dma_start3A] : memref<2x10240x16xf32, #tpu.memory_space<hbm>> -> memref<1x128x16xf32, #tpu.memory_space<hbm>>
        %dma_start3A_37 = tpu.memref_squeeze %dma_start3A_36 : memref<1x128x16xf32, #tpu.memory_space<hbm>> -> memref<128x16xf32, #tpu.memory_space<hbm>>
        %dma_start3A_38 = arith.constant 0 : i32
        %dma_start3A_39 = tpu.memref_slice %arg7[%add3A_35, %dma_start3A_38] : memref<10240x16xf32, #tpu.memory_space<vmem_shared>> -> memref<128x16xf32, #tpu.memory_space<vmem_shared>>
        tpu.enqueue_dma source(%dma_start3A_39 : memref<128x16xf32, #tpu.memory_space<vmem_shared>>) target(%dma_start3A_37 : memref<128x16xf32, #tpu.memory_space<hbm>>) target_semaphore(%run_scoped3A : memref<!tpu.dma_semaphore, #tpu.memory_space<semaphore_mem>>)
        %dma_wait3A = arith.constant 0 : i32
        %dma_wait3A_40 = tpu.memref_slice %arg3[%arg0, %add3A_35, %dma_wait3A] : memref<2x10240x16xf32, #tpu.memory_space<hbm>> -> memref<1x128x16xf32, #tpu.memory_space<hbm>>
        %dma_wait3A_41 = tpu.memref_squeeze %dma_wait3A_40 : memref<1x128x16xf32, #tpu.memory_space<hbm>> -> memref<128x16xf32, #tpu.memory_space<hbm>>
        %dma_wait3A_42 = arith.constant 0 : i32
        %dma_wait3A_43 = tpu.memref_slice %arg7[%add3A_35, %dma_wait3A_42] : memref<10240x16xf32, #tpu.memory_space<vmem_shared>> -> memref<128x16xf32, #tpu.memory_space<vmem_shared>>
        tpu.wait_dma2 semaphore(%run_scoped3A : memref<!tpu.dma_semaphore, #tpu.memory_space<semaphore_mem>>) src(%dma_wait3A_43 : memref<128x16xf32, #tpu.memory_space<vmem_shared>>) dst(%dma_wait3A_41 : memref<128x16xf32, #tpu.memory_space<hbm>>)
        tpu.yield
      }) : () -> ()
    }
    %scan3A_25 = arith.constant 5 : i32
    return
  }
}

#map = affine_map<(d0, d1) -> (0, 0)>
#map1 = affine_map<(d0, d1) -> (0, 0, 0)>
module attributes {stable_mosaic.version = 14 : i64} {
  func.func @_agg_kernel(%arg0: i32, %arg1: i32, %arg2: memref<10240x128xf32, #tpu.memory_space<hbm>>, %arg3: memref<2528x2x128xi32, #tpu.memory_space<hbm>>, %arg4: memref<2x10240x128xf32, #tpu.memory_space<hbm>>, %arg5: memref<16x128xi32, #tpu.memory_space<vmem>>, %arg6: memref<128x128xf32, #tpu.memory_space<vmem>>, %arg7: memref<128x128xf32, #tpu.memory_space<vmem>>, %arg8: memref<10240x128xf32, #tpu.memory_space<vmem_shared>>, %arg9: memref<!tpu.dma_semaphore, #tpu.memory_space<semaphore_mem>>, %arg10: memref<!tpu.dma_semaphore, #tpu.memory_space<semaphore_mem>>, %arg11: memref<!tpu.dma_semaphore, #tpu.memory_space<semaphore_mem>>) attributes {dimension_semantics = [#tpu.dimension_semantics<core_parallel>, #tpu.dimension_semantics<subcore_parallel>], iteration_bounds = array<i64: 2, 16>, scalar_prefetch = 0 : i64, scratch_operands = 7 : i64, tpu.core_type = #tpu.core_type<sc_vector_subcore>, window_params = [{transform_indices = #map}, {transform_indices = #map1}, {transform_indices = #map1}]} {
    %eq3A = arith.constant 0 : i32
    %eq3A_0 = arith.cmpi eq, %arg0, %eq3A : i32
    %mul3A = arith.constant 79 : i32
    %mul3A_1 = arith.muli %arg1, %mul3A : i32
    %mul3A_2 = arith.constant 79 : i32
    %mul3A_3 = arith.muli %arg1, %mul3A_2 : i32
    %add3A = arith.constant 1264 : i32
    %add3A_4 = arith.addi %add3A, %mul3A_3 : i32
    %select_n3A = arith.select %eq3A_0, %mul3A_1, %add3A_4 : i32
    %eq3A_5 = arith.constant 0 : i32
    %eq3A_6 = arith.cmpi eq, %arg0, %eq3A_5 : i32
    %jit3A = arith.constant 79 : i32
    %jit3A_7 = arith.constant 79 : i32
    %select_n3A_8 = arith.select %eq3A_6, %jit3A, %jit3A_7 : i32
    %scan3A = arith.constant 0 : i32
    %scan3A_9 = arith.constant 128 : i32
    %scan3A_10 = arith.addi %scan3A, %scan3A_9 : i32
    %scan3A_11 = arith.constant 1 : i32
    scf.for %scan3A_37 = %scan3A to %scan3A_10 step %scan3A_11  : i32 {
      %mul3A_38 = arith.constant 1 : i32
      %mul3A_39 = arith.muli %scan3A_37, %mul3A_38 : i32
      %add3A_40 = arith.constant 0 : i32
      %add3A_41 = arith.addi %add3A_40, %mul3A_39 : i32
      %scan3A_42 = arith.constant 0 : i32
      %scan3A_43 = arith.constant 8 : i32
      %scan3A_44 = arith.addi %scan3A_42, %scan3A_43 : i32
      %scan3A_45 = arith.constant 1 : i32
      scf.for %scan3A_47 = %scan3A_42 to %scan3A_44 step %scan3A_45  : i32 {
        %mul3A_48 = arith.constant 1 : i32
        %mul3A_49 = arith.muli %scan3A_47, %mul3A_48 : i32
        %add3A_50 = arith.constant 0 : i32
        %add3A_51 = arith.addi %add3A_50, %mul3A_49 : i32
        %broadcast_in_dim3A = arith.constant 0.000000e+00 : f32
        %broadcast_in_dim3A_52 = vector.broadcast %broadcast_in_dim3A : f32 to vector<16xf32>
        %mul3A_53 = arith.constant 16 : i32
        %mul3A_54 = arith.muli %add3A_51, %mul3A_53 : i32
        %swap3A = arith.index_cast %add3A_41 : i32 to index
        %swap3A_55 = arith.index_cast %mul3A_54 : i32 to index
        %swap3A_56 = tpu.vector_load %arg6[%swap3A, %swap3A_55] {strides = array<i32>} : memref<128x128xf32, #tpu.memory_space<vmem>>, vector<1x16xf32>,
        %swap3A_57 = vector.shape_cast %swap3A_56 : vector<1x16xf32> to vector<16xf32>
        %swap3A_58 = vector.shape_cast %broadcast_in_dim3A_52 : vector<16xf32> to vector<1x16xf32>
        tpu.vector_store %arg6[%swap3A, %swap3A_55], %swap3A_58 {strides = array<i32>} : memref<128x128xf32, #tpu.memory_space<vmem>>, vector<1x16xf32>,
      }
      %scan3A_46 = arith.constant 8 : i32
    }
    %scan3A_12 = arith.constant 128 : i32
    %scan3A_13 = arith.constant 0 : i32
    %scan3A_14 = arith.constant 5 : i32
    %scan3A_15 = arith.addi %scan3A_13, %scan3A_14 : i32
    %scan3A_16 = arith.constant 1 : i32
    scf.for %scan3A_37 = %scan3A_13 to %scan3A_15 step %scan3A_16  : i32 {
      %mul3A_38 = arith.constant 1 : i32
      %mul3A_39 = arith.muli %scan3A_37, %mul3A_38 : i32
      %add3A_40 = arith.constant 0 : i32
      %add3A_41 = arith.addi %add3A_40, %mul3A_39 : i32
      %mul3A_42 = arith.constant 640 : i32
      %mul3A_43 = arith.muli %arg1, %mul3A_42 : i32
      %mul3A_44 = arith.constant 128 : i32
      %mul3A_45 = arith.muli %add3A_41, %mul3A_44 : i32
      %add3A_46 = arith.addi %mul3A_43, %mul3A_45 : i32
      "tpu.region"() ({
        %run_scoped3A = tpu.sem_alloc : memref<!tpu.dma_semaphore, #tpu.memory_space<semaphore_mem>>
        %dma_start3A_47 = arith.constant 0 : i32
        %dma_start3A_48 = tpu.memref_slice %arg8[%add3A_46, %dma_start3A_47] : memref<10240x128xf32, #tpu.memory_space<vmem_shared>> -> memref<128x128xf32, #tpu.memory_space<vmem_shared>>
        %dma_start3A_49 = arith.constant 0 : i32
        %dma_start3A_50 = tpu.memref_slice %arg8[%add3A_46, %dma_start3A_49] : memref<10240x128xf32, #tpu.memory_space<vmem_shared>> -> memref<128x128xf32, #tpu.memory_space<vmem_shared>>
        tpu.enqueue_dma source(%arg6 : memref<128x128xf32, #tpu.memory_space<vmem>>) target(%dma_start3A_50 : memref<128x128xf32, #tpu.memory_space<vmem_shared>>) target_semaphore(%run_scoped3A : memref<!tpu.dma_semaphore, #tpu.memory_space<semaphore_mem>>)
        %dma_wait3A = arith.constant 0 : i32
        %dma_wait3A_51 = tpu.memref_slice %arg8[%add3A_46, %dma_wait3A] : memref<10240x128xf32, #tpu.memory_space<vmem_shared>> -> memref<128x128xf32, #tpu.memory_space<vmem_shared>>
        %dma_wait3A_52 = arith.constant 0 : i32
        %dma_wait3A_53 = tpu.memref_slice %arg8[%add3A_46, %dma_wait3A_52] : memref<10240x128xf32, #tpu.memory_space<vmem_shared>> -> memref<128x128xf32, #tpu.memory_space<vmem_shared>>
        tpu.wait_dma2 semaphore(%run_scoped3A : memref<!tpu.dma_semaphore, #tpu.memory_space<semaphore_mem>>) src(%arg6 : memref<128x128xf32, #tpu.memory_space<vmem>>) dst(%dma_wait3A_53 : memref<128x128xf32, #tpu.memory_space<vmem_shared>>)
        tpu.yield
      }) : () -> ()
    }
    %scan3A_17 = arith.constant 5 : i32
    "tpu.region"() ({
      %run_scoped3A = tpu.sem_alloc : memref<!tpu.dma_semaphore, #tpu.memory_space<semaphore_mem>>
      %dma_start3A_37 = arith.constant 0 : i32
      %dma_start3A_38 = arith.constant 0 : i32
      %dma_start3A_39 = tpu.memref_slice %arg5[%dma_start3A_37, %dma_start3A_38] : memref<16x128xi32, #tpu.memory_space<vmem>> -> memref<2x128xi32, #tpu.memory_space<vmem>>
      %dma_start3A_40 = arith.constant 0 : i32
      %dma_start3A_41 = arith.constant 0 : i32
      %dma_start3A_42 = tpu.memref_slice %arg3[%select_n3A, %dma_start3A_40, %dma_start3A_41] : memref<2528x2x128xi32, #tpu.memory_space<hbm>> -> memref<1x2x128xi32, #tpu.memory_space<hbm>>
      %dma_start3A_43 = tpu.memref_squeeze %dma_start3A_42 : memref<1x2x128xi32, #tpu.memory_space<hbm>> -> memref<2x128xi32, #tpu.memory_space<hbm>>
      %dma_start3A_44 = arith.constant 0 : i32
      %dma_start3A_45 = arith.constant 0 : i32
      %dma_start3A_46 = tpu.memref_slice %arg5[%dma_start3A_44, %dma_start3A_45] : memref<16x128xi32, #tpu.memory_space<vmem>> -> memref<2x128xi32, #tpu.memory_space<vmem>>
      %dma_start3A_47 = arith.constant 0 : i32
      %dma_start3A_48 = arith.constant 0 : i32
      %dma_start3A_49 = tpu.memref_slice %arg3[%select_n3A, %dma_start3A_47, %dma_start3A_48] : memref<2528x2x128xi32, #tpu.memory_space<hbm>> -> memref<1x2x128xi32, #tpu.memory_space<hbm>>
      %dma_start3A_50 = tpu.memref_squeeze %dma_start3A_49 : memref<1x2x128xi32, #tpu.memory_space<hbm>> -> memref<2x128xi32, #tpu.memory_space<hbm>>
      tpu.enqueue_dma source(%dma_start3A_50 : memref<2x128xi32, #tpu.memory_space<hbm>>) target(%dma_start3A_46 : memref<2x128xi32, #tpu.memory_space<vmem>>) target_semaphore(%run_scoped3A : memref<!tpu.dma_semaphore, #tpu.memory_space<semaphore_mem>>)
      %dma_wait3A = arith.constant 0 : i32
      %dma_wait3A_51 = arith.constant 0 : i32
      %dma_wait3A_52 = tpu.memref_slice %arg5[%dma_wait3A, %dma_wait3A_51] : memref<16x128xi32, #tpu.memory_space<vmem>> -> memref<2x128xi32, #tpu.memory_space<vmem>>
      %dma_wait3A_53 = arith.constant 0 : i32
      %dma_wait3A_54 = arith.constant 0 : i32
      %dma_wait3A_55 = tpu.memref_slice %arg3[%select_n3A, %dma_wait3A_53, %dma_wait3A_54] : memref<2528x2x128xi32, #tpu.memory_space<hbm>> -> memref<1x2x128xi32, #tpu.memory_space<hbm>>
      %dma_wait3A_56 = tpu.memref_squeeze %dma_wait3A_55 : memref<1x2x128xi32, #tpu.memory_space<hbm>> -> memref<2x128xi32, #tpu.memory_space<hbm>>
      %dma_wait3A_57 = arith.constant 0 : i32
      %dma_wait3A_58 = arith.constant 0 : i32
      %dma_wait3A_59 = tpu.memref_slice %arg5[%dma_wait3A_57, %dma_wait3A_58] : memref<16x128xi32, #tpu.memory_space<vmem>> -> memref<2x128xi32, #tpu.memory_space<vmem>>
      %dma_wait3A_60 = arith.constant 0 : i32
      %dma_wait3A_61 = arith.constant 0 : i32
      %dma_wait3A_62 = tpu.memref_slice %arg3[%select_n3A, %dma_wait3A_60, %dma_wait3A_61] : memref<2528x2x128xi32, #tpu.memory_space<hbm>> -> memref<1x2x128xi32, #tpu.memory_space<hbm>>
      %dma_wait3A_63 = tpu.memref_squeeze %dma_wait3A_62 : memref<1x2x128xi32, #tpu.memory_space<hbm>> -> memref<2x128xi32, #tpu.memory_space<hbm>>
      tpu.wait_dma2 semaphore(%run_scoped3A : memref<!tpu.dma_semaphore, #tpu.memory_space<semaphore_mem>>) src(%dma_wait3A_63 : memref<2x128xi32, #tpu.memory_space<hbm>>) dst(%dma_wait3A_59 : memref<2x128xi32, #tpu.memory_space<vmem>>)
      tpu.yield
    }) : () -> ()
    %add3A_18 = arith.constant 1 : i32
    %add3A_19 = arith.addi %select_n3A, %add3A_18 : i32
    "tpu.region"() ({
      %run_scoped3A = tpu.sem_alloc : memref<!tpu.dma_semaphore, #tpu.memory_space<semaphore_mem>>
      %dma_start3A_37 = arith.constant 2 : i32
      %dma_start3A_38 = arith.constant 0 : i32
      %dma_start3A_39 = tpu.memref_slice %arg5[%dma_start3A_37, %dma_start3A_38] : memref<16x128xi32, #tpu.memory_space<vmem>> -> memref<2x128xi32, #tpu.memory_space<vmem>>
      %dma_start3A_40 = arith.constant 0 : i32
      %dma_start3A_41 = arith.constant 0 : i32
      %dma_start3A_42 = tpu.memref_slice %arg3[%add3A_19, %dma_start3A_40, %dma_start3A_41] : memref<2528x2x128xi32, #tpu.memory_space<hbm>> -> memref<1x2x128xi32, #tpu.memory_space<hbm>>
      %dma_start3A_43 = tpu.memref_squeeze %dma_start3A_42 : memref<1x2x128xi32, #tpu.memory_space<hbm>> -> memref<2x128xi32, #tpu.memory_space<hbm>>
      %dma_start3A_44 = arith.constant 2 : i32
      %dma_start3A_45 = arith.constant 0 : i32
      %dma_start3A_46 = tpu.memref_slice %arg5[%dma_start3A_44, %dma_start3A_45] : memref<16x128xi32, #tpu.memory_space<vmem>> -> memref<2x128xi32, #tpu.memory_space<vmem>>
      %dma_start3A_47 = arith.constant 0 : i32
      %dma_start3A_48 = arith.constant 0 : i32
      %dma_start3A_49 = tpu.memref_slice %arg3[%add3A_19, %dma_start3A_47, %dma_start3A_48] : memref<2528x2x128xi32, #tpu.memory_space<hbm>> -> memref<1x2x128xi32, #tpu.memory_space<hbm>>
      %dma_start3A_50 = tpu.memref_squeeze %dma_start3A_49 : memref<1x2x128xi32, #tpu.memory_space<hbm>> -> memref<2x128xi32, #tpu.memory_space<hbm>>
      tpu.enqueue_dma source(%dma_start3A_50 : memref<2x128xi32, #tpu.memory_space<hbm>>) target(%dma_start3A_46 : memref<2x128xi32, #tpu.memory_space<vmem>>) target_semaphore(%run_scoped3A : memref<!tpu.dma_semaphore, #tpu.memory_space<semaphore_mem>>)
      %dma_wait3A = arith.constant 2 : i32
      %dma_wait3A_51 = arith.constant 0 : i32
      %dma_wait3A_52 = tpu.memref_slice %arg5[%dma_wait3A, %dma_wait3A_51] : memref<16x128xi32, #tpu.memory_space<vmem>> -> memref<2x128xi32, #tpu.memory_space<vmem>>
      %dma_wait3A_53 = arith.constant 0 : i32
      %dma_wait3A_54 = arith.constant 0 : i32
      %dma_wait3A_55 = tpu.memref_slice %arg3[%add3A_19, %dma_wait3A_53, %dma_wait3A_54] : memref<2528x2x128xi32, #tpu.memory_space<hbm>> -> memref<1x2x128xi32, #tpu.memory_space<hbm>>
      %dma_wait3A_56 = tpu.memref_squeeze %dma_wait3A_55 : memref<1x2x128xi32, #tpu.memory_space<hbm>> -> memref<2x128xi32, #tpu.memory_space<hbm>>
      %dma_wait3A_57 = arith.constant 2 : i32
      %dma_wait3A_58 = arith.constant 0 : i32
      %dma_wait3A_59 = tpu.memref_slice %arg5[%dma_wait3A_57, %dma_wait3A_58] : memref<16x128xi32, #tpu.memory_space<vmem>> -> memref<2x128xi32, #tpu.memory_space<vmem>>
      %dma_wait3A_60 = arith.constant 0 : i32
      %dma_wait3A_61 = arith.constant 0 : i32
      %dma_wait3A_62 = tpu.memref_slice %arg3[%add3A_19, %dma_wait3A_60, %dma_wait3A_61] : memref<2528x2x128xi32, #tpu.memory_space<hbm>> -> memref<1x2x128xi32, #tpu.memory_space<hbm>>
      %dma_wait3A_63 = tpu.memref_squeeze %dma_wait3A_62 : memref<1x2x128xi32, #tpu.memory_space<hbm>> -> memref<2x128xi32, #tpu.memory_space<hbm>>
      tpu.wait_dma2 semaphore(%run_scoped3A : memref<!tpu.dma_semaphore, #tpu.memory_space<semaphore_mem>>) src(%dma_wait3A_63 : memref<2x128xi32, #tpu.memory_space<hbm>>) dst(%dma_wait3A_59 : memref<2x128xi32, #tpu.memory_space<vmem>>)
      tpu.yield
    }) : () -> ()
    %barrier3A = arith.constant 0 : index
    tpu.barrier barrier_id(%barrier3A)
    %dma_start3A = arith.constant 0 : i32
    %dma_start3A_20 = arith.constant 0 : i32
    %dma_start3A_21 = tpu.memref_slice %arg5[%dma_start3A, %dma_start3A_20] : memref<16x128xi32, #tpu.memory_space<vmem>> -> memref<1x128xi32, #tpu.memory_space<vmem>>
    %dma_start3A_22 = tpu.memref_squeeze %dma_start3A_21 : memref<1x128xi32, #tpu.memory_space<vmem>> -> memref<128xi32, #tpu.memory_space<vmem>>
    %dma_start3A_23 = arith.constant 0 : i32
    %dma_start3A_24 = arith.constant 0 : i32
    %dma_start3A_25 = tpu.memref_slice %arg2[%dma_start3A_23, %dma_start3A_24] : memref<10240x128xf32, #tpu.memory_space<hbm>> -> memref<10240x128xf32, #tpu.memory_space<hbm>>
    tpu.enqueue_indirect_dma source(%dma_start3A_25 : memref<10240x128xf32, #tpu.memory_space<hbm>>) target(%arg6 : memref<128x128xf32, #tpu.memory_space<vmem>>) offsets(%dma_start3A_22 : memref<128xi32, #tpu.memory_space<vmem>>) semaphore(%arg10 : memref<!tpu.dma_semaphore, #tpu.memory_space<semaphore_mem>>)
    %scan3A_26 = arith.constant 0 : i32
    %scan3A_27 = arith.constant 79 : i32
    %scan3A_28 = arith.addi %scan3A_26, %scan3A_27 : i32
    %scan3A_29 = arith.constant 1 : i32
    scf.for %scan3A_37 = %scan3A_26 to %scan3A_28 step %scan3A_29  : i32 {
      %mul3A_38 = arith.constant 1 : i32
      %mul3A_39 = arith.muli %scan3A_37, %mul3A_38 : i32
      %add3A_40 = arith.constant 0 : i32
      %add3A_41 = arith.addi %add3A_40, %mul3A_39 : i32
      %lt3A = arith.cmpi slt, %add3A_41, %select_n3A_8 : i32
      %convert_element_type3A = arith.extui %lt3A : i1 to i32
      %cond3A = arith.constant 0 : i32
      %cond3A_42 = arith.cmpi ne, %convert_element_type3A, %cond3A : i32
      scf.if %cond3A_42 {
        %add3A_43 = arith.constant 2 : i32
        %add3A_44 = arith.addi %add3A_41, %add3A_43 : i32
        %ge3A = arith.constant 1 : i32
        %ge3A_45 = arith.cmpi sge, %add3A_41, %ge3A : i32
        %add3A_46 = arith.constant 1 : i32
        %add3A_47 = arith.addi %add3A_41, %add3A_46 : i32
        %lt3A_48 = arith.cmpi slt, %add3A_47, %select_n3A_8 : i32
        %and3A = arith.andi %ge3A_45, %lt3A_48 : i1
        %convert_element_type3A_49 = arith.extui %and3A : i1 to i32
        %cond3A_50 = arith.constant 0 : i32
        %cond3A_51 = arith.cmpi ne, %convert_element_type3A_49, %cond3A_50 : i32
        scf.if %cond3A_51 {
          %dma_wait3A = arith.constant 0 : i32
          %dma_wait3A_119 = arith.constant 0 : i32
          %dma_wait3A_120 = tpu.memref_slice %arg5[%dma_wait3A, %dma_wait3A_119] : memref<16x128xi32, #tpu.memory_space<vmem>> -> memref<2x128xi32, #tpu.memory_space<vmem>>
          %dma_wait3A_121 = arith.constant 0 : i32
          %dma_wait3A_122 = arith.constant 0 : i32
          %dma_wait3A_123 = tpu.memref_slice %arg3[%select_n3A, %dma_wait3A_121, %dma_wait3A_122] : memref<2528x2x128xi32, #tpu.memory_space<hbm>> -> memref<1x2x128xi32, #tpu.memory_space<hbm>>
          %dma_wait3A_124 = tpu.memref_squeeze %dma_wait3A_123 : memref<1x2x128xi32, #tpu.memory_space<hbm>> -> memref<2x128xi32, #tpu.memory_space<hbm>>
          %dma_wait3A_125 = arith.constant 0 : i32
          %dma_wait3A_126 = arith.constant 0 : i32
          %dma_wait3A_127 = tpu.memref_slice %arg5[%dma_wait3A_125, %dma_wait3A_126] : memref<16x128xi32, #tpu.memory_space<vmem>> -> memref<2x128xi32, #tpu.memory_space<vmem>>
          %dma_wait3A_128 = arith.constant 0 : i32
          %dma_wait3A_129 = arith.constant 0 : i32
          %dma_wait3A_130 = tpu.memref_slice %arg3[%select_n3A, %dma_wait3A_128, %dma_wait3A_129] : memref<2528x2x128xi32, #tpu.memory_space<hbm>> -> memref<1x2x128xi32, #tpu.memory_space<hbm>>
          %dma_wait3A_131 = tpu.memref_squeeze %dma_wait3A_130 : memref<1x2x128xi32, #tpu.memory_space<hbm>> -> memref<2x128xi32, #tpu.memory_space<hbm>>
          tpu.wait_dma2 semaphore(%arg9 : memref<!tpu.dma_semaphore, #tpu.memory_space<semaphore_mem>>) src(%dma_wait3A_131 : memref<2x128xi32, #tpu.memory_space<hbm>>) dst(%dma_wait3A_127 : memref<2x128xi32, #tpu.memory_space<vmem>>)
        } else {
        }
        %lt3A_52 = arith.cmpi slt, %add3A_44, %select_n3A_8 : i32
        %convert_element_type3A_53 = arith.extui %lt3A_52 : i1 to i32
        %cond3A_54 = arith.constant 0 : i32
        %cond3A_55 = arith.cmpi ne, %convert_element_type3A_53, %cond3A_54 : i32
        scf.if %cond3A_55 {
          %add3A_119 = arith.addi %select_n3A, %add3A_44 : i32
          %jit3A_120 = arith.constant 8 : i32
          %eq3A_121 = arith.constant 0 : i32
          %eq3A_122 = arith.cmpi eq, %jit3A_120, %eq3A_121 : i32
          %jit3A_123 = arith.constant 1 : i32
          %select_n3A_124 = arith.select %eq3A_122, %jit3A_123, %jit3A_120 : i32
          %rem3A_125 = arith.remsi %add3A_44, %select_n3A_124 : i32
          %ne3A_126 = arith.constant 0 : i32
          %ne3A_127 = arith.cmpi ne, %rem3A_125, %ne3A_126 : i32
          %lt3A_128 = arith.constant 0 : i32
          %lt3A_129 = arith.cmpi slt, %rem3A_125, %lt3A_128 : i32
          %lt3A_130 = arith.constant 0 : i32
          %lt3A_131 = arith.cmpi slt, %select_n3A_124, %lt3A_130 : i32
          %ne3A_132 = arith.xori %lt3A_129, %lt3A_131 : i1
          %and3A_133 = arith.andi %ne3A_132, %ne3A_127 : i1
          %add3A_134 = arith.addi %rem3A_125, %select_n3A_124 : i32
          %select_n3A_135 = arith.select %and3A_133, %add3A_134, %rem3A_125 : i32
          %mul3A_136 = arith.constant 2 : i32
          %mul3A_137 = arith.muli %mul3A_136, %select_n3A_135 : i32
          %dma_start3A_138 = arith.constant 0 : i32
          %dma_start3A_139 = tpu.memref_slice %arg5[%mul3A_137, %dma_start3A_138] : memref<16x128xi32, #tpu.memory_space<vmem>> -> memref<2x128xi32, #tpu.memory_space<vmem>>
          %dma_start3A_140 = arith.constant 0 : i32
          %dma_start3A_141 = arith.constant 0 : i32
          %dma_start3A_142 = tpu.memref_slice %arg3[%add3A_119, %dma_start3A_140, %dma_start3A_141] : memref<2528x2x128xi32, #tpu.memory_space<hbm>> -> memref<1x2x128xi32, #tpu.memory_space<hbm>>
          %dma_start3A_143 = tpu.memref_squeeze %dma_start3A_142 : memref<1x2x128xi32, #tpu.memory_space<hbm>> -> memref<2x128xi32, #tpu.memory_space<hbm>>
          %dma_start3A_144 = arith.constant 0 : i32
          %dma_start3A_145 = tpu.memref_slice %arg5[%mul3A_137, %dma_start3A_144] : memref<16x128xi32, #tpu.memory_space<vmem>> -> memref<2x128xi32, #tpu.memory_space<vmem>>
          %dma_start3A_146 = arith.constant 0 : i32
          %dma_start3A_147 = arith.constant 0 : i32
          %dma_start3A_148 = tpu.memref_slice %arg3[%add3A_119, %dma_start3A_146, %dma_start3A_147] : memref<2528x2x128xi32, #tpu.memory_space<hbm>> -> memref<1x2x128xi32, #tpu.memory_space<hbm>>
          %dma_start3A_149 = tpu.memref_squeeze %dma_start3A_148 : memref<1x2x128xi32, #tpu.memory_space<hbm>> -> memref<2x128xi32, #tpu.memory_space<hbm>>
          tpu.enqueue_dma source(%dma_start3A_149 : memref<2x128xi32, #tpu.memory_space<hbm>>) target(%dma_start3A_145 : memref<2x128xi32, #tpu.memory_space<vmem>>) target_semaphore(%arg9 : memref<!tpu.dma_semaphore, #tpu.memory_space<semaphore_mem>>)
        } else {
        }
        %jit3A_56 = arith.constant 2 : i32
        %eq3A_57 = arith.constant 0 : i32
        %eq3A_58 = arith.cmpi eq, %jit3A_56, %eq3A_57 : i32
        %jit3A_59 = arith.constant 1 : i32
        %select_n3A_60 = arith.select %eq3A_58, %jit3A_59, %jit3A_56 : i32
        %rem3A = arith.remsi %add3A_41, %select_n3A_60 : i32
        %ne3A = arith.constant 0 : i32
        %ne3A_61 = arith.cmpi ne, %rem3A, %ne3A : i32
        %lt3A_62 = arith.constant 0 : i32
        %lt3A_63 = arith.cmpi slt, %rem3A, %lt3A_62 : i32
        %lt3A_64 = arith.constant 0 : i32
        %lt3A_65 = arith.cmpi slt, %select_n3A_60, %lt3A_64 : i32
        %ne3A_66 = arith.xori %lt3A_63, %lt3A_65 : i1
        %and3A_67 = arith.andi %ne3A_66, %ne3A_61 : i1
        %add3A_68 = arith.addi %rem3A, %select_n3A_60 : i32
        %select_n3A_69 = arith.select %and3A_67, %add3A_68, %rem3A : i32
        %eq3A_70 = arith.constant 0 : i32
        %eq3A_71 = arith.cmpi eq, %select_n3A_69, %eq3A_70 : i32
        %add3A_72 = arith.constant 1 : i32
        %add3A_73 = arith.addi %add3A_41, %add3A_72 : i32
        %jit3A_74 = arith.constant 8 : i32
        %eq3A_75 = arith.constant 0 : i32
        %eq3A_76 = arith.cmpi eq, %jit3A_74, %eq3A_75 : i32
        %jit3A_77 = arith.constant 1 : i32
        %select_n3A_78 = arith.select %eq3A_76, %jit3A_77, %jit3A_74 : i32
        %rem3A_79 = arith.remsi %add3A_73, %select_n3A_78 : i32
        %ne3A_80 = arith.constant 0 : i32
        %ne3A_81 = arith.cmpi ne, %rem3A_79, %ne3A_80 : i32
        %lt3A_82 = arith.constant 0 : i32
        %lt3A_83 = arith.cmpi slt, %rem3A_79, %lt3A_82 : i32
        %lt3A_84 = arith.constant 0 : i32
        %lt3A_85 = arith.cmpi slt, %select_n3A_78, %lt3A_84 : i32
        %ne3A_86 = arith.xori %lt3A_83, %lt3A_85 : i1
        %and3A_87 = arith.andi %ne3A_86, %ne3A_81 : i1
        %add3A_88 = arith.addi %rem3A_79, %select_n3A_78 : i32
        %select_n3A_89 = arith.select %and3A_87, %add3A_88, %rem3A_79 : i32
        %mul3A_90 = arith.constant 2 : i32
        %mul3A_91 = arith.muli %mul3A_90, %select_n3A_89 : i32
        %jit3A_92 = arith.constant 8 : i32
        %eq3A_93 = arith.constant 0 : i32
        %eq3A_94 = arith.cmpi eq, %jit3A_92, %eq3A_93 : i32
        %jit3A_95 = arith.constant 1 : i32
        %select_n3A_96 = arith.select %eq3A_94, %jit3A_95, %jit3A_92 : i32
        %rem3A_97 = arith.remsi %add3A_41, %select_n3A_96 : i32
        %ne3A_98 = arith.constant 0 : i32
        %ne3A_99 = arith.cmpi ne, %rem3A_97, %ne3A_98 : i32
        %lt3A_100 = arith.constant 0 : i32
        %lt3A_101 = arith.cmpi slt, %rem3A_97, %lt3A_100 : i32
        %lt3A_102 = arith.constant 0 : i32
        %lt3A_103 = arith.cmpi slt, %select_n3A_96, %lt3A_102 : i32
        %ne3A_104 = arith.xori %lt3A_101, %lt3A_103 : i1
        %and3A_105 = arith.andi %ne3A_104, %ne3A_99 : i1
        %add3A_106 = arith.addi %rem3A_97, %select_n3A_96 : i32
        %select_n3A_107 = arith.select %and3A_105, %add3A_106, %rem3A_97 : i32
        %mul3A_108 = arith.constant 2 : i32
        %mul3A_109 = arith.muli %mul3A_108, %select_n3A_107 : i32
        %add3A_110 = arith.constant 1 : i32
        %add3A_111 = arith.addi %mul3A_109, %add3A_110 : i32
        %convert_element_type3A_112 = arith.extui %eq3A_71 : i1 to i32
        %cond3A_113 = arith.constant 0 : i32
        %cond3A_114 = arith.cmpi ne, %convert_element_type3A_112, %cond3A_113 : i32
        scf.if %cond3A_114 {
          %add3A_119 = arith.constant 1 : i32
          %add3A_120 = arith.addi %add3A_41, %add3A_119 : i32
          %lt3A_121 = arith.cmpi slt, %add3A_120, %select_n3A_8 : i32
          %convert_element_type3A_122 = arith.extui %lt3A_121 : i1 to i32
          %cond3A_123 = arith.constant 0 : i32
          %cond3A_124 = arith.cmpi ne, %convert_element_type3A_122, %cond3A_123 : i32
          scf.if %cond3A_124 {
            %dma_start3A_130 = arith.constant 0 : i32
            %dma_start3A_131 = tpu.memref_slice %arg5[%mul3A_91, %dma_start3A_130] : memref<16x128xi32, #tpu.memory_space<vmem>> -> memref<1x128xi32, #tpu.memory_space<vmem>>
            %dma_start3A_132 = tpu.memref_squeeze %dma_start3A_131 : memref<1x128xi32, #tpu.memory_space<vmem>> -> memref<128xi32, #tpu.memory_space<vmem>>
            %dma_start3A_133 = arith.constant 0 : i32
            %dma_start3A_134 = arith.constant 0 : i32
            %dma_start3A_135 = tpu.memref_slice %arg2[%dma_start3A_133, %dma_start3A_134] : memref<10240x128xf32, #tpu.memory_space<hbm>> -> memref<10240x128xf32, #tpu.memory_space<hbm>>
            tpu.enqueue_indirect_dma source(%dma_start3A_135 : memref<10240x128xf32, #tpu.memory_space<hbm>>) target(%arg7 : memref<128x128xf32, #tpu.memory_space<vmem>>) offsets(%dma_start3A_132 : memref<128xi32, #tpu.memory_space<vmem>>) semaphore(%arg11 : memref<!tpu.dma_semaphore, #tpu.memory_space<semaphore_mem>>)
          } else {
          }
          %dma_wait3A = arith.constant 0 : i32
          %dma_wait3A_125 = tpu.memref_slice %arg5[%mul3A_91, %dma_wait3A] : memref<16x128xi32, #tpu.memory_space<vmem>> -> memref<1x128xi32, #tpu.memory_space<vmem>>
          %dma_wait3A_126 = tpu.memref_squeeze %dma_wait3A_125 : memref<1x128xi32, #tpu.memory_space<vmem>> -> memref<128xi32, #tpu.memory_space<vmem>>
          %dma_wait3A_127 = arith.constant 0 : i32
          %dma_wait3A_128 = arith.constant 0 : i32
          %dma_wait3A_129 = tpu.memref_slice %arg2[%dma_wait3A_127, %dma_wait3A_128] : memref<10240x128xf32, #tpu.memory_space<hbm>> -> memref<10240x128xf32, #tpu.memory_space<hbm>>
          tpu.wait_indirect_dma semaphore(%arg10 : memref<!tpu.dma_semaphore, #tpu.memory_space<semaphore_mem>>) src(%dma_wait3A_129 : memref<10240x128xf32, #tpu.memory_space<hbm>>) dst(%arg6 : memref<128x128xf32, #tpu.memory_space<vmem>>)
          "tpu.region"() ({
            %run_scoped3A = tpu.sem_alloc : memref<!tpu.dma_semaphore, #tpu.memory_space<semaphore_mem>>
            %dma_start3A_130 = arith.constant 0 : i32
            %dma_start3A_131 = tpu.memref_slice %arg5[%add3A_111, %dma_start3A_130] : memref<16x128xi32, #tpu.memory_space<vmem>> -> memref<1x128xi32, #tpu.memory_space<vmem>>
            %dma_start3A_132 = tpu.memref_squeeze %dma_start3A_131 : memref<1x128xi32, #tpu.memory_space<vmem>> -> memref<128xi32, #tpu.memory_space<vmem>>
            %dma_start3A_133 = arith.constant 0 : i32
            %dma_start3A_134 = arith.constant 0 : i32
            %dma_start3A_135 = tpu.memref_slice %arg8[%dma_start3A_133, %dma_start3A_134] : memref<10240x128xf32, #tpu.memory_space<vmem_shared>> -> memref<10240x128xf32, #tpu.memory_space<vmem_shared>>
            tpu.enqueue_indirect_dma source(%arg6 : memref<128x128xf32, #tpu.memory_space<vmem>>) target(%dma_start3A_135 : memref<10240x128xf32, #tpu.memory_space<vmem_shared>>) offsets(%dma_start3A_132 : memref<128xi32, #tpu.memory_space<vmem>>) semaphore(%run_scoped3A : memref<!tpu.dma_semaphore, #tpu.memory_space<semaphore_mem>>) {add = true}
            %dma_wait3A_136 = arith.constant 0 : i32
            %dma_wait3A_137 = tpu.memref_slice %arg5[%add3A_111, %dma_wait3A_136] : memref<16x128xi32, #tpu.memory_space<vmem>> -> memref<1x128xi32, #tpu.memory_space<vmem>>
            %dma_wait3A_138 = tpu.memref_squeeze %dma_wait3A_137 : memref<1x128xi32, #tpu.memory_space<vmem>> -> memref<128xi32, #tpu.memory_space<vmem>>
            %dma_wait3A_139 = arith.constant 0 : i32
            %dma_wait3A_140 = arith.constant 0 : i32
            %dma_wait3A_141 = tpu.memref_slice %arg8[%dma_wait3A_139, %dma_wait3A_140] : memref<10240x128xf32, #tpu.memory_space<vmem_shared>> -> memref<10240x128xf32, #tpu.memory_space<vmem_shared>>
            tpu.wait_indirect_dma semaphore(%run_scoped3A : memref<!tpu.dma_semaphore, #tpu.memory_space<semaphore_mem>>) src(%arg6 : memref<128x128xf32, #tpu.memory_space<vmem>>) dst(%dma_wait3A_141 : memref<10240x128xf32, #tpu.memory_space<vmem_shared>>)
            tpu.yield
          }) : () -> ()
        } else {
        }
        %not3A = arith.constant true
        %not3A_115 = arith.xori %eq3A_71, %not3A : i1
        %convert_element_type3A_116 = arith.extui %not3A_115 : i1 to i32
        %cond3A_117 = arith.constant 0 : i32
        %cond3A_118 = arith.cmpi ne, %convert_element_type3A_116, %cond3A_117 : i32
        scf.if %cond3A_118 {
          %add3A_119 = arith.constant 1 : i32
          %add3A_120 = arith.addi %add3A_41, %add3A_119 : i32
          %lt3A_121 = arith.cmpi slt, %add3A_120, %select_n3A_8 : i32
          %convert_element_type3A_122 = arith.extui %lt3A_121 : i1 to i32
          %cond3A_123 = arith.constant 0 : i32
          %cond3A_124 = arith.cmpi ne, %convert_element_type3A_122, %cond3A_123 : i32
          scf.if %cond3A_124 {
            %dma_start3A_130 = arith.constant 0 : i32
            %dma_start3A_131 = tpu.memref_slice %arg5[%mul3A_91, %dma_start3A_130] : memref<16x128xi32, #tpu.memory_space<vmem>> -> memref<1x128xi32, #tpu.memory_space<vmem>>
            %dma_start3A_132 = tpu.memref_squeeze %dma_start3A_131 : memref<1x128xi32, #tpu.memory_space<vmem>> -> memref<128xi32, #tpu.memory_space<vmem>>
            %dma_start3A_133 = arith.constant 0 : i32
            %dma_start3A_134 = arith.constant 0 : i32
            %dma_start3A_135 = tpu.memref_slice %arg2[%dma_start3A_133, %dma_start3A_134] : memref<10240x128xf32, #tpu.memory_space<hbm>> -> memref<10240x128xf32, #tpu.memory_space<hbm>>
            tpu.enqueue_indirect_dma source(%dma_start3A_135 : memref<10240x128xf32, #tpu.memory_space<hbm>>) target(%arg6 : memref<128x128xf32, #tpu.memory_space<vmem>>) offsets(%dma_start3A_132 : memref<128xi32, #tpu.memory_space<vmem>>) semaphore(%arg10 : memref<!tpu.dma_semaphore, #tpu.memory_space<semaphore_mem>>)
          } else {
          }
          %dma_wait3A = arith.constant 0 : i32
          %dma_wait3A_125 = tpu.memref_slice %arg5[%mul3A_91, %dma_wait3A] : memref<16x128xi32, #tpu.memory_space<vmem>> -> memref<1x128xi32, #tpu.memory_space<vmem>>
          %dma_wait3A_126 = tpu.memref_squeeze %dma_wait3A_125 : memref<1x128xi32, #tpu.memory_space<vmem>> -> memref<128xi32, #tpu.memory_space<vmem>>
          %dma_wait3A_127 = arith.constant 0 : i32
          %dma_wait3A_128 = arith.constant 0 : i32
          %dma_wait3A_129 = tpu.memref_slice %arg2[%dma_wait3A_127, %dma_wait3A_128] : memref<10240x128xf32, #tpu.memory_space<hbm>> -> memref<10240x128xf32, #tpu.memory_space<hbm>>
          tpu.wait_indirect_dma semaphore(%arg11 : memref<!tpu.dma_semaphore, #tpu.memory_space<semaphore_mem>>) src(%dma_wait3A_129 : memref<10240x128xf32, #tpu.memory_space<hbm>>) dst(%arg7 : memref<128x128xf32, #tpu.memory_space<vmem>>)
          "tpu.region"() ({
            %run_scoped3A = tpu.sem_alloc : memref<!tpu.dma_semaphore, #tpu.memory_space<semaphore_mem>>
            %dma_start3A_130 = arith.constant 0 : i32
            %dma_start3A_131 = tpu.memref_slice %arg5[%add3A_111, %dma_start3A_130] : memref<16x128xi32, #tpu.memory_space<vmem>> -> memref<1x128xi32, #tpu.memory_space<vmem>>
            %dma_start3A_132 = tpu.memref_squeeze %dma_start3A_131 : memref<1x128xi32, #tpu.memory_space<vmem>> -> memref<128xi32, #tpu.memory_space<vmem>>
            %dma_start3A_133 = arith.constant 0 : i32
            %dma_start3A_134 = arith.constant 0 : i32
            %dma_start3A_135 = tpu.memref_slice %arg8[%dma_start3A_133, %dma_start3A_134] : memref<10240x128xf32, #tpu.memory_space<vmem_shared>> -> memref<10240x128xf32, #tpu.memory_space<vmem_shared>>
            tpu.enqueue_indirect_dma source(%arg7 : memref<128x128xf32, #tpu.memory_space<vmem>>) target(%dma_start3A_135 : memref<10240x128xf32, #tpu.memory_space<vmem_shared>>) offsets(%dma_start3A_132 : memref<128xi32, #tpu.memory_space<vmem>>) semaphore(%run_scoped3A : memref<!tpu.dma_semaphore, #tpu.memory_space<semaphore_mem>>) {add = true}
            %dma_wait3A_136 = arith.constant 0 : i32
            %dma_wait3A_137 = tpu.memref_slice %arg5[%add3A_111, %dma_wait3A_136] : memref<16x128xi32, #tpu.memory_space<vmem>> -> memref<1x128xi32, #tpu.memory_space<vmem>>
            %dma_wait3A_138 = tpu.memref_squeeze %dma_wait3A_137 : memref<1x128xi32, #tpu.memory_space<vmem>> -> memref<128xi32, #tpu.memory_space<vmem>>
            %dma_wait3A_139 = arith.constant 0 : i32
            %dma_wait3A_140 = arith.constant 0 : i32
            %dma_wait3A_141 = tpu.memref_slice %arg8[%dma_wait3A_139, %dma_wait3A_140] : memref<10240x128xf32, #tpu.memory_space<vmem_shared>> -> memref<10240x128xf32, #tpu.memory_space<vmem_shared>>
            tpu.wait_indirect_dma semaphore(%run_scoped3A : memref<!tpu.dma_semaphore, #tpu.memory_space<semaphore_mem>>) src(%arg7 : memref<128x128xf32, #tpu.memory_space<vmem>>) dst(%dma_wait3A_141 : memref<10240x128xf32, #tpu.memory_space<vmem_shared>>)
            tpu.yield
          }) : () -> ()
        } else {
        }
      } else {
      }
    }
    %scan3A_30 = arith.constant 79 : i32
    %barrier3A_31 = arith.constant 0 : index
    tpu.barrier barrier_id(%barrier3A_31)
    %scan3A_32 = arith.constant 0 : i32
    %scan3A_33 = arith.constant 5 : i32
    %scan3A_34 = arith.addi %scan3A_32, %scan3A_33 : i32
    %scan3A_35 = arith.constant 1 : i32
    scf.for %scan3A_37 = %scan3A_32 to %scan3A_34 step %scan3A_35  : i32 {
      %mul3A_38 = arith.constant 1 : i32
      %mul3A_39 = arith.muli %scan3A_37, %mul3A_38 : i32
      %add3A_40 = arith.constant 0 : i32
      %add3A_41 = arith.addi %add3A_40, %mul3A_39 : i32
      %mul3A_42 = arith.constant 640 : i32
      %mul3A_43 = arith.muli %arg1, %mul3A_42 : i32
      %mul3A_44 = arith.constant 128 : i32
      %mul3A_45 = arith.muli %add3A_41, %mul3A_44 : i32
      %add3A_46 = arith.addi %mul3A_43, %mul3A_45 : i32
      "tpu.region"() ({
        %run_scoped3A = tpu.sem_alloc : memref<!tpu.dma_semaphore, #tpu.memory_space<semaphore_mem>>
        %dma_start3A_47 = arith.constant 0 : i32
        %dma_start3A_48 = tpu.memref_slice %arg4[%arg0, %add3A_46, %dma_start3A_47] : memref<2x10240x128xf32, #tpu.memory_space<hbm>> -> memref<1x128x128xf32, #tpu.memory_space<hbm>>
        %dma_start3A_49 = tpu.memref_squeeze %dma_start3A_48 : memref<1x128x128xf32, #tpu.memory_space<hbm>> -> memref<128x128xf32, #tpu.memory_space<hbm>>
        %dma_start3A_50 = arith.constant 0 : i32
        %dma_start3A_51 = tpu.memref_slice %arg8[%add3A_46, %dma_start3A_50] : memref<10240x128xf32, #tpu.memory_space<vmem_shared>> -> memref<128x128xf32, #tpu.memory_space<vmem_shared>>
        tpu.enqueue_dma source(%dma_start3A_51 : memref<128x128xf32, #tpu.memory_space<vmem_shared>>) target(%dma_start3A_49 : memref<128x128xf32, #tpu.memory_space<hbm>>) target_semaphore(%run_scoped3A : memref<!tpu.dma_semaphore, #tpu.memory_space<semaphore_mem>>)
        %dma_wait3A = arith.constant 0 : i32
        %dma_wait3A_52 = tpu.memref_slice %arg4[%arg0, %add3A_46, %dma_wait3A] : memref<2x10240x128xf32, #tpu.memory_space<hbm>> -> memref<1x128x128xf32, #tpu.memory_space<hbm>>
        %dma_wait3A_53 = tpu.memref_squeeze %dma_wait3A_52 : memref<1x128x128xf32, #tpu.memory_space<hbm>> -> memref<128x128xf32, #tpu.memory_space<hbm>>
        %dma_wait3A_54 = arith.constant 0 : i32
        %dma_wait3A_55 = tpu.memref_slice %arg8[%add3A_46, %dma_wait3A_54] : memref<10240x128xf32, #tpu.memory_space<vmem_shared>> -> memref<128x128xf32, #tpu.memory_space<vmem_shared>>
        tpu.wait_dma2 semaphore(%run_scoped3A : memref<!tpu.dma_semaphore, #tpu.memory_space<semaphore_mem>>) src(%dma_wait3A_55 : memref<128x128xf32, #tpu.memory_space<vmem_shared>>) dst(%dma_wait3A_53 : memref<128x128xf32, #tpu.memory_space<hbm>>)
        tpu.yield
      }) : () -> ()
    }
    %scan3A_36 = arith.constant 5 : i32
    return
  }
}

#map = affine_map<(d0, d1) -> (0, 0)>
#map1 = affine_map<(d0, d1) -> (0, 0, 0)>
module attributes {stable_mosaic.version = 14 : i64} {
  func.func @_agg_kernel(%arg0: i32, %arg1: i32, %arg2: memref<10240x128xf32, #tpu.memory_space<hbm>>, %arg3: memref<2528x2x128xi32, #tpu.memory_space<hbm>>, %arg4: memref<2x10240x128xf32, #tpu.memory_space<hbm>>, %arg5: memref<16x128xi32, #tpu.memory_space<vmem>>, %arg6: memref<128x128xf32, #tpu.memory_space<vmem>>, %arg7: memref<128x128xf32, #tpu.memory_space<vmem>>, %arg8: memref<10240x128xf32, #tpu.memory_space<vmem_shared>>, %arg9: memref<!tpu.dma_semaphore, #tpu.memory_space<semaphore_mem>>, %arg10: memref<!tpu.dma_semaphore, #tpu.memory_space<semaphore_mem>>, %arg11: memref<!tpu.dma_semaphore, #tpu.memory_space<semaphore_mem>>) attributes {dimension_semantics = [#tpu.dimension_semantics<core_parallel>, #tpu.dimension_semantics<subcore_parallel>], iteration_bounds = array<i64: 2, 16>, scalar_prefetch = 0 : i64, scratch_operands = 7 : i64, tpu.core_type = #tpu.core_type<sc_vector_subcore>, window_params = [{transform_indices = #map}, {transform_indices = #map1}, {transform_indices = #map1}]} {
    %eq3A = arith.constant 0 : i32
    %eq3A_0 = arith.cmpi eq, %arg0, %eq3A : i32
    %mul3A = arith.constant 79 : i32
    %mul3A_1 = arith.muli %arg1, %mul3A : i32
    %mul3A_2 = arith.constant 79 : i32
    %mul3A_3 = arith.muli %arg1, %mul3A_2 : i32
    %add3A = arith.constant 1264 : i32
    %add3A_4 = arith.addi %add3A, %mul3A_3 : i32
    %select_n3A = arith.select %eq3A_0, %mul3A_1, %add3A_4 : i32
    %eq3A_5 = arith.constant 0 : i32
    %eq3A_6 = arith.cmpi eq, %arg0, %eq3A_5 : i32
    %jit3A = arith.constant 79 : i32
    %jit3A_7 = arith.constant 79 : i32
    %select_n3A_8 = arith.select %eq3A_6, %jit3A, %jit3A_7 : i32
    %scan3A = arith.constant 0 : i32
    %scan3A_9 = arith.constant 128 : i32
    %scan3A_10 = arith.addi %scan3A, %scan3A_9 : i32
    %scan3A_11 = arith.constant 1 : i32
    scf.for %scan3A_37 = %scan3A to %scan3A_10 step %scan3A_11  : i32 {
      %mul3A_38 = arith.constant 1 : i32
      %mul3A_39 = arith.muli %scan3A_37, %mul3A_38 : i32
      %add3A_40 = arith.constant 0 : i32
      %add3A_41 = arith.addi %add3A_40, %mul3A_39 : i32
      %scan3A_42 = arith.constant 0 : i32
      %scan3A_43 = arith.constant 8 : i32
      %scan3A_44 = arith.addi %scan3A_42, %scan3A_43 : i32
      %scan3A_45 = arith.constant 1 : i32
      scf.for %scan3A_47 = %scan3A_42 to %scan3A_44 step %scan3A_45  : i32 {
        %mul3A_48 = arith.constant 1 : i32
        %mul3A_49 = arith.muli %scan3A_47, %mul3A_48 : i32
        %add3A_50 = arith.constant 0 : i32
        %add3A_51 = arith.addi %add3A_50, %mul3A_49 : i32
        %broadcast_in_dim3A = arith.constant 0.000000e+00 : f32
        %broadcast_in_dim3A_52 = vector.broadcast %broadcast_in_dim3A : f32 to vector<16xf32>
        %mul3A_53 = arith.constant 16 : i32
        %mul3A_54 = arith.muli %add3A_51, %mul3A_53 : i32
        %swap3A = arith.index_cast %add3A_41 : i32 to index
        %swap3A_55 = arith.index_cast %mul3A_54 : i32 to index
        %swap3A_56 = tpu.vector_load %arg6[%swap3A, %swap3A_55] {strides = array<i32>} : memref<128x128xf32, #tpu.memory_space<vmem>>, vector<1x16xf32>,
        %swap3A_57 = vector.shape_cast %swap3A_56 : vector<1x16xf32> to vector<16xf32>
        %swap3A_58 = vector.shape_cast %broadcast_in_dim3A_52 : vector<16xf32> to vector<1x16xf32>
        tpu.vector_store %arg6[%swap3A, %swap3A_55], %swap3A_58 {strides = array<i32>} : memref<128x128xf32, #tpu.memory_space<vmem>>, vector<1x16xf32>,
      }
      %scan3A_46 = arith.constant 8 : i32
    }
    %scan3A_12 = arith.constant 128 : i32
    %scan3A_13 = arith.constant 0 : i32
    %scan3A_14 = arith.constant 5 : i32
    %scan3A_15 = arith.addi %scan3A_13, %scan3A_14 : i32
    %scan3A_16 = arith.constant 1 : i32
    scf.for %scan3A_37 = %scan3A_13 to %scan3A_15 step %scan3A_16  : i32 {
      %mul3A_38 = arith.constant 1 : i32
      %mul3A_39 = arith.muli %scan3A_37, %mul3A_38 : i32
      %add3A_40 = arith.constant 0 : i32
      %add3A_41 = arith.addi %add3A_40, %mul3A_39 : i32
      %mul3A_42 = arith.constant 640 : i32
      %mul3A_43 = arith.muli %arg1, %mul3A_42 : i32
      %mul3A_44 = arith.constant 128 : i32
      %mul3A_45 = arith.muli %add3A_41, %mul3A_44 : i32
      %add3A_46 = arith.addi %mul3A_43, %mul3A_45 : i32
      "tpu.region"() ({
        %run_scoped3A = tpu.sem_alloc : memref<!tpu.dma_semaphore, #tpu.memory_space<semaphore_mem>>
        %dma_start3A_47 = arith.constant 0 : i32
        %dma_start3A_48 = tpu.memref_slice %arg8[%add3A_46, %dma_start3A_47] : memref<10240x128xf32, #tpu.memory_space<vmem_shared>> -> memref<128x128xf32, #tpu.memory_space<vmem_shared>>
        %dma_start3A_49 = arith.constant 0 : i32
        %dma_start3A_50 = tpu.memref_slice %arg8[%add3A_46, %dma_start3A_49] : memref<10240x128xf32, #tpu.memory_space<vmem_shared>> -> memref<128x128xf32, #tpu.memory_space<vmem_shared>>
        tpu.enqueue_dma source(%arg6 : memref<128x128xf32, #tpu.memory_space<vmem>>) target(%dma_start3A_50 : memref<128x128xf32, #tpu.memory_space<vmem_shared>>) target_semaphore(%run_scoped3A : memref<!tpu.dma_semaphore, #tpu.memory_space<semaphore_mem>>)
        %dma_wait3A = arith.constant 0 : i32
        %dma_wait3A_51 = tpu.memref_slice %arg8[%add3A_46, %dma_wait3A] : memref<10240x128xf32, #tpu.memory_space<vmem_shared>> -> memref<128x128xf32, #tpu.memory_space<vmem_shared>>
        %dma_wait3A_52 = arith.constant 0 : i32
        %dma_wait3A_53 = tpu.memref_slice %arg8[%add3A_46, %dma_wait3A_52] : memref<10240x128xf32, #tpu.memory_space<vmem_shared>> -> memref<128x128xf32, #tpu.memory_space<vmem_shared>>
        tpu.wait_dma2 semaphore(%run_scoped3A : memref<!tpu.dma_semaphore, #tpu.memory_space<semaphore_mem>>) src(%arg6 : memref<128x128xf32, #tpu.memory_space<vmem>>) dst(%dma_wait3A_53 : memref<128x128xf32, #tpu.memory_space<vmem_shared>>)
        tpu.yield
      }) : () -> ()
    }
    %scan3A_17 = arith.constant 5 : i32
    "tpu.region"() ({
      %run_scoped3A = tpu.sem_alloc : memref<!tpu.dma_semaphore, #tpu.memory_space<semaphore_mem>>
      %dma_start3A_37 = arith.constant 0 : i32
      %dma_start3A_38 = arith.constant 0 : i32
      %dma_start3A_39 = tpu.memref_slice %arg5[%dma_start3A_37, %dma_start3A_38] : memref<16x128xi32, #tpu.memory_space<vmem>> -> memref<2x128xi32, #tpu.memory_space<vmem>>
      %dma_start3A_40 = arith.constant 0 : i32
      %dma_start3A_41 = arith.constant 0 : i32
      %dma_start3A_42 = tpu.memref_slice %arg3[%select_n3A, %dma_start3A_40, %dma_start3A_41] : memref<2528x2x128xi32, #tpu.memory_space<hbm>> -> memref<1x2x128xi32, #tpu.memory_space<hbm>>
      %dma_start3A_43 = tpu.memref_squeeze %dma_start3A_42 : memref<1x2x128xi32, #tpu.memory_space<hbm>> -> memref<2x128xi32, #tpu.memory_space<hbm>>
      %dma_start3A_44 = arith.constant 0 : i32
      %dma_start3A_45 = arith.constant 0 : i32
      %dma_start3A_46 = tpu.memref_slice %arg5[%dma_start3A_44, %dma_start3A_45] : memref<16x128xi32, #tpu.memory_space<vmem>> -> memref<2x128xi32, #tpu.memory_space<vmem>>
      %dma_start3A_47 = arith.constant 0 : i32
      %dma_start3A_48 = arith.constant 0 : i32
      %dma_start3A_49 = tpu.memref_slice %arg3[%select_n3A, %dma_start3A_47, %dma_start3A_48] : memref<2528x2x128xi32, #tpu.memory_space<hbm>> -> memref<1x2x128xi32, #tpu.memory_space<hbm>>
      %dma_start3A_50 = tpu.memref_squeeze %dma_start3A_49 : memref<1x2x128xi32, #tpu.memory_space<hbm>> -> memref<2x128xi32, #tpu.memory_space<hbm>>
      tpu.enqueue_dma source(%dma_start3A_50 : memref<2x128xi32, #tpu.memory_space<hbm>>) target(%dma_start3A_46 : memref<2x128xi32, #tpu.memory_space<vmem>>) target_semaphore(%run_scoped3A : memref<!tpu.dma_semaphore, #tpu.memory_space<semaphore_mem>>)
      %dma_wait3A = arith.constant 0 : i32
      %dma_wait3A_51 = arith.constant 0 : i32
      %dma_wait3A_52 = tpu.memref_slice %arg5[%dma_wait3A, %dma_wait3A_51] : memref<16x128xi32, #tpu.memory_space<vmem>> -> memref<2x128xi32, #tpu.memory_space<vmem>>
      %dma_wait3A_53 = arith.constant 0 : i32
      %dma_wait3A_54 = arith.constant 0 : i32
      %dma_wait3A_55 = tpu.memref_slice %arg3[%select_n3A, %dma_wait3A_53, %dma_wait3A_54] : memref<2528x2x128xi32, #tpu.memory_space<hbm>> -> memref<1x2x128xi32, #tpu.memory_space<hbm>>
      %dma_wait3A_56 = tpu.memref_squeeze %dma_wait3A_55 : memref<1x2x128xi32, #tpu.memory_space<hbm>> -> memref<2x128xi32, #tpu.memory_space<hbm>>
      %dma_wait3A_57 = arith.constant 0 : i32
      %dma_wait3A_58 = arith.constant 0 : i32
      %dma_wait3A_59 = tpu.memref_slice %arg5[%dma_wait3A_57, %dma_wait3A_58] : memref<16x128xi32, #tpu.memory_space<vmem>> -> memref<2x128xi32, #tpu.memory_space<vmem>>
      %dma_wait3A_60 = arith.constant 0 : i32
      %dma_wait3A_61 = arith.constant 0 : i32
      %dma_wait3A_62 = tpu.memref_slice %arg3[%select_n3A, %dma_wait3A_60, %dma_wait3A_61] : memref<2528x2x128xi32, #tpu.memory_space<hbm>> -> memref<1x2x128xi32, #tpu.memory_space<hbm>>
      %dma_wait3A_63 = tpu.memref_squeeze %dma_wait3A_62 : memref<1x2x128xi32, #tpu.memory_space<hbm>> -> memref<2x128xi32, #tpu.memory_space<hbm>>
      tpu.wait_dma2 semaphore(%run_scoped3A : memref<!tpu.dma_semaphore, #tpu.memory_space<semaphore_mem>>) src(%dma_wait3A_63 : memref<2x128xi32, #tpu.memory_space<hbm>>) dst(%dma_wait3A_59 : memref<2x128xi32, #tpu.memory_space<vmem>>)
      tpu.yield
    }) : () -> ()
    %add3A_18 = arith.constant 1 : i32
    %add3A_19 = arith.addi %select_n3A, %add3A_18 : i32
    "tpu.region"() ({
      %run_scoped3A = tpu.sem_alloc : memref<!tpu.dma_semaphore, #tpu.memory_space<semaphore_mem>>
      %dma_start3A_37 = arith.constant 2 : i32
      %dma_start3A_38 = arith.constant 0 : i32
      %dma_start3A_39 = tpu.memref_slice %arg5[%dma_start3A_37, %dma_start3A_38] : memref<16x128xi32, #tpu.memory_space<vmem>> -> memref<2x128xi32, #tpu.memory_space<vmem>>
      %dma_start3A_40 = arith.constant 0 : i32
      %dma_start3A_41 = arith.constant 0 : i32
      %dma_start3A_42 = tpu.memref_slice %arg3[%add3A_19, %dma_start3A_40, %dma_start3A_41] : memref<2528x2x128xi32, #tpu.memory_space<hbm>> -> memref<1x2x128xi32, #tpu.memory_space<hbm>>
      %dma_start3A_43 = tpu.memref_squeeze %dma_start3A_42 : memref<1x2x128xi32, #tpu.memory_space<hbm>> -> memref<2x128xi32, #tpu.memory_space<hbm>>
      %dma_start3A_44 = arith.constant 2 : i32
      %dma_start3A_45 = arith.constant 0 : i32
      %dma_start3A_46 = tpu.memref_slice %arg5[%dma_start3A_44, %dma_start3A_45] : memref<16x128xi32, #tpu.memory_space<vmem>> -> memref<2x128xi32, #tpu.memory_space<vmem>>
      %dma_start3A_47 = arith.constant 0 : i32
      %dma_start3A_48 = arith.constant 0 : i32
      %dma_start3A_49 = tpu.memref_slice %arg3[%add3A_19, %dma_start3A_47, %dma_start3A_48] : memref<2528x2x128xi32, #tpu.memory_space<hbm>> -> memref<1x2x128xi32, #tpu.memory_space<hbm>>
      %dma_start3A_50 = tpu.memref_squeeze %dma_start3A_49 : memref<1x2x128xi32, #tpu.memory_space<hbm>> -> memref<2x128xi32, #tpu.memory_space<hbm>>
      tpu.enqueue_dma source(%dma_start3A_50 : memref<2x128xi32, #tpu.memory_space<hbm>>) target(%dma_start3A_46 : memref<2x128xi32, #tpu.memory_space<vmem>>) target_semaphore(%run_scoped3A : memref<!tpu.dma_semaphore, #tpu.memory_space<semaphore_mem>>)
      %dma_wait3A = arith.constant 2 : i32
      %dma_wait3A_51 = arith.constant 0 : i32
      %dma_wait3A_52 = tpu.memref_slice %arg5[%dma_wait3A, %dma_wait3A_51] : memref<16x128xi32, #tpu.memory_space<vmem>> -> memref<2x128xi32, #tpu.memory_space<vmem>>
      %dma_wait3A_53 = arith.constant 0 : i32
      %dma_wait3A_54 = arith.constant 0 : i32
      %dma_wait3A_55 = tpu.memref_slice %arg3[%add3A_19, %dma_wait3A_53, %dma_wait3A_54] : memref<2528x2x128xi32, #tpu.memory_space<hbm>> -> memref<1x2x128xi32, #tpu.memory_space<hbm>>
      %dma_wait3A_56 = tpu.memref_squeeze %dma_wait3A_55 : memref<1x2x128xi32, #tpu.memory_space<hbm>> -> memref<2x128xi32, #tpu.memory_space<hbm>>
      %dma_wait3A_57 = arith.constant 2 : i32
      %dma_wait3A_58 = arith.constant 0 : i32
      %dma_wait3A_59 = tpu.memref_slice %arg5[%dma_wait3A_57, %dma_wait3A_58] : memref<16x128xi32, #tpu.memory_space<vmem>> -> memref<2x128xi32, #tpu.memory_space<vmem>>
      %dma_wait3A_60 = arith.constant 0 : i32
      %dma_wait3A_61 = arith.constant 0 : i32
      %dma_wait3A_62 = tpu.memref_slice %arg3[%add3A_19, %dma_wait3A_60, %dma_wait3A_61] : memref<2528x2x128xi32, #tpu.memory_space<hbm>> -> memref<1x2x128xi32, #tpu.memory_space<hbm>>
      %dma_wait3A_63 = tpu.memref_squeeze %dma_wait3A_62 : memref<1x2x128xi32, #tpu.memory_space<hbm>> -> memref<2x128xi32, #tpu.memory_space<hbm>>
      tpu.wait_dma2 semaphore(%run_scoped3A : memref<!tpu.dma_semaphore, #tpu.memory_space<semaphore_mem>>) src(%dma_wait3A_63 : memref<2x128xi32, #tpu.memory_space<hbm>>) dst(%dma_wait3A_59 : memref<2x128xi32, #tpu.memory_space<vmem>>)
      tpu.yield
    }) : () -> ()
    %barrier3A = arith.constant 0 : index
    tpu.barrier barrier_id(%barrier3A)
    %dma_start3A = arith.constant 0 : i32
    %dma_start3A_20 = arith.constant 0 : i32
    %dma_start3A_21 = tpu.memref_slice %arg5[%dma_start3A, %dma_start3A_20] : memref<16x128xi32, #tpu.memory_space<vmem>> -> memref<1x128xi32, #tpu.memory_space<vmem>>
    %dma_start3A_22 = tpu.memref_squeeze %dma_start3A_21 : memref<1x128xi32, #tpu.memory_space<vmem>> -> memref<128xi32, #tpu.memory_space<vmem>>
    %dma_start3A_23 = arith.constant 0 : i32
    %dma_start3A_24 = arith.constant 0 : i32
    %dma_start3A_25 = tpu.memref_slice %arg2[%dma_start3A_23, %dma_start3A_24] : memref<10240x128xf32, #tpu.memory_space<hbm>> -> memref<10240x128xf32, #tpu.memory_space<hbm>>
    tpu.enqueue_indirect_dma source(%dma_start3A_25 : memref<10240x128xf32, #tpu.memory_space<hbm>>) target(%arg6 : memref<128x128xf32, #tpu.memory_space<vmem>>) offsets(%dma_start3A_22 : memref<128xi32, #tpu.memory_space<vmem>>) semaphore(%arg10 : memref<!tpu.dma_semaphore, #tpu.memory_space<semaphore_mem>>)
    %scan3A_26 = arith.constant 0 : i32
    %scan3A_27 = arith.constant 79 : i32
    %scan3A_28 = arith.addi %scan3A_26, %scan3A_27 : i32
    %scan3A_29 = arith.constant 1 : i32
    scf.for %scan3A_37 = %scan3A_26 to %scan3A_28 step %scan3A_29  : i32 {
      %mul3A_38 = arith.constant 1 : i32
      %mul3A_39 = arith.muli %scan3A_37, %mul3A_38 : i32
      %add3A_40 = arith.constant 0 : i32
      %add3A_41 = arith.addi %add3A_40, %mul3A_39 : i32
      %lt3A = arith.cmpi slt, %add3A_41, %select_n3A_8 : i32
      %convert_element_type3A = arith.extui %lt3A : i1 to i32
      %cond3A = arith.constant 0 : i32
      %cond3A_42 = arith.cmpi ne, %convert_element_type3A, %cond3A : i32
      scf.if %cond3A_42 {
        %add3A_43 = arith.constant 2 : i32
        %add3A_44 = arith.addi %add3A_41, %add3A_43 : i32
        %ge3A = arith.constant 1 : i32
        %ge3A_45 = arith.cmpi sge, %add3A_41, %ge3A : i32
        %add3A_46 = arith.constant 1 : i32
        %add3A_47 = arith.addi %add3A_41, %add3A_46 : i32
        %lt3A_48 = arith.cmpi slt, %add3A_47, %select_n3A_8 : i32
        %and3A = arith.andi %ge3A_45, %lt3A_48 : i1
        %convert_element_type3A_49 = arith.extui %and3A : i1 to i32
        %cond3A_50 = arith.constant 0 : i32
        %cond3A_51 = arith.cmpi ne, %convert_element_type3A_49, %cond3A_50 : i32
        scf.if %cond3A_51 {
          %dma_wait3A = arith.constant 0 : i32
          %dma_wait3A_119 = arith.constant 0 : i32
          %dma_wait3A_120 = tpu.memref_slice %arg5[%dma_wait3A, %dma_wait3A_119] : memref<16x128xi32, #tpu.memory_space<vmem>> -> memref<2x128xi32, #tpu.memory_space<vmem>>
          %dma_wait3A_121 = arith.constant 0 : i32
          %dma_wait3A_122 = arith.constant 0 : i32
          %dma_wait3A_123 = tpu.memref_slice %arg3[%select_n3A, %dma_wait3A_121, %dma_wait3A_122] : memref<2528x2x128xi32, #tpu.memory_space<hbm>> -> memref<1x2x128xi32, #tpu.memory_space<hbm>>
          %dma_wait3A_124 = tpu.memref_squeeze %dma_wait3A_123 : memref<1x2x128xi32, #tpu.memory_space<hbm>> -> memref<2x128xi32, #tpu.memory_space<hbm>>
          %dma_wait3A_125 = arith.constant 0 : i32
          %dma_wait3A_126 = arith.constant 0 : i32
          %dma_wait3A_127 = tpu.memref_slice %arg5[%dma_wait3A_125, %dma_wait3A_126] : memref<16x128xi32, #tpu.memory_space<vmem>> -> memref<2x128xi32, #tpu.memory_space<vmem>>
          %dma_wait3A_128 = arith.constant 0 : i32
          %dma_wait3A_129 = arith.constant 0 : i32
          %dma_wait3A_130 = tpu.memref_slice %arg3[%select_n3A, %dma_wait3A_128, %dma_wait3A_129] : memref<2528x2x128xi32, #tpu.memory_space<hbm>> -> memref<1x2x128xi32, #tpu.memory_space<hbm>>
          %dma_wait3A_131 = tpu.memref_squeeze %dma_wait3A_130 : memref<1x2x128xi32, #tpu.memory_space<hbm>> -> memref<2x128xi32, #tpu.memory_space<hbm>>
          tpu.wait_dma2 semaphore(%arg9 : memref<!tpu.dma_semaphore, #tpu.memory_space<semaphore_mem>>) src(%dma_wait3A_131 : memref<2x128xi32, #tpu.memory_space<hbm>>) dst(%dma_wait3A_127 : memref<2x128xi32, #tpu.memory_space<vmem>>)
        } else {
        }
        %lt3A_52 = arith.cmpi slt, %add3A_44, %select_n3A_8 : i32
        %convert_element_type3A_53 = arith.extui %lt3A_52 : i1 to i32
        %cond3A_54 = arith.constant 0 : i32
        %cond3A_55 = arith.cmpi ne, %convert_element_type3A_53, %cond3A_54 : i32
        scf.if %cond3A_55 {
          %add3A_119 = arith.addi %select_n3A, %add3A_44 : i32
          %jit3A_120 = arith.constant 8 : i32
          %eq3A_121 = arith.constant 0 : i32
          %eq3A_122 = arith.cmpi eq, %jit3A_120, %eq3A_121 : i32
          %jit3A_123 = arith.constant 1 : i32
          %select_n3A_124 = arith.select %eq3A_122, %jit3A_123, %jit3A_120 : i32
          %rem3A_125 = arith.remsi %add3A_44, %select_n3A_124 : i32
          %ne3A_126 = arith.constant 0 : i32
          %ne3A_127 = arith.cmpi ne, %rem3A_125, %ne3A_126 : i32
          %lt3A_128 = arith.constant 0 : i32
          %lt3A_129 = arith.cmpi slt, %rem3A_125, %lt3A_128 : i32
          %lt3A_130 = arith.constant 0 : i32
          %lt3A_131 = arith.cmpi slt, %select_n3A_124, %lt3A_130 : i32
          %ne3A_132 = arith.xori %lt3A_129, %lt3A_131 : i1
          %and3A_133 = arith.andi %ne3A_132, %ne3A_127 : i1
          %add3A_134 = arith.addi %rem3A_125, %select_n3A_124 : i32
          %select_n3A_135 = arith.select %and3A_133, %add3A_134, %rem3A_125 : i32
          %mul3A_136 = arith.constant 2 : i32
          %mul3A_137 = arith.muli %mul3A_136, %select_n3A_135 : i32
          %dma_start3A_138 = arith.constant 0 : i32
          %dma_start3A_139 = tpu.memref_slice %arg5[%mul3A_137, %dma_start3A_138] : memref<16x128xi32, #tpu.memory_space<vmem>> -> memref<2x128xi32, #tpu.memory_space<vmem>>
          %dma_start3A_140 = arith.constant 0 : i32
          %dma_start3A_141 = arith.constant 0 : i32
          %dma_start3A_142 = tpu.memref_slice %arg3[%add3A_119, %dma_start3A_140, %dma_start3A_141] : memref<2528x2x128xi32, #tpu.memory_space<hbm>> -> memref<1x2x128xi32, #tpu.memory_space<hbm>>
          %dma_start3A_143 = tpu.memref_squeeze %dma_start3A_142 : memref<1x2x128xi32, #tpu.memory_space<hbm>> -> memref<2x128xi32, #tpu.memory_space<hbm>>
          %dma_start3A_144 = arith.constant 0 : i32
          %dma_start3A_145 = tpu.memref_slice %arg5[%mul3A_137, %dma_start3A_144] : memref<16x128xi32, #tpu.memory_space<vmem>> -> memref<2x128xi32, #tpu.memory_space<vmem>>
          %dma_start3A_146 = arith.constant 0 : i32
          %dma_start3A_147 = arith.constant 0 : i32
          %dma_start3A_148 = tpu.memref_slice %arg3[%add3A_119, %dma_start3A_146, %dma_start3A_147] : memref<2528x2x128xi32, #tpu.memory_space<hbm>> -> memref<1x2x128xi32, #tpu.memory_space<hbm>>
          %dma_start3A_149 = tpu.memref_squeeze %dma_start3A_148 : memref<1x2x128xi32, #tpu.memory_space<hbm>> -> memref<2x128xi32, #tpu.memory_space<hbm>>
          tpu.enqueue_dma source(%dma_start3A_149 : memref<2x128xi32, #tpu.memory_space<hbm>>) target(%dma_start3A_145 : memref<2x128xi32, #tpu.memory_space<vmem>>) target_semaphore(%arg9 : memref<!tpu.dma_semaphore, #tpu.memory_space<semaphore_mem>>)
        } else {
        }
        %jit3A_56 = arith.constant 2 : i32
        %eq3A_57 = arith.constant 0 : i32
        %eq3A_58 = arith.cmpi eq, %jit3A_56, %eq3A_57 : i32
        %jit3A_59 = arith.constant 1 : i32
        %select_n3A_60 = arith.select %eq3A_58, %jit3A_59, %jit3A_56 : i32
        %rem3A = arith.remsi %add3A_41, %select_n3A_60 : i32
        %ne3A = arith.constant 0 : i32
        %ne3A_61 = arith.cmpi ne, %rem3A, %ne3A : i32
        %lt3A_62 = arith.constant 0 : i32
        %lt3A_63 = arith.cmpi slt, %rem3A, %lt3A_62 : i32
        %lt3A_64 = arith.constant 0 : i32
        %lt3A_65 = arith.cmpi slt, %select_n3A_60, %lt3A_64 : i32
        %ne3A_66 = arith.xori %lt3A_63, %lt3A_65 : i1
        %and3A_67 = arith.andi %ne3A_66, %ne3A_61 : i1
        %add3A_68 = arith.addi %rem3A, %select_n3A_60 : i32
        %select_n3A_69 = arith.select %and3A_67, %add3A_68, %rem3A : i32
        %eq3A_70 = arith.constant 0 : i32
        %eq3A_71 = arith.cmpi eq, %select_n3A_69, %eq3A_70 : i32
        %add3A_72 = arith.constant 1 : i32
        %add3A_73 = arith.addi %add3A_41, %add3A_72 : i32
        %jit3A_74 = arith.constant 8 : i32
        %eq3A_75 = arith.constant 0 : i32
        %eq3A_76 = arith.cmpi eq, %jit3A_74, %eq3A_75 : i32
        %jit3A_77 = arith.constant 1 : i32
        %select_n3A_78 = arith.select %eq3A_76, %jit3A_77, %jit3A_74 : i32
        %rem3A_79 = arith.remsi %add3A_73, %select_n3A_78 : i32
        %ne3A_80 = arith.constant 0 : i32
        %ne3A_81 = arith.cmpi ne, %rem3A_79, %ne3A_80 : i32
        %lt3A_82 = arith.constant 0 : i32
        %lt3A_83 = arith.cmpi slt, %rem3A_79, %lt3A_82 : i32
        %lt3A_84 = arith.constant 0 : i32
        %lt3A_85 = arith.cmpi slt, %select_n3A_78, %lt3A_84 : i32
        %ne3A_86 = arith.xori %lt3A_83, %lt3A_85 : i1
        %and3A_87 = arith.andi %ne3A_86, %ne3A_81 : i1
        %add3A_88 = arith.addi %rem3A_79, %select_n3A_78 : i32
        %select_n3A_89 = arith.select %and3A_87, %add3A_88, %rem3A_79 : i32
        %mul3A_90 = arith.constant 2 : i32
        %mul3A_91 = arith.muli %mul3A_90, %select_n3A_89 : i32
        %jit3A_92 = arith.constant 8 : i32
        %eq3A_93 = arith.constant 0 : i32
        %eq3A_94 = arith.cmpi eq, %jit3A_92, %eq3A_93 : i32
        %jit3A_95 = arith.constant 1 : i32
        %select_n3A_96 = arith.select %eq3A_94, %jit3A_95, %jit3A_92 : i32
        %rem3A_97 = arith.remsi %add3A_41, %select_n3A_96 : i32
        %ne3A_98 = arith.constant 0 : i32
        %ne3A_99 = arith.cmpi ne, %rem3A_97, %ne3A_98 : i32
        %lt3A_100 = arith.constant 0 : i32
        %lt3A_101 = arith.cmpi slt, %rem3A_97, %lt3A_100 : i32
        %lt3A_102 = arith.constant 0 : i32
        %lt3A_103 = arith.cmpi slt, %select_n3A_96, %lt3A_102 : i32
        %ne3A_104 = arith.xori %lt3A_101, %lt3A_103 : i1
        %and3A_105 = arith.andi %ne3A_104, %ne3A_99 : i1
        %add3A_106 = arith.addi %rem3A_97, %select_n3A_96 : i32
        %select_n3A_107 = arith.select %and3A_105, %add3A_106, %rem3A_97 : i32
        %mul3A_108 = arith.constant 2 : i32
        %mul3A_109 = arith.muli %mul3A_108, %select_n3A_107 : i32
        %add3A_110 = arith.constant 1 : i32
        %add3A_111 = arith.addi %mul3A_109, %add3A_110 : i32
        %convert_element_type3A_112 = arith.extui %eq3A_71 : i1 to i32
        %cond3A_113 = arith.constant 0 : i32
        %cond3A_114 = arith.cmpi ne, %convert_element_type3A_112, %cond3A_113 : i32
        scf.if %cond3A_114 {
          %add3A_119 = arith.constant 1 : i32
          %add3A_120 = arith.addi %add3A_41, %add3A_119 : i32
          %lt3A_121 = arith.cmpi slt, %add3A_120, %select_n3A_8 : i32
          %convert_element_type3A_122 = arith.extui %lt3A_121 : i1 to i32
          %cond3A_123 = arith.constant 0 : i32
          %cond3A_124 = arith.cmpi ne, %convert_element_type3A_122, %cond3A_123 : i32
          scf.if %cond3A_124 {
            %dma_start3A_130 = arith.constant 0 : i32
            %dma_start3A_131 = tpu.memref_slice %arg5[%mul3A_91, %dma_start3A_130] : memref<16x128xi32, #tpu.memory_space<vmem>> -> memref<1x128xi32, #tpu.memory_space<vmem>>
            %dma_start3A_132 = tpu.memref_squeeze %dma_start3A_131 : memref<1x128xi32, #tpu.memory_space<vmem>> -> memref<128xi32, #tpu.memory_space<vmem>>
            %dma_start3A_133 = arith.constant 0 : i32
            %dma_start3A_134 = arith.constant 0 : i32
            %dma_start3A_135 = tpu.memref_slice %arg2[%dma_start3A_133, %dma_start3A_134] : memref<10240x128xf32, #tpu.memory_space<hbm>> -> memref<10240x128xf32, #tpu.memory_space<hbm>>
            tpu.enqueue_indirect_dma source(%dma_start3A_135 : memref<10240x128xf32, #tpu.memory_space<hbm>>) target(%arg7 : memref<128x128xf32, #tpu.memory_space<vmem>>) offsets(%dma_start3A_132 : memref<128xi32, #tpu.memory_space<vmem>>) semaphore(%arg11 : memref<!tpu.dma_semaphore, #tpu.memory_space<semaphore_mem>>)
          } else {
          }
          %dma_wait3A = arith.constant 0 : i32
          %dma_wait3A_125 = tpu.memref_slice %arg5[%mul3A_91, %dma_wait3A] : memref<16x128xi32, #tpu.memory_space<vmem>> -> memref<1x128xi32, #tpu.memory_space<vmem>>
          %dma_wait3A_126 = tpu.memref_squeeze %dma_wait3A_125 : memref<1x128xi32, #tpu.memory_space<vmem>> -> memref<128xi32, #tpu.memory_space<vmem>>
          %dma_wait3A_127 = arith.constant 0 : i32
          %dma_wait3A_128 = arith.constant 0 : i32
          %dma_wait3A_129 = tpu.memref_slice %arg2[%dma_wait3A_127, %dma_wait3A_128] : memref<10240x128xf32, #tpu.memory_space<hbm>> -> memref<10240x128xf32, #tpu.memory_space<hbm>>
          tpu.wait_indirect_dma semaphore(%arg10 : memref<!tpu.dma_semaphore, #tpu.memory_space<semaphore_mem>>) src(%dma_wait3A_129 : memref<10240x128xf32, #tpu.memory_space<hbm>>) dst(%arg6 : memref<128x128xf32, #tpu.memory_space<vmem>>)
          "tpu.region"() ({
            %run_scoped3A = tpu.sem_alloc : memref<!tpu.dma_semaphore, #tpu.memory_space<semaphore_mem>>
            %dma_start3A_130 = arith.constant 0 : i32
            %dma_start3A_131 = tpu.memref_slice %arg5[%add3A_111, %dma_start3A_130] : memref<16x128xi32, #tpu.memory_space<vmem>> -> memref<1x128xi32, #tpu.memory_space<vmem>>
            %dma_start3A_132 = tpu.memref_squeeze %dma_start3A_131 : memref<1x128xi32, #tpu.memory_space<vmem>> -> memref<128xi32, #tpu.memory_space<vmem>>
            %dma_start3A_133 = arith.constant 0 : i32
            %dma_start3A_134 = arith.constant 0 : i32
            %dma_start3A_135 = tpu.memref_slice %arg8[%dma_start3A_133, %dma_start3A_134] : memref<10240x128xf32, #tpu.memory_space<vmem_shared>> -> memref<10240x128xf32, #tpu.memory_space<vmem_shared>>
            tpu.enqueue_indirect_dma source(%arg6 : memref<128x128xf32, #tpu.memory_space<vmem>>) target(%dma_start3A_135 : memref<10240x128xf32, #tpu.memory_space<vmem_shared>>) offsets(%dma_start3A_132 : memref<128xi32, #tpu.memory_space<vmem>>) semaphore(%run_scoped3A : memref<!tpu.dma_semaphore, #tpu.memory_space<semaphore_mem>>) {add = true}
            %dma_wait3A_136 = arith.constant 0 : i32
            %dma_wait3A_137 = tpu.memref_slice %arg5[%add3A_111, %dma_wait3A_136] : memref<16x128xi32, #tpu.memory_space<vmem>> -> memref<1x128xi32, #tpu.memory_space<vmem>>
            %dma_wait3A_138 = tpu.memref_squeeze %dma_wait3A_137 : memref<1x128xi32, #tpu.memory_space<vmem>> -> memref<128xi32, #tpu.memory_space<vmem>>
            %dma_wait3A_139 = arith.constant 0 : i32
            %dma_wait3A_140 = arith.constant 0 : i32
            %dma_wait3A_141 = tpu.memref_slice %arg8[%dma_wait3A_139, %dma_wait3A_140] : memref<10240x128xf32, #tpu.memory_space<vmem_shared>> -> memref<10240x128xf32, #tpu.memory_space<vmem_shared>>
            tpu.wait_indirect_dma semaphore(%run_scoped3A : memref<!tpu.dma_semaphore, #tpu.memory_space<semaphore_mem>>) src(%arg6 : memref<128x128xf32, #tpu.memory_space<vmem>>) dst(%dma_wait3A_141 : memref<10240x128xf32, #tpu.memory_space<vmem_shared>>)
            tpu.yield
          }) : () -> ()
        } else {
        }
        %not3A = arith.constant true
        %not3A_115 = arith.xori %eq3A_71, %not3A : i1
        %convert_element_type3A_116 = arith.extui %not3A_115 : i1 to i32
        %cond3A_117 = arith.constant 0 : i32
        %cond3A_118 = arith.cmpi ne, %convert_element_type3A_116, %cond3A_117 : i32
        scf.if %cond3A_118 {
          %add3A_119 = arith.constant 1 : i32
          %add3A_120 = arith.addi %add3A_41, %add3A_119 : i32
          %lt3A_121 = arith.cmpi slt, %add3A_120, %select_n3A_8 : i32
          %convert_element_type3A_122 = arith.extui %lt3A_121 : i1 to i32
          %cond3A_123 = arith.constant 0 : i32
          %cond3A_124 = arith.cmpi ne, %convert_element_type3A_122, %cond3A_123 : i32
          scf.if %cond3A_124 {
            %dma_start3A_130 = arith.constant 0 : i32
            %dma_start3A_131 = tpu.memref_slice %arg5[%mul3A_91, %dma_start3A_130] : memref<16x128xi32, #tpu.memory_space<vmem>> -> memref<1x128xi32, #tpu.memory_space<vmem>>
            %dma_start3A_132 = tpu.memref_squeeze %dma_start3A_131 : memref<1x128xi32, #tpu.memory_space<vmem>> -> memref<128xi32, #tpu.memory_space<vmem>>
            %dma_start3A_133 = arith.constant 0 : i32
            %dma_start3A_134 = arith.constant 0 : i32
            %dma_start3A_135 = tpu.memref_slice %arg2[%dma_start3A_133, %dma_start3A_134] : memref<10240x128xf32, #tpu.memory_space<hbm>> -> memref<10240x128xf32, #tpu.memory_space<hbm>>
            tpu.enqueue_indirect_dma source(%dma_start3A_135 : memref<10240x128xf32, #tpu.memory_space<hbm>>) target(%arg6 : memref<128x128xf32, #tpu.memory_space<vmem>>) offsets(%dma_start3A_132 : memref<128xi32, #tpu.memory_space<vmem>>) semaphore(%arg10 : memref<!tpu.dma_semaphore, #tpu.memory_space<semaphore_mem>>)
          } else {
          }
          %dma_wait3A = arith.constant 0 : i32
          %dma_wait3A_125 = tpu.memref_slice %arg5[%mul3A_91, %dma_wait3A] : memref<16x128xi32, #tpu.memory_space<vmem>> -> memref<1x128xi32, #tpu.memory_space<vmem>>
          %dma_wait3A_126 = tpu.memref_squeeze %dma_wait3A_125 : memref<1x128xi32, #tpu.memory_space<vmem>> -> memref<128xi32, #tpu.memory_space<vmem>>
          %dma_wait3A_127 = arith.constant 0 : i32
          %dma_wait3A_128 = arith.constant 0 : i32
          %dma_wait3A_129 = tpu.memref_slice %arg2[%dma_wait3A_127, %dma_wait3A_128] : memref<10240x128xf32, #tpu.memory_space<hbm>> -> memref<10240x128xf32, #tpu.memory_space<hbm>>
          tpu.wait_indirect_dma semaphore(%arg11 : memref<!tpu.dma_semaphore, #tpu.memory_space<semaphore_mem>>) src(%dma_wait3A_129 : memref<10240x128xf32, #tpu.memory_space<hbm>>) dst(%arg7 : memref<128x128xf32, #tpu.memory_space<vmem>>)
          "tpu.region"() ({
            %run_scoped3A = tpu.sem_alloc : memref<!tpu.dma_semaphore, #tpu.memory_space<semaphore_mem>>
            %dma_start3A_130 = arith.constant 0 : i32
            %dma_start3A_131 = tpu.memref_slice %arg5[%add3A_111, %dma_start3A_130] : memref<16x128xi32, #tpu.memory_space<vmem>> -> memref<1x128xi32, #tpu.memory_space<vmem>>
            %dma_start3A_132 = tpu.memref_squeeze %dma_start3A_131 : memref<1x128xi32, #tpu.memory_space<vmem>> -> memref<128xi32, #tpu.memory_space<vmem>>
            %dma_start3A_133 = arith.constant 0 : i32
            %dma_start3A_134 = arith.constant 0 : i32
            %dma_start3A_135 = tpu.memref_slice %arg8[%dma_start3A_133, %dma_start3A_134] : memref<10240x128xf32, #tpu.memory_space<vmem_shared>> -> memref<10240x128xf32, #tpu.memory_space<vmem_shared>>
            tpu.enqueue_indirect_dma source(%arg7 : memref<128x128xf32, #tpu.memory_space<vmem>>) target(%dma_start3A_135 : memref<10240x128xf32, #tpu.memory_space<vmem_shared>>) offsets(%dma_start3A_132 : memref<128xi32, #tpu.memory_space<vmem>>) semaphore(%run_scoped3A : memref<!tpu.dma_semaphore, #tpu.memory_space<semaphore_mem>>) {add = true}
            %dma_wait3A_136 = arith.constant 0 : i32
            %dma_wait3A_137 = tpu.memref_slice %arg5[%add3A_111, %dma_wait3A_136] : memref<16x128xi32, #tpu.memory_space<vmem>> -> memref<1x128xi32, #tpu.memory_space<vmem>>
            %dma_wait3A_138 = tpu.memref_squeeze %dma_wait3A_137 : memref<1x128xi32, #tpu.memory_space<vmem>> -> memref<128xi32, #tpu.memory_space<vmem>>
            %dma_wait3A_139 = arith.constant 0 : i32
            %dma_wait3A_140 = arith.constant 0 : i32
            %dma_wait3A_141 = tpu.memref_slice %arg8[%dma_wait3A_139, %dma_wait3A_140] : memref<10240x128xf32, #tpu.memory_space<vmem_shared>> -> memref<10240x128xf32, #tpu.memory_space<vmem_shared>>
            tpu.wait_indirect_dma semaphore(%run_scoped3A : memref<!tpu.dma_semaphore, #tpu.memory_space<semaphore_mem>>) src(%arg7 : memref<128x128xf32, #tpu.memory_space<vmem>>) dst(%dma_wait3A_141 : memref<10240x128xf32, #tpu.memory_space<vmem_shared>>)
            tpu.yield
          }) : () -> ()
        } else {
        }
      } else {
      }
    }
    %scan3A_30 = arith.constant 79 : i32
    %barrier3A_31 = arith.constant 0 : index
    tpu.barrier barrier_id(%barrier3A_31)
    %scan3A_32 = arith.constant 0 : i32
    %scan3A_33 = arith.constant 5 : i32
    %scan3A_34 = arith.addi %scan3A_32, %scan3A_33 : i32
    %scan3A_35 = arith.constant 1 : i32
    scf.for %scan3A_37 = %scan3A_32 to %scan3A_34 step %scan3A_35  : i32 {
      %mul3A_38 = arith.constant 1 : i32
      %mul3A_39 = arith.muli %scan3A_37, %mul3A_38 : i32
      %add3A_40 = arith.constant 0 : i32
      %add3A_41 = arith.addi %add3A_40, %mul3A_39 : i32
      %mul3A_42 = arith.constant 640 : i32
      %mul3A_43 = arith.muli %arg1, %mul3A_42 : i32
      %mul3A_44 = arith.constant 128 : i32
      %mul3A_45 = arith.muli %add3A_41, %mul3A_44 : i32
      %add3A_46 = arith.addi %mul3A_43, %mul3A_45 : i32
      "tpu.region"() ({
        %run_scoped3A = tpu.sem_alloc : memref<!tpu.dma_semaphore, #tpu.memory_space<semaphore_mem>>
        %dma_start3A_47 = arith.constant 0 : i32
        %dma_start3A_48 = tpu.memref_slice %arg4[%arg0, %add3A_46, %dma_start3A_47] : memref<2x10240x128xf32, #tpu.memory_space<hbm>> -> memref<1x128x128xf32, #tpu.memory_space<hbm>>
        %dma_start3A_49 = tpu.memref_squeeze %dma_start3A_48 : memref<1x128x128xf32, #tpu.memory_space<hbm>> -> memref<128x128xf32, #tpu.memory_space<hbm>>
        %dma_start3A_50 = arith.constant 0 : i32
        %dma_start3A_51 = tpu.memref_slice %arg8[%add3A_46, %dma_start3A_50] : memref<10240x128xf32, #tpu.memory_space<vmem_shared>> -> memref<128x128xf32, #tpu.memory_space<vmem_shared>>
        tpu.enqueue_dma source(%dma_start3A_51 : memref<128x128xf32, #tpu.memory_space<vmem_shared>>) target(%dma_start3A_49 : memref<128x128xf32, #tpu.memory_space<hbm>>) target_semaphore(%run_scoped3A : memref<!tpu.dma_semaphore, #tpu.memory_space<semaphore_mem>>)
        %dma_wait3A = arith.constant 0 : i32
        %dma_wait3A_52 = tpu.memref_slice %arg4[%arg0, %add3A_46, %dma_wait3A] : memref<2x10240x128xf32, #tpu.memory_space<hbm>> -> memref<1x128x128xf32, #tpu.memory_space<hbm>>
        %dma_wait3A_53 = tpu.memref_squeeze %dma_wait3A_52 : memref<1x128x128xf32, #tpu.memory_space<hbm>> -> memref<128x128xf32, #tpu.memory_space<hbm>>
        %dma_wait3A_54 = arith.constant 0 : i32
        %dma_wait3A_55 = tpu.memref_slice %arg8[%add3A_46, %dma_wait3A_54] : memref<10240x128xf32, #tpu.memory_space<vmem_shared>> -> memref<128x128xf32, #tpu.memory_space<vmem_shared>>
        tpu.wait_dma2 semaphore(%run_scoped3A : memref<!tpu.dma_semaphore, #tpu.memory_space<semaphore_mem>>) src(%dma_wait3A_55 : memref<128x128xf32, #tpu.memory_space<vmem_shared>>) dst(%dma_wait3A_53 : memref<128x128xf32, #tpu.memory_space<hbm>>)
        tpu.yield
      }) : () -> ()
    }
    %scan3A_36 = arith.constant 5 : i32
    return
  }
}

module attributes {stable_mosaic.version = 14 : i64} {
  func.func @_mm_body(%arg0: memref<10240x128xf32, #tpu.memory_space<vmem>>, %arg1: memref<128x128xf32, #tpu.memory_space<vmem>>, %arg2: memref<10240x128xf32, #tpu.memory_space<vmem>>) attributes {dimension_semantics = [], scalar_prefetch = 0 : i64, scratch_operands = 0 : i64, tpu.core_type = #tpu.core_type<tc>} {
    %get3A = arith.constant 0 : index
    %get3A_0 = arith.constant 0 : index
    %get3A_1 = vector.load %arg0[%get3A, %get3A_0] : memref<10240x128xf32, #tpu.memory_space<vmem>>, vector<10240x128xf32>
    %get3A_2 = arith.constant 0 : index
    %get3A_3 = arith.constant 0 : index
    %get3A_4 = vector.load %arg1[%get3A_2, %get3A_3] : memref<128x128xf32, #tpu.memory_space<vmem>>, vector<128x128xf32>
    %dot_general3A = arith.constant dense<0.000000e+00> : vector<10240x128xf32>
    %dot_general3A_5 = tpu.matmul %get3A_1, %get3A_4, %dot_general3A {dimension_numbers = #tpu.dot_dimension_numbers<[1], [0], [0], [1], [0, 0, 1, 1], [], []>, transpose_lhs_hint = false} : vector<10240x128xf32>, vector<128x128xf32>, vector<10240x128xf32> -> vector<10240x128xf32>
    %swap3A = arith.constant 0 : index
    %swap3A_6 = arith.constant 0 : index
    %swap3A_7 = vector.load %arg2[%swap3A, %swap3A_6] : memref<10240x128xf32, #tpu.memory_space<vmem>>, vector<10240x128xf32>
    tpu.vector_store %arg2[%swap3A, %swap3A_6], %dot_general3A_5 {strides = array<i32>} : memref<10240x128xf32, #tpu.memory_space<vmem>>, vector<10240x128xf32>,
    return
  }
}

module attributes {stable_mosaic.version = 14 : i64} {
  func.func @_scale_body(%arg0: memref<10240x16xf32, #tpu.memory_space<vmem>>, %arg1: memref<10240x16xf32, #tpu.memory_space<vmem>>, %arg2: memref<10240x128xf32, #tpu.memory_space<vmem>>, %arg3: memref<10240x128xf32, #tpu.memory_space<vmem>>, %arg4: memref<10240x1xf32, #tpu.memory_space<vmem>>) attributes {dimension_semantics = [], scalar_prefetch = 0 : i64, scratch_operands = 0 : i64, tpu.core_type = #tpu.core_type<tc>} {
    %get3A = arith.constant 0 : index
    %get3A_0 = arith.constant 0 : index
    %get3A_1 = vector.load %arg0[%get3A, %get3A_0] : memref<10240x16xf32, #tpu.memory_space<vmem>>, vector<10240x1xf32>
    %get3A_2 = arith.constant 0 : index
    %get3A_3 = arith.constant 0 : index
    %get3A_4 = vector.load %arg1[%get3A_2, %get3A_3] : memref<10240x16xf32, #tpu.memory_space<vmem>>, vector<10240x1xf32>
    %add3A = arith.addf %get3A_1, %get3A_4 : vector<10240x1xf32>
    %add3A_5 = arith.constant 1.000000e+00 : f32
    %add3A_6 = vector.broadcast %add3A_5 : f32 to vector<10240x1xf32>
    %add3A_7 = arith.addf %add3A, %add3A_6 : vector<10240x1xf32>
    %rsqrt3A = math.rsqrt %add3A_7 : vector<10240x1xf32>
    %get3A_8 = arith.constant 0 : index
    %get3A_9 = arith.constant 0 : index
    %get3A_10 = vector.load %arg2[%get3A_8, %get3A_9] : memref<10240x128xf32, #tpu.memory_space<vmem>>, vector<10240x128xf32>
    %mul3A = vector.broadcast %rsqrt3A : vector<10240x1xf32> to vector<10240x128xf32>
    %mul3A_11 = arith.mulf %mul3A, %get3A_10 : vector<10240x128xf32>
    %swap3A = arith.constant 0 : index
    %swap3A_12 = arith.constant 0 : index
    %swap3A_13 = vector.load %arg3[%swap3A, %swap3A_12] : memref<10240x128xf32, #tpu.memory_space<vmem>>, vector<10240x128xf32>
    tpu.vector_store %arg3[%swap3A, %swap3A_12], %mul3A_11 {strides = array<i32>} : memref<10240x128xf32, #tpu.memory_space<vmem>>, vector<10240x128xf32>,
    %swap3A_14 = arith.constant 0 : index
    %swap3A_15 = arith.constant 0 : index
    %swap3A_16 = vector.load %arg4[%swap3A_14, %swap3A_15] : memref<10240x1xf32, #tpu.memory_space<vmem>>, vector<10240x1xf32>
    tpu.vector_store %arg4[%swap3A_14, %swap3A_15], %rsqrt3A {strides = array<i32>} : memref<10240x1xf32, #tpu.memory_space<vmem>>, vector<10240x1xf32>,
    return
  }
}

module attributes {stable_mosaic.version = 14 : i64} {
  func.func @_mid_body(%arg0: memref<10240x128xf32, #tpu.memory_space<vmem>>, %arg1: memref<10240x128xf32, #tpu.memory_space<vmem>>, %arg2: memref<10240x128xf32, #tpu.memory_space<vmem>>, %arg3: memref<10240x1xf32, #tpu.memory_space<vmem>>, %arg4: memref<1x128xf32, #tpu.memory_space<vmem>>, %arg5: memref<128x128xf32, #tpu.memory_space<vmem>>, %arg6: memref<10240x128xf32, #tpu.memory_space<vmem>>) attributes {dimension_semantics = [], scalar_prefetch = 0 : i64, scratch_operands = 0 : i64, tpu.core_type = #tpu.core_type<tc>} {
    %get3A = arith.constant 0 : index
    %get3A_0 = arith.constant 0 : index
    %get3A_1 = vector.load %arg3[%get3A, %get3A_0] : memref<10240x1xf32, #tpu.memory_space<vmem>>, vector<10240x1xf32>
    %get3A_2 = arith.constant 0 : index
    %get3A_3 = arith.constant 0 : index
    %get3A_4 = vector.load %arg0[%get3A_2, %get3A_3] : memref<10240x128xf32, #tpu.memory_space<vmem>>, vector<10240x128xf32>
    %get3A_5 = arith.constant 0 : index
    %get3A_6 = arith.constant 0 : index
    %get3A_7 = vector.load %arg1[%get3A_5, %get3A_6] : memref<10240x128xf32, #tpu.memory_space<vmem>>, vector<10240x128xf32>
    %add3A = arith.addf %get3A_4, %get3A_7 : vector<10240x128xf32>
    %get3A_8 = arith.constant 0 : index
    %get3A_9 = arith.constant 0 : index
    %get3A_10 = vector.load %arg2[%get3A_8, %get3A_9] : memref<10240x128xf32, #tpu.memory_space<vmem>>, vector<10240x128xf32>
    %add3A_11 = arith.addf %add3A, %get3A_10 : vector<10240x128xf32>
    %mul3A = vector.broadcast %get3A_1 : vector<10240x1xf32> to vector<10240x128xf32>
    %mul3A_12 = arith.mulf %mul3A, %add3A_11 : vector<10240x128xf32>
    %get3A_13 = arith.constant 0 : index
    %get3A_14 = arith.constant 0 : index
    %get3A_15 = vector.load %arg4[%get3A_13, %get3A_14] : memref<1x128xf32, #tpu.memory_space<vmem>>, vector<1x128xf32>
    %add3A_16 = vector.broadcast %get3A_15 : vector<1x128xf32> to vector<10240x128xf32>
    %add3A_17 = arith.addf %mul3A_12, %add3A_16 : vector<10240x128xf32>
    %max3A = arith.constant 0.000000e+00 : f32
    %max3A_18 = vector.broadcast %max3A : f32 to vector<10240x128xf32>
    %max3A_19 = arith.maximumf %add3A_17, %max3A_18 : vector<10240x128xf32>
    %get3A_20 = arith.constant 0 : index
    %get3A_21 = arith.constant 0 : index
    %get3A_22 = vector.load %arg3[%get3A_20, %get3A_21] : memref<10240x1xf32, #tpu.memory_space<vmem>>, vector<10240x1xf32>
    %get3A_23 = arith.constant 0 : index
    %get3A_24 = arith.constant 0 : index
    %get3A_25 = vector.load %arg5[%get3A_23, %get3A_24] : memref<128x128xf32, #tpu.memory_space<vmem>>, vector<128x128xf32>
    %dot_general3A = arith.constant dense<0.000000e+00> : vector<10240x128xf32>
    %dot_general3A_26 = tpu.matmul %max3A_19, %get3A_25, %dot_general3A {dimension_numbers = #tpu.dot_dimension_numbers<[1], [0], [0], [1], [0, 0, 1, 1], [], []>, transpose_lhs_hint = false} : vector<10240x128xf32>, vector<128x128xf32>, vector<10240x128xf32> -> vector<10240x128xf32>
    %mul3A_27 = vector.broadcast %get3A_22 : vector<10240x1xf32> to vector<10240x128xf32>
    %mul3A_28 = arith.mulf %mul3A_27, %dot_general3A_26 : vector<10240x128xf32>
    %swap3A = arith.constant 0 : index
    %swap3A_29 = arith.constant 0 : index
    %swap3A_30 = vector.load %arg6[%swap3A, %swap3A_29] : memref<10240x128xf32, #tpu.memory_space<vmem>>, vector<10240x128xf32>
    tpu.vector_store %arg6[%swap3A, %swap3A_29], %mul3A_28 {strides = array<i32>} : memref<10240x128xf32, #tpu.memory_space<vmem>>, vector<10240x128xf32>,
    return
  }
}

module attributes {stable_mosaic.version = 14 : i64} {
  func.func @_fin_body(%arg0: memref<10240x128xf32, #tpu.memory_space<vmem>>, %arg1: memref<10240x128xf32, #tpu.memory_space<vmem>>, %arg2: memref<10240x128xf32, #tpu.memory_space<vmem>>, %arg3: memref<10240x1xf32, #tpu.memory_space<vmem>>, %arg4: memref<1x128xf32, #tpu.memory_space<vmem>>, %arg5: memref<10240x128xf32, #tpu.memory_space<vmem>>) attributes {dimension_semantics = [], scalar_prefetch = 0 : i64, scratch_operands = 0 : i64, tpu.core_type = #tpu.core_type<tc>} {
    %get3A = arith.constant 0 : index
    %get3A_0 = arith.constant 0 : index
    %get3A_1 = vector.load %arg3[%get3A, %get3A_0] : memref<10240x1xf32, #tpu.memory_space<vmem>>, vector<10240x1xf32>
    %get3A_2 = arith.constant 0 : index
    %get3A_3 = arith.constant 0 : index
    %get3A_4 = vector.load %arg0[%get3A_2, %get3A_3] : memref<10240x128xf32, #tpu.memory_space<vmem>>, vector<10240x128xf32>
    %get3A_5 = arith.constant 0 : index
    %get3A_6 = arith.constant 0 : index
    %get3A_7 = vector.load %arg1[%get3A_5, %get3A_6] : memref<10240x128xf32, #tpu.memory_space<vmem>>, vector<10240x128xf32>
    %add3A = arith.addf %get3A_4, %get3A_7 : vector<10240x128xf32>
    %get3A_8 = arith.constant 0 : index
    %get3A_9 = arith.constant 0 : index
    %get3A_10 = vector.load %arg2[%get3A_8, %get3A_9] : memref<10240x128xf32, #tpu.memory_space<vmem>>, vector<10240x128xf32>
    %add3A_11 = arith.addf %add3A, %get3A_10 : vector<10240x128xf32>
    %mul3A = vector.broadcast %get3A_1 : vector<10240x1xf32> to vector<10240x128xf32>
    %mul3A_12 = arith.mulf %mul3A, %add3A_11 : vector<10240x128xf32>
    %get3A_13 = arith.constant 0 : index
    %get3A_14 = arith.constant 0 : index
    %get3A_15 = vector.load %arg4[%get3A_13, %get3A_14] : memref<1x128xf32, #tpu.memory_space<vmem>>, vector<1x128xf32>
    %add3A_16 = vector.broadcast %get3A_15 : vector<1x128xf32> to vector<10240x128xf32>
    %add3A_17 = arith.addf %mul3A_12, %add3A_16 : vector<10240x128xf32>
    %swap3A = arith.constant 0 : index
    %swap3A_18 = arith.constant 0 : index
    %swap3A_19 = vector.load %arg5[%swap3A, %swap3A_18] : memref<10240x128xf32, #tpu.memory_space<vmem>>, vector<10240x128xf32>
    tpu.vector_store %arg5[%swap3A, %swap3A_18], %add3A_17 {strides = array<i32>} : memref<10240x128xf32, #tpu.memory_space<vmem>>, vector<10240x128xf32>,
    return
  }
}

</mosaic_0001>

<sc_bundles>
// kernel: kernel.11.cloned.1.call-start
scs
__scs_entry_jumppad:
0x0: {  	(pc) =	sbr.rel $0x88, $3  }
0x1: {  	(tag) =	ssettag $0x0;
	lr =	simm.s32 $0x1  }
0x2: {  	[smem:$0x3F99] =	sst lr;
	_ =	strace $0xD0000000  }
0x3: {  	_ = 	snop  }
0x4: {  	_ = 	snop  }
0x5: {  	_ = 	snop  }
0x6: {  	_ = 	snop  }
0x7: {  	_ = 	snop  }
__scs_overlays_trampoline_lowered:
0x8: {  	[smem:$0x3FA8] =	sst s0  }
0x9: {  	[smem:$0x3FA9] =	sst s1  }
0xa: {  	[smem:$0x3FAA] =	sst s2  }
0xb: {  	[smem:$0x3FAB] =	sst s3  }
0xc: {  	[smem:$0x3FAC] =	sst s4  }
0xd: {  	[smem:$0x3FAD] =	sst s5  }
0xe: {  	[smem:$0x3FAE] =	sst s6  }
0xf: {  	[smem:$0x3FAF] =	sst s7  }
0x10: {  	[smem:$0x3FB0] =	sst s8  }
0x11: {  	[smem:$0x3FB1] =	sst s9;
	s0 =	simm.s32 @!p0 $0x0  }
0x12: {  	s1 =	sld [smem:$0x3F97];
	s0 =	simm.s32 @p0 $0x1  }
0x13: {  	[smem:$0x3FB2] =	sst s0;
	s0 =	simm.s32 @!p1 $0x0  }
0x14: {  	s2 =	sld [smem:$0x3F96];
	s0 =	simm.s32 @p1 $0x1  }
0x15: {  	[smem:$0x3FB3] =	sst s0;
	s0 =	simm.s32 @!p2 $0x0  }
0x16: {  	s3 =	sld [smem:$0x3FDB];
	s0 =	simm.s32 @p2 $0x1  }
0x17: {  	s4 =	simm.s32 $0x1BF5;
	[smem:$0x3FB5] =	sst s0  }
0x18: {  	s0 =	sld [smem:$0x3F98];
	_ =	swait.ge [sflag:s4], $0x0  }
0x19: {  	s7 =	sld [smem:$0x3F99]  }
0x1a: {  	s8 =	sadd.s32 $0xFFFFE003, lr  }
0x1b: {  	s9 =	sadd.s32 $0xFFFFFEF7, lr;
	s5 =	simm.s32 $0xFFFFFFFF;
	p2 =	slt.u32 s8, $0xFFFFF086  }
0x1c: {  	p1 =	slt.u32 s9, $0xF7A;
	s5 =	simm.s32 @!p2 $0x0  }
0x1d: {  	s5 =	simm.s32 @p1 $0x1;
	p0 =	seq.s32 s7, s2  }
0x1e: {  	s7 =	smul.u32 @!p0 $0xF7A, s2;
	p2 =	seq.s32 @!p0 s5, $0x0  }
0x1f: {  	s9 =	smul.u32 $0xF7A, s1;
	s8 =	simm.s32 @!p0 $0x1BF5;
	p2 =	por !p2, p0  }
0x20: {  	[sflag:s8] =	ssyncset.s32 @!p0 $0xFFFFF086;
	s6 =	sadd.s32 @!p0 s3, s7;
	s7 =	simm.s32 @!p0 $0x108  }
0x21: {  	s3 =	sadd.s32 s3, s9;
	s6 =	sadd.s32 @!p0 $0x88, s6;
	s7 =	simm.s32 @p2 $0x1082  }
0x22: {  	[simem:s7], [sflag:s8] =	dma.local @!p0 [hbm:s6], $0xF7A  }
0x23: {  	s9 =	sor.u32 $0xD0000000, s2;
	s6 =	simm.s32 $0x108;
	_ =	swait.ge @!p0 [sflag:s8], $0x0  }
0x24: {  	s3 =	sadd.s32 $0x88, s3;
	s6 =	simm.s32 @!p1 $0x1082;
	[sflag:s4] =	ssyncset.s32 $0xFFFFF086  }
0x25: {  	[simem:s6], [sflag:s4] =	dma.local [hbm:s3], $0xF7A  }
0x26: {  	[smem:$0x3F99] =	sst s1;
	(tag) =	ssettag s2;
	_ =	strace s9  }
0x27: {  	s1 =	sld [smem:$0x3FA9]  }
0x28: {  	s2 =	sld [smem:$0x3FAA]  }
0x29: {  	s4 =	sld [smem:$0x3FAC]  }
0x2a: {  	p0 =	seq.s32 s5, $0x0;
	s5 =	sld [smem:$0x3FAD]  }
0x2b: {  	s6 =	sld [smem:$0x3FAE]  }
0x2c: {  	s7 =	sld [smem:$0x3FAF]  }
0x2d: {  	s3 =	simm.s32 $0x108;
	s8 =	sld [smem:$0x3FB0]  }
0x2e: {  	s3 =	simm.s32 @!p0 $0x1082;
	s9 =	sld [smem:$0x3FB1]  }
0x2f: {  	lr =	sadd.s32 s0, s3;
	s0 =	sld [smem:$0x3FA8]  }
0x30: {  	s3 =	sld [smem:$0x3FAB]  }
0x31: {  	[smem:$0x3FB4] =	sst s10  }
0x32: {  	s10 =	sld [smem:$0x3FB2];
	_ =	sdelay $0x3  }
0x33: {  	p0 =	seq.s32 s10, $0x1;
	s10 =	sld [smem:$0x3FB4];
	_ =	sdelay $0x3  }
0x34: {  	[smem:$0x3FB4] =	sst s10  }
0x35: {  	s10 =	sld [smem:$0x3FB3];
	_ =	sdelay $0x3  }
0x36: {  	p1 =	seq.s32 s10, $0x1;
	s10 =	sld [smem:$0x3FB4];
	_ =	sdelay $0x3  }
0x37: {  	[smem:$0x3FB4] =	sst s10  }
0x38: {  	s10 =	sld [smem:$0x3FB5]  }
0x39: {  	_ = 	snop;
	(pc) =	sbr.ind lr, $3  }
0x3a: {  	_ = 	snop  }
0x3b: {  	_ = 	snop  }
0x3c: {  	p2 =	seq.s32 s10, $0x1;
	s10 =	sld [smem:$0x3FB4]  }
0x3d: {  	_ =	shalt  }
0x3e: {  	_ =	shalt  }
0x3f: {  	_ =	shalt  }
0x40: {  	_ =	shalt  }
0x41: {  	_ =	shalt  }
0x42: {  	_ =	shalt  }
0x43: {  	_ =	shalt  }
0x44: {  	_ =	shalt  }
0x45: {  	_ =	shalt  }
0x46: {  	_ =	shalt  }
0x47: {  	_ =	shalt  }
0x48: {  	_ =	shalt  }
0x49: {  	_ =	shalt  }
0x4a: {  	_ =	shalt  }
0x4b: {  	_ =	shalt  }
0x4c: {  	_ =	shalt  }
0x4d: {  	_ =	shalt  }
0x4e: {  	_ =	shalt  }
0x4f: {  	_ =	shalt  }
0x50: {  	_ =	shalt  }
0x51: {  	_ =	shalt  }
0x52: {  	_ =	shalt  }
0x53: {  	_ =	shalt  }
0x54: {  	_ =	shalt  }
0x55: {  	_ =	shalt  }
0x56: {  	_ =	shalt  }
0x57: {  	_ =	shalt  }
0x58: {  	_ =	shalt  }
0x59: {  	_ =	shalt  }
0x5a: {  	_ =	shalt  }
0x5b: {  	_ =	shalt  }
0x5c: {  	_ =	shalt  }
0x5d: {  	_ =	shalt  }
0x5e: {  	_ =	shalt  }
0x5f: {  	_ =	shalt  }
0x60: {  	_ =	shalt  }
0x61: {  	_ =	shalt  }
0x62: {  	_ =	shalt  }
0x63: {  	_ =	shalt  }
0x64: {  	_ =	shalt  }
0x65: {  	_ =	shalt  }
0x66: {  	_ =	shalt  }
0x67: {  	_ =	shalt  }
0x68: {  	_ =	shalt  }
0x69: {  	_ =	shalt  }
0x6a: {  	_ =	shalt  }
0x6b: {  	_ =	shalt  }
0x6c: {  	_ =	shalt  }
0x6d: {  	_ =	shalt  }
0x6e: {  	_ =	shalt  }
0x6f: {  	_ =	shalt  }
0x70: {  	_ =	shalt  }
0x71: {  	_ =	shalt  }
0x72: {  	_ =	shalt  }
0x73: {  	_ =	shalt  }
0x74: {  	_ =	shalt  }
0x75: {  	_ =	shalt  }
0x76: {  	_ =	shalt  }
0x77: {  	_ =	shalt  }
0x78: {  	_ =	shalt  }
0x79: {  	_ =	shalt  }
0x7a: {  	_ =	shalt  }
0x7b: {  	_ =	shalt  }
0x7c: {  	_ =	shalt  }
0x7d: {  	_ =	shalt  }
0x7e: {  	_ =	shalt  }
0x7f: {  	_ =	shalt  }
0x80: {  	_ =	shalt  }
0x81: {  	_ =	shalt  }
0x82: {  	_ =	shalt  }
0x83: {  	_ =	shalt  }
0x84: {  	_ =	shalt  }
0x85: {  	_ =	shalt  }
0x86: {  	_ =	shalt  }
0x87: {  	_ =	shalt  }
.Lfunc_end0:
.L_simem_size_0:
called_computation_lowered:
.L_overlay_start_0:
0x88: {  	s2 =	sld [smem:$0x3FD9]  }
0x89: {  	s3 =	sld [smem:$0x3FFE];
	_ =	sdelay $0x1  }
0x8a: {  	s1 =	srdreg.scid  }
0x8b: {  	s0 =	sand.u32 $0x1, s1  }
0x8c: {  	s16 =	sshll.u32 s0, $0xA;
	s2 =	sadd.s32 s3, s2  }
0x8d: {  	s2 =	sadd.s32 s2, s16  }
0x8e: {  	[smem:$0x3FC0] =	sst s2  }
0x8f: {  	_ = 	snop  }
0x90: {  	(tm) =	ssettm $0x1  }
0x91: {  	s17 =	sld [smem:$0x3FFB];
	_ =	sdelay $0x3  }
0x92: {  	_ =	strace s17  }
0x93: {  	s2 =	sld [smem:$0x3FFC];
	_ =	sdelay $0x3  }
0x94: {  	_ =	strace s2  }
0x95: {  	s2 =	sld [smem:$0x3FFD];
	_ =	sdelay $0x3  }
0x96: {  	_ =	strace s2  }
0x97: {  	_ =	strace $0x8FFFFFFF  }
0x98: {  	s18 =	sld [smem:$0x3FDB];
	_ =	sdelay $0x1  }
0x99: {  	s19 =	simm.s32 $_scs_section_size  }
0x9a: {  	s4 =	simm.s32 $_size__tile_overlayer_lowered;
	s5 =	simm.s32 $_tile_overlayer_lowered  }
0x9b: {  	s22 =	simm.s32 $0x1BFF;
	s21 =	sshll.u32 s5, $0x1;
	s2 =	sadd.s32 s19, s18  }
0x9c: {  	s6 =	simm.s32 $0x0;
	s20 =	sshll.u32 s4, $0x1;
	s4 =	sadd.s32 s21, s2  }
0x9d: {  	[timem:s6], [sflag:s22] =	dma.local [hbm:s4], s20  }
0x9e: {  	_ =	swait.ge [sflag:s22], s20  }
0x9f: {  	s3 =	ssub.s32 $0x0, s20;
	[sflag:s22] =	ssyncset.done $0x0  }
0xa0: {  	[sflag:s22] =	ssyncadd.s32 s3;
	_ =	sdelay $0x1  }
0xa1: {  	s23 =	simm.s32 $0x1B8B  }
0xa2: {  	_ =	swait.ge [sflag:s23], $0x1  }
0xa3: {  	[sflag:s23] =	ssyncset.done $0x0  }
0xa4: {  	s25 =	simm.s32 $0x1B8E;
	s24 =	sld [smem:$0x3FFE];
	[sflag:s23] =	ssyncadd.s32 $0xFFFFFFFF  }
0xa5: {  	s26 =	simm.s32 $execute0_lowered;
	[smem:$0x3FD2] =	sst s25  }
0xa6: {  	s4 =	sshll.u32 s26, $0x1;
	_ =	strace $0x80000046;
	[dreg:$0x1] =	wrdreg $0xFFFFFFFF  }
0xa7: {  	s28 =	simm.s32 $_size_execute0_lowered;
	s2 =	sadd.s32 s2, s4;
	[dreg:$0x0] =	wrdreg $0x0  }
0xa8: {  	s4 =	sshll.u32 s28, $0x1;
	[dreg:$0x2] =	wrdreg s2  }
0xa9: {  	[dreg:$0x3] =	wrdreg s4  }
0xaa: {  	[dreg:$0x4] =	wrdreg $0xC0  }
0xab: {  	_ =	task [dreg:s6], $0x5FFFF  }
0xac: {  	[dreg:$0x1] =	wrdreg $0xFFFFFFFF  }
0xad: {  	[dreg:$0x0] =	wrdreg $0x60  }
0xae: {  	[dreg:$0x2] =	wrdreg s24  }
0xaf: {  	[dreg:$0x3] =	wrdreg $0xA8000  }
0xb0: {  	[dreg:$0x4] =	wrdreg $0x9  }
0xb1: {  	_ =	task.clear_ibuf [dreg:s6], $0x5FFFF;
	_ =	strace $0x90000046  }
0xb2: {  	s29 =	simm.s32 $0x9;
	_ =	strace $0x80000048  }
0xb3: {  	_ =	swait.ge [sflag:s29], $0x1  }
0xb4: {  	[sflag:s29] =	ssyncadd.s32 $0xFFFFFFFF  }
0xb5: {  	_ =	strace $0x90000048  }
0xb6: {  	_ =	sfence  }
0xb7: {  	s30 =	sld [smem:$0x0];
	_ =	sdelay $0x2  }
0xb8: {  	s31 =	sshll.u32 s1, $0xD;
	s1 =	sshrl.u32 s1, $0x2  }
0xb9: {  	s3 =	sand.u32 $0x4000, s31;
	s1 =	sadd.s32 s1, s30  }
0xba: {  	s0 =	sor.u32 s3, s0;
	s1 =	sshll.u32 s1, $0x11  }
0xbb: {  	s0 =	sor.u32 s1, s0  }
0xbc: {  	s0 =	sadd.s32 $0x8F2B, s0  }
0xbd: {  	[sflag:s0] =	ssyncadd.remote.s32 $0x1  }
0xbe: {  	_ =	sfence.sel $0xFFFF  }
0xbf: {  	[dreg:$0x0] =	wrdreg $0xFFFFFFFF;
	(pc) =	sbr.abs _section_cstart, $3  }
0xc0: {  	[dreg:$0x1] =	wrdreg $0xFFFFFFFF  }
0xc1: {  	_ =	task.clear_ibuf [dreg:s6], $0x2FFFF;
	_ =	strace $0x9FFFFFFF  }
0xc2: {  	(tm) =	ssettm $0x7FFFFFFF  }
0xc3: {  	_ =	shalt  }
tec
execute0_lowered:
.L_overlay_start_1:
0x0: {  	(tag) =	ssettag $0x1  }
0x1: {  	s5 =	rddreg [dreg:$0x0]  }
0x2: {  	s0 =	srdreg.scid;
	s2 =	rddreg [dreg:$0x1]  }
0x3: {  	s3 =	simm.s32 $0x0;
	s4 =	sand.u32 $0x1, s0;
	s0 =	stileid.u32  }
0x4: {  	[smem:$0x7FF] =	sst s3;
	s15 =	sadd.s32 $0xE400, s5;
	s14 =	smul.u32 $0x140000, s4  }
0x5: {  	s1 =	sshll.u32 s4, $0x4;
	s4 =	ssub.s32 $0x2, s4;
	s13 =	smul.u32 $0x14000, s0  }
0x6: {  	s8 =	smul.u32 $0x50000, s0;
	s6 =	sor.u32 s0, s1;
	s1 =	rddreg [dreg:$0x2]  }
0x7: {  	_ =	strace $0x80000047;
	s7 =	sshrl.u32 s4, $0x1;
	s6 =	smul.u32 $0x500, s6  }
0x8: {  	s7 =	ssub.s32 s4, s7;
	s24 =	sadd.s32 s14, s13;
	s25 =	sshrl.u32 s8, $0x2  }
0x9: {  	s16 =	sadd.s32 $0x4000, s13;
	s17 =	sadd.s32 $0x8000, s13;
	s18 =	sadd.s32 $0xC000, s13  }
0xa: {  	s21 =	sadd.s32 $0x10000, s13;
	s26 =	sshrl.u32 s24, $0x3;
	s7 =	smax.u32 s7, $0x1  }
0xb: {  	s11 =	sadd.s32 s14, s16;
	s20 =	sadd.s32 s16, s2;
	s28 =	sadd.s32 s14, s17  }
0xc: {  	s19 =	sadd.s32 s14, s18;
	s30 =	sadd.s32 s14, s21;
	s22 =	sadd.s32 s17, s2  }
0xd: {  	s23 =	sadd.s32 s18, s2;
	s24 =	sadd.s32 s21, s2;
	s17 =	simm.s32 $0x6800  }
0xe: {  	s18 =	simm.s32 $0x80;
	s6 =	sadd.s32 s6, s5;
	s5 =	sadd.s32 s25, s2  }
0xf: {  	s12 =	sshrl.u32 s11, $0x3;
	s16 =	sshrl.u32 s28, $0x3;
	s29 =	sshrl.u32 s19, $0x3  }
0x10: {  	s31 =	sshrl.u32 s30, $0x3;
	s19 =	simm.s32 $0x2800;
	s20 =	sshrl.u32 s20, $0x3  }
0x11: {  	s21 =	sshrl.u32 s22, $0x3;
	s22 =	sshrl.u32 s23, $0x3;
	s23 =	sshrl.u32 s24, $0x3  }
0x12: {  	s24 =	simm.s32 $0x0;
	s4 =	sadd.s32 $0x4400, s6;
	s6 =	sadd.s32 s15, s26  }
0x13: {  	s8 =	sadd.s32 $0x4000, s5;
	s9 =	sadd.s32 $0x8000, s5;
	s10 =	sadd.s32 $0xC000, s5  }
0x14: {  	s11 =	sadd.s32 $0x10000, s5;
	s12 =	sadd.s32 s15, s12;
	s13 =	sadd.s32 s15, s16  }
0x15: {  	v0 =	vimm.f32 $0.0e+00;
	v1 =	vimm.f32 $1.000000000e+00;
	s14 =	sadd.s32 s15, s29;
	s15 =	sadd.s32 s15, s31;
	s16 =	simm.s32 $0x1  }
.LBB2_1:
0x16: {  	[tilespmem:s3], [sflag:$0x1] =	stream.linear.gather [hbm4b:s4+s3], $0x2780, $0x38;
	[tilespmem:$0xD000] =	vst v63  }
0x17: {  	_ =	swait.ge [sflag:s16], $0x2780  }
0x18: {  	[sflag:s16] =	ssyncset.done $0x0  }
0x19: {  	s25 =	simm.s32 $0x0;
	[sflag:s16] =	ssyncadd.s32 $0xFFFFD880  }
.LBB2_2:
0x1a: {  	p0 =	sne.s32 s25, $0xFE00  }
.Ltmp0:
0x1b: {  	_ = 	snop;
	(pc) =	sbr.rel @p0 .LBB2_2-.Ltmp0, $3  }
0x1c: {  	_ =	sdelay $0x1  }
0x1d: {  	s26 =	sshra.s32 s25, $0x2  }
0x1e: {  	s25 =	sadd.s32 $0x200, s25;
	[tilespmem:s26+$0x6800] =	vst v0  }
0x1f: {  	s25 =	simm.s32 $0x200;
	s26 =	simm.s32 $0x0  }
.LBB2_4:
0x20: {  	p0 =	sne.s32 s25, $0xFE00;
	[tilespmem:s26+$0x2800] =	vst v1;
	s26 =	smov.u32 s25;
	s25 =	sadd.s32 $0x200, s25  }
.Ltmp1:
0x21: {  	(pc) =	sbr.rel @p0 .LBB2_4-.Ltmp1, $2  }
0x22: {  	_ =	sdelay $0x2  }
0x23: {  	s26 =	sshra.s32 s26, $0x2  }
0x24: {  	[tilespmem:s26+$0x2800] =	vst v1  }
0x25: {  	[spmem:s5] =	stream.linear.scatter [tilespmem:s17], [sflag:$0x1], $0x4000, $0x38;
	[tilespmem:$0xD000] =	vst v63  }
0x26: {  	_ =	swait.ge [sflag:s16], $0x4000  }
0x27: {  	[sflag:s16] =	ssyncset.done $0x0  }
0x28: {  	[sflag:s16] =	ssyncadd.s32 $0xFFFFC000  }
0x29: {  	[spmem:s8] =	stream.linear.scatter [tilespmem:s17], [sflag:$0x1], $0x4000, $0x38;
	[tilespmem:$0xD000] =	vst v63  }
0x2a: {  	_ =	swait.ge [sflag:s16], $0x4000  }
0x2b: {  	[sflag:s16] =	ssyncset.done $0x0  }
0x2c: {  	[sflag:s16] =	ssyncadd.s32 $0xFFFFC000  }
0x2d: {  	[spmem:s9] =	stream.linear.scatter [tilespmem:s17], [sflag:$0x1], $0x4000, $0x38;
	[tilespmem:$0xD000] =	vst v63  }
0x2e: {  	_ =	swait.ge [sflag:s16], $0x4000  }
0x2f: {  	[sflag:s16] =	ssyncset.done $0x0  }
0x30: {  	[sflag:s16] =	ssyncadd.s32 $0xFFFFC000  }
0x31: {  	[spmem:s10] =	stream.linear.scatter [tilespmem:s17], [sflag:$0x1], $0x4000, $0x38;
	[tilespmem:$0xD000] =	vst v63  }
0x32: {  	_ =	swait.ge [sflag:s16], $0x4000  }
0x33: {  	[sflag:s16] =	ssyncset.done $0x0  }
0x34: {  	[sflag:s16] =	ssyncadd.s32 $0xFFFFC000  }
0x35: {  	[spmem:s11] =	stream.linear.scatter [tilespmem:s17], [sflag:$0x1], $0x4000, $0x38;
	[tilespmem:$0xD000] =	vst v63  }
0x36: {  	_ =	swait.ge [sflag:s16], $0x4000  }
0x37: {  	[sflag:s16] =	ssyncset.done $0x0  }
0x38: {  	[sflag:s16] =	ssyncadd.s32 $0xFFFFC000  }
0x39: {  	s25 =	simm.s32 $0x0;
	[bflag:$0x0] =	sbarrier.arrive $0xFFFF  }
0x3a: {  	[spmem:s2] =	stream.indirect.scatter.add.f32 [tilespmem:s19], [sflag:$0x1], $0x10, s25, s18, $0xb8;
	[tilespmem:$0xD000] =	vst v63  }
0x3b: {  	_ =	swait.ge [sflag:s16], $0x800  }
0x3c: {  	s25 =	simm.s32 $0x200;
	[sflag:s16] =	ssyncset.done $0x0  }
.LBB2_6:
0x3d: {  	s26 =	sshra.s32 s25, $0x2;
	[sflag:s16] =	ssyncadd.s32 $0xFFFFF800;
	p0 =	sne.s32 s25, $0x9C00  }
0x3e: {  	[spmem:s2] =	stream.indirect.scatter.add.f32 [tilespmem:s19], [sflag:$0x1], $0x10, s26, s18, $0xb8;
	[tilespmem:$0xD000] =	vst v63  }
.Ltmp2:
0x3f: {  	_ = 	snop;
	(pc) =	sbr.rel @p0 .LBB2_6-.Ltmp2, $4  }
0x40: {  	_ = 	snop  }
0x41: {  	s25 =	sadd.s32 $0x200, s25  }
0x42: {  	_ =	swait.ge [sflag:s16], $0x800  }
0x43: {  	[sflag:s16] =	ssyncset.done $0x0  }
0x44: {  	[sflag:s16] =	ssyncadd.s32 $0xFFFFF800;
	s25 =	sshll.u32 s0, $0x6  }
0x45: {  	s26 =	sshrl.u32 s5, $0x3;
	[bflag:$0x0] =	sbarrier.arrive $0xFFFF;
	s25 =	sor.u32 $0x1C01, s25  }
0x46: {  	[hbm:s6], [sflag:s25] =	dma.local [spmem:s26], $0x800  }
0x47: {  	_ =	swait.ge [sflag:s16], $0x800  }
0x48: {  	[sflag:s16] =	ssyncset.done $0x0  }
0x49: {  	[sflag:s16] =	ssyncadd.s32 $0xFFFFF800  }
0x4a: {  	[hbm:s12], [sflag:s25] =	dma.local [spmem:s20], $0x800  }
0x4b: {  	_ =	swait.ge [sflag:s16], $0x800  }
0x4c: {  	[sflag:s16] =	ssyncset.done $0x0  }
0x4d: {  	[sflag:s16] =	ssyncadd.s32 $0xFFFFF800  }
0x4e: {  	[hbm:s13], [sflag:s25] =	dma.local [spmem:s21], $0x800  }
0x4f: {  	_ =	swait.ge [sflag:s16], $0x800  }
0x50: {  	[sflag:s16] =	ssyncset.done $0x0  }
0x51: {  	[sflag:s16] =	ssyncadd.s32 $0xFFFFF800  }
0x52: {  	[hbm:s14], [sflag:s25] =	dma.local [spmem:s22], $0x800  }
0x53: {  	s24 =	sadd.s32 $0x1, s24;
	_ =	swait.ge [sflag:s16], $0x800  }
0x54: {  	p0 =	sne.s32 s24, s7;
	[sflag:s16] =	ssyncset.done $0x0  }
.Ltmp3:
0x55: {  	[sflag:s16] =	ssyncadd.s32 $0xFFFFF800;
	(pc) =	sbr.rel @p0 .LBB2_1-.Ltmp3, $4  }
0x56: {  	[hbm:s15], [sflag:s25] =	dma.local [spmem:s23], $0x800  }
0x57: {  	_ =	swait.ge [sflag:s16], $0x800  }
0x58: {  	[sflag:s16] =	ssyncset.done $0x0  }
0x59: {  	[sflag:s16] =	ssyncadd.s32 $0xFFFFF800  }
0x5a: {  	_ =	sfence.sel $0x180000  }
0x5b: {  	[bflag:$0x0] =	sbarrier.arrive $0xFFFF  }
0x5c: {  	p0 =	sne.s32 s0, $0x0;
	_ =	strace $0x90000047  }
0x5d: {  	s0 =	sadd.s32 @!p0 $0x100000, s1;
	[bflag:$0x2] =	sbarrier.arrive $0xFFFF  }
0x5e: {  	[sflag:s0] =	ssyncadd.tile.s32 @!p0 $0x1;
	_ =	shalt  }
.Lfunc_end2:
_tile_overlayer_lowered:
.L_overlay_start_2:
0x5f: {  	(tag) =	ssettag $0x2  }
0x60: {  	s0 =	rddreg [dreg:$0x0];
	s2 =	stileid.u32  }
0x61: {  	s1 =	rddreg [dreg:$0x1];
	p0 =	sne.s32 s2, $0x0  }
0x62: {  	s3 =	rddreg [dreg:$0x2];
	[bflag:$0x3] =	sbarrier.arrive $0xFFFF;
	s2 =	simm.s32 @!p0 $0x1C01  }
0x63: {  	[timem:s3], [sflag:s2] =	dma.local @!p0 [hbm:s0], s1  }
0x64: {  	s0 =	simm.s32 @!p0 $0x1  }
0x65: {  	_ =	swait.ge @!p0 [sflag:s0], s1  }
0x66: {  	s1 =	ssub.s32 @!p0 $0x0, s1;
	[sflag:s0] =	ssyncset.done @!p0 $0x0  }
0x67: {  	[sflag:s0] =	ssyncadd.s32 @!p0 s1  }
0x68: {  	[bflag:$0x3] =	sbarrier.arrive $0xFFFF  }
0x69: {  	_ =	shalt  }

// kernel: kernel.14.cloned.1.call-start
scs
__scs_entry_jumppad:
0x0: {  	(pc) =	sbr.rel $0x88, $3  }
0x1: {  	(tag) =	ssettag $0x0;
	lr =	simm.s32 $0x1  }
0x2: {  	[smem:$0x3F99] =	sst lr;
	_ =	strace $0xD0000000  }
0x3: {  	_ = 	snop  }
0x4: {  	_ = 	snop  }
0x5: {  	_ = 	snop  }
0x6: {  	_ = 	snop  }
0x7: {  	_ = 	snop  }
__scs_overlays_trampoline_lowered:
0x8: {  	[smem:$0x3FA8] =	sst s0  }
0x9: {  	[smem:$0x3FA9] =	sst s1  }
0xa: {  	[smem:$0x3FAA] =	sst s2  }
0xb: {  	[smem:$0x3FAB] =	sst s3  }
0xc: {  	[smem:$0x3FAC] =	sst s4  }
0xd: {  	[smem:$0x3FAD] =	sst s5  }
0xe: {  	[smem:$0x3FAE] =	sst s6  }
0xf: {  	[smem:$0x3FAF] =	sst s7  }
0x10: {  	[smem:$0x3FB0] =	sst s8  }
0x11: {  	[smem:$0x3FB1] =	sst s9;
	s0 =	simm.s32 @!p0 $0x0  }
0x12: {  	s1 =	sld [smem:$0x3F97];
	s0 =	simm.s32 @p0 $0x1  }
0x13: {  	[smem:$0x3FB2] =	sst s0;
	s0 =	simm.s32 @!p1 $0x0  }
0x14: {  	s2 =	sld [smem:$0x3F96];
	s0 =	simm.s32 @p1 $0x1  }
0x15: {  	[smem:$0x3FB3] =	sst s0;
	s0 =	simm.s32 @!p2 $0x0  }
0x16: {  	s3 =	sld [smem:$0x3FDB];
	s0 =	simm.s32 @p2 $0x1  }
0x17: {  	s4 =	simm.s32 $0x1BF5;
	[smem:$0x3FB5] =	sst s0  }
0x18: {  	s0 =	sld [smem:$0x3F98];
	_ =	swait.ge [sflag:s4], $0x0  }
0x19: {  	s7 =	sld [smem:$0x3F99]  }
0x1a: {  	s8 =	sadd.s32 $0xFFFFE003, lr  }
0x1b: {  	s9 =	sadd.s32 $0xFFFFFEF7, lr;
	s5 =	simm.s32 $0xFFFFFFFF;
	p2 =	slt.u32 s8, $0xFFFFF086  }
0x1c: {  	p1 =	slt.u32 s9, $0xF7A;
	s5 =	simm.s32 @!p2 $0x0  }
0x1d: {  	s5 =	simm.s32 @p1 $0x1;
	p0 =	seq.s32 s7, s2  }
0x1e: {  	s7 =	smul.u32 @!p0 $0xF7A, s2;
	p2 =	seq.s32 @!p0 s5, $0x0  }
0x1f: {  	s9 =	smul.u32 $0xF7A, s1;
	s8 =	simm.s32 @!p0 $0x1BF5;
	p2 =	por !p2, p0  }
0x20: {  	[sflag:s8] =	ssyncset.s32 @!p0 $0xFFFFF086;
	s6 =	sadd.s32 @!p0 s3, s7;
	s7 =	simm.s32 @!p0 $0x108  }
0x21: {  	s3 =	sadd.s32 s3, s9;
	s6 =	sadd.s32 @!p0 $0x88, s6;
	s7 =	simm.s32 @p2 $0x1082  }
0x22: {  	[simem:s7], [sflag:s8] =	dma.local @!p0 [hbm:s6], $0xF7A  }
0x23: {  	s9 =	sor.u32 $0xD0000000, s2;
	s6 =	simm.s32 $0x108;
	_ =	swait.ge @!p0 [sflag:s8], $0x0  }
0x24: {  	s3 =	sadd.s32 $0x88, s3;
	s6 =	simm.s32 @!p1 $0x1082;
	[sflag:s4] =	ssyncset.s32 $0xFFFFF086  }
0x25: {  	[simem:s6], [sflag:s4] =	dma.local [hbm:s3], $0xF7A  }
0x26: {  	[smem:$0x3F99] =	sst s1;
	(tag) =	ssettag s2;
	_ =	strace s9  }
0x27: {  	s1 =	sld [smem:$0x3FA9]  }
0x28: {  	s2 =	sld [smem:$0x3FAA]  }
0x29: {  	s4 =	sld [smem:$0x3FAC]  }
0x2a: {  	p0 =	seq.s32 s5, $0x0;
	s5 =	sld [smem:$0x3FAD]  }
0x2b: {  	s6 =	sld [smem:$0x3FAE]  }
0x2c: {  	s7 =	sld [smem:$0x3FAF]  }
0x2d: {  	s3 =	simm.s32 $0x108;
	s8 =	sld [smem:$0x3FB0]  }
0x2e: {  	s3 =	simm.s32 @!p0 $0x1082;
	s9 =	sld [smem:$0x3FB1]  }
0x2f: {  	lr =	sadd.s32 s0, s3;
	s0 =	sld [smem:$0x3FA8]  }
0x30: {  	s3 =	sld [smem:$0x3FAB]  }
0x31: {  	[smem:$0x3FB4] =	sst s10  }
0x32: {  	s10 =	sld [smem:$0x3FB2];
	_ =	sdelay $0x3  }
0x33: {  	p0 =	seq.s32 s10, $0x1;
	s10 =	sld [smem:$0x3FB4];
	_ =	sdelay $0x3  }
0x34: {  	[smem:$0x3FB4] =	sst s10  }
0x35: {  	s10 =	sld [smem:$0x3FB3];
	_ =	sdelay $0x3  }
0x36: {  	p1 =	seq.s32 s10, $0x1;
	s10 =	sld [smem:$0x3FB4];
	_ =	sdelay $0x3  }
0x37: {  	[smem:$0x3FB4] =	sst s10  }
0x38: {  	s10 =	sld [smem:$0x3FB5]  }
0x39: {  	_ = 	snop;
	(pc) =	sbr.ind lr, $3  }
0x3a: {  	_ = 	snop  }
0x3b: {  	_ = 	snop  }
0x3c: {  	p2 =	seq.s32 s10, $0x1;
	s10 =	sld [smem:$0x3FB4]  }
0x3d: {  	_ =	shalt  }
0x3e: {  	_ =	shalt  }
0x3f: {  	_ =	shalt  }
0x40: {  	_ =	shalt  }
0x41: {  	_ =	shalt  }
0x42: {  	_ =	shalt  }
0x43: {  	_ =	shalt  }
0x44: {  	_ =	shalt  }
0x45: {  	_ =	shalt  }
0x46: {  	_ =	shalt  }
0x47: {  	_ =	shalt  }
0x48: {  	_ =	shalt  }
0x49: {  	_ =	shalt  }
0x4a: {  	_ =	shalt  }
0x4b: {  	_ =	shalt  }
0x4c: {  	_ =	shalt  }
0x4d: {  	_ =	shalt  }
0x4e: {  	_ =	shalt  }
0x4f: {  	_ =	shalt  }
0x50: {  	_ =	shalt  }
0x51: {  	_ =	shalt  }
0x52: {  	_ =	shalt  }
0x53: {  	_ =	shalt  }
0x54: {  	_ =	shalt  }
0x55: {  	_ =	shalt  }
0x56: {  	_ =	shalt  }
0x57: {  	_ =	shalt  }
0x58: {  	_ =	shalt  }
0x59: {  	_ =	shalt  }
0x5a: {  	_ =	shalt  }
0x5b: {  	_ =	shalt  }
0x5c: {  	_ =	shalt  }
0x5d: {  	_ =	shalt  }
0x5e: {  	_ =	shalt  }
0x5f: {  	_ =	shalt  }
0x60: {  	_ =	shalt  }
0x61: {  	_ =	shalt  }
0x62: {  	_ =	shalt  }
0x63: {  	_ =	shalt  }
0x64: {  	_ =	shalt  }
0x65: {  	_ =	shalt  }
0x66: {  	_ =	shalt  }
0x67: {  	_ =	shalt  }
0x68: {  	_ =	shalt  }
0x69: {  	_ =	shalt  }
0x6a: {  	_ =	shalt  }
0x6b: {  	_ =	shalt  }
0x6c: {  	_ =	shalt  }
0x6d: {  	_ =	shalt  }
0x6e: {  	_ =	shalt  }
0x6f: {  	_ =	shalt  }
0x70: {  	_ =	shalt  }
0x71: {  	_ =	shalt  }
0x72: {  	_ =	shalt  }
0x73: {  	_ =	shalt  }
0x74: {  	_ =	shalt  }
0x75: {  	_ =	shalt  }
0x76: {  	_ =	shalt  }
0x77: {  	_ =	shalt  }
0x78: {  	_ =	shalt  }
0x79: {  	_ =	shalt  }
0x7a: {  	_ =	shalt  }
0x7b: {  	_ =	shalt  }
0x7c: {  	_ =	shalt  }
0x7d: {  	_ =	shalt  }
0x7e: {  	_ =	shalt  }
0x7f: {  	_ =	shalt  }
0x80: {  	_ =	shalt  }
0x81: {  	_ =	shalt  }
0x82: {  	_ =	shalt  }
0x83: {  	_ =	shalt  }
0x84: {  	_ =	shalt  }
0x85: {  	_ =	shalt  }
0x86: {  	_ =	shalt  }
0x87: {  	_ =	shalt  }
.Lfunc_end0:
.L_simem_size_0:
called_computation.1_lowered:
.L_overlay_start_0:
0x88: {  	s2 =	sld [smem:$0x3FD9]  }
0x89: {  	s3 =	sld [smem:$0x3FFE];
	_ =	sdelay $0x1  }
0x8a: {  	s1 =	srdreg.scid  }
0x8b: {  	s0 =	sand.u32 $0x1, s1  }
0x8c: {  	s17 =	sshll.u32 s0, $0xA;
	s2 =	sadd.s32 s3, s2  }
0x8d: {  	s2 =	sadd.s32 s2, s17  }
0x8e: {  	[smem:$0x3FC0] =	sst s2  }
0x8f: {  	_ = 	snop  }
0x90: {  	s2 =	sld [smem:$0x3FD0];
	(tm) =	ssettm $0x1  }
0x91: {  	s18 =	sld [smem:$0x3FFB];
	_ =	sdelay $0x3  }
0x92: {  	_ =	strace s18  }
0x93: {  	s3 =	sld [smem:$0x3FFC];
	_ =	sdelay $0x3  }
0x94: {  	_ =	strace s3  }
0x95: {  	s3 =	sld [smem:$0x3FFD];
	_ =	sdelay $0x3  }
0x96: {  	_ =	strace s3  }
0x97: {  	_ =	strace $0x8FFFFFFF  }
0x98: {  	s19 =	sld [smem:$0x3FDB];
	_ =	sdelay $0x1  }
0x99: {  	s4 =	simm.s32 $_scs_section_size  }
0x9a: {  	s5 =	simm.s32 $_size__tile_overlayer_lowered;
	s6 =	simm.s32 $_tile_overlayer_lowered  }
0x9b: {  	s22 =	simm.s32 $0x1BFF;
	s21 =	sshll.u32 s6, $0x1;
	s3 =	sadd.s32 s4, s19  }
0x9c: {  	s7 =	simm.s32 $0x0;
	s20 =	sshll.u32 s5, $0x1;
	s5 =	sadd.s32 s21, s3  }
0x9d: {  	[timem:s7], [sflag:s22] =	dma.local [hbm:s5], s20  }
0x9e: {  	_ =	swait.ge [sflag:s22], s20  }
0x9f: {  	s4 =	ssub.s32 $0x0, s20;
	[sflag:s22] =	ssyncset.done $0x0  }
0xa0: {  	[sflag:s22] =	ssyncadd.s32 s4;
	_ =	sdelay $0x1  }
0xa1: {  	s23 =	simm.s32 $0x1B8B  }
0xa2: {  	_ =	swait.ge [sflag:s23], $0x1  }
0xa3: {  	[sflag:s23] =	ssyncset.done $0x0  }
0xa4: {  	s25 =	simm.s32 $0x1B8E;
	s24 =	sld [smem:$0x3FFE];
	[sflag:s23] =	ssyncadd.s32 $0xFFFFFFFF  }
0xa5: {  	s26 =	simm.s32 $execute0_lowered;
	[smem:$0x3FD2] =	sst s25  }
0xa6: {  	s5 =	sshll.u32 s26, $0x1;
	_ =	strace $0x80000049;
	[dreg:$0x1] =	wrdreg $0xFFFFFFFF  }
0xa7: {  	s28 =	simm.s32 $_size_execute0_lowered;
	s3 =	sadd.s32 s3, s5;
	[dreg:$0x0] =	wrdreg $0x0  }
0xa8: {  	s5 =	sshll.u32 s28, $0x1;
	[dreg:$0x2] =	wrdreg s3  }
0xa9: {  	[dreg:$0x3] =	wrdreg s5  }
0xaa: {  	[dreg:$0x4] =	wrdreg $0xC0  }
0xab: {  	_ =	task [dreg:s7], $0x5FFFF  }
0xac: {  	[dreg:$0x1] =	wrdreg $0xFFFFFFFF  }
0xad: {  	[dreg:$0x0] =	wrdreg $0x60  }
0xae: {  	[dreg:$0x2] =	wrdreg s24  }
0xaf: {  	[dreg:$0x3] =	wrdreg s2  }
0xb0: {  	[dreg:$0x4] =	wrdreg $0x88000  }
0xb1: {  	[dreg:$0x5] =	wrdreg $0x9  }
0xb2: {  	_ =	task.clear_ibuf [dreg:s7], $0x6FFFF;
	_ =	strace $0x90000049  }
0xb3: {  	s29 =	simm.s32 $0x9;
	_ =	strace $0x8000004B  }
0xb4: {  	_ =	swait.ge [sflag:s29], $0x1  }
0xb5: {  	[sflag:s29] =	ssyncadd.s32 $0xFFFFFFFF  }
0xb6: {  	_ =	strace $0x9000004B  }
0xb7: {  	_ =	sfence  }
0xb8: {  	s30 =	sld [smem:$0x0];
	_ =	sdelay $0x2  }
0xb9: {  	s31 =	sshll.u32 s1, $0xD;
	s1 =	sshrl.u32 s1, $0x2  }
0xba: {  	s3 =	sand.u32 $0x4000, s31;
	s1 =	sadd.s32 s1, s30  }
0xbb: {  	s0 =	sor.u32 s3, s0;
	s1 =	sshll.u32 s1, $0x11  }
0xbc: {  	s0 =	sor.u32 s1, s0  }
0xbd: {  	s0 =	sadd.s32 $0x8F2B, s0  }
0xbe: {  	[sflag:s0] =	ssyncadd.remote.s32 $0x1  }
0xbf: {  	_ =	sfence.sel $0xFFFF  }
0xc0: {  	[dreg:$0x0] =	wrdreg $0xFFFFFFFF;
	(pc) =	sbr.abs _section_cstart, $3  }
0xc1: {  	[dreg:$0x1] =	wrdreg $0xFFFFFFFF  }
0xc2: {  	_ =	task.clear_ibuf [dreg:s7], $0x2FFFF;
	_ =	strace $0x9FFFFFFF  }
0xc3: {  	(tm) =	ssettm $0x7FFFFFFF  }
tec
execute0_lowered:
.L_overlay_start_1:
0x0: {  	(tag) =	ssettag $0x1  }
0x1: {  	s0 =	rddreg [dreg:$0x0]  }
0x2: {  	s2 =	rddreg [dreg:$0x1]  }
0x3: {  	s1 =	rddreg [dreg:$0x2];
	s3 =	simm.s32 $0x0  }
0x4: {  	s5 =	srdreg.scid;
	s11 =	stileid.u32;
	s28 =	simm.s32 $0x1  }
0x5: {  	s29 =	simm.s32 $0x3;
	s30 =	simm.s32 $0x0;
	s6 =	smul.u32 $0x4F, s11  }
0x6: {  	[smem:$0x7FF] =	sst s3;
	s4 =	sadd.s32 $0x4400, s0;
	s9 =	smul.u32 $0x14000, s11  }
0x7: {  	s5 =	sand.u32 $0x1, s5;
	s0 =	sadd.s32 $0x54400, s0;
	s11 =	smul.u32 $0x50000, s11  }
0x8: {  	_ =	strace $0x8000004A;
	s7 =	ssub.s32 $0x2, s5;
	s8 =	smul.u32 $0x140000, s5  }
0x9: {  	p0 =	seq.s32 s5, $0x0;
	s5 =	sadd.s32 $0x4F0, s6;
	s10 =	sshrl.u32 s7, $0x1  }
0xa: {  	s17 =	sadd.s32 $0x4000, s9;
	s22 =	sadd.s32 $0x8000, s9;
	s24 =	sadd.s32 $0xC000, s9  }
0xb: {  	s5 =	smov.u32 @p0 s6;
	s7 =	ssub.s32 s7, s10;
	s12 =	sadd.s32 s8, s9  }
0xc: {  	s6 =	sshrl.u32 s11, $0x2;
	s20 =	sadd.s32 s8, s17;
	s23 =	sadd.s32 s8, s22  }
0xd: {  	s9 =	sadd.s32 $0x10000, s9;
	s25 =	sadd.s32 s8, s24;
	s10 =	sadd.s32 s22, s1  }
0xe: {  	s26 =	sadd.s32 s24, s1;
	s5 =	sshll.u32 s5, $0x5;
	s13 =	sshrl.u32 s12, $0x3  }
0xf: {  	s6 =	sadd.s32 s6, s1;
	s15 =	smax.u32 s7, $0x1;
	s7 =	sshrl.u32 s20, $0x3  }
0x10: {  	s5 =	sadd.s32 s2, s5;
	s2 =	sadd.s32 s0, s13;
	[dreg:$0x7] =	wrdreg s15  }
0x11: {  	s8 =	sadd.s32 s8, s9;
	s16 =	sadd.s32 $0x4000, s6;
	[dreg:$0x6] =	wrdreg s2  }
0x12: {  	s31 =	sadd.s32 s9, s1;
	s18 =	sadd.s32 $0x8000, s6;
	[dreg:$0x8] =	wrdreg s16  }
0x13: {  	s20 =	simm.s32 $0x4;
	s19 =	sadd.s32 $0xC000, s6;
	[dreg:$0x9] =	wrdreg s18  }
0x14: {  	s24 =	sshrl.u32 s26, $0x3;
	s21 =	sadd.s32 $0x10000, s6;
	[dreg:$0xa] =	wrdreg s19  }
0x15: {  	s26 =	simm.s32 $0x80;
	s7 =	sadd.s32 s0, s7;
	[dreg:$0xb] =	wrdreg s21  }
0x16: {  	s8 =	sshrl.u32 s8, $0x3;
	s14 =	sadd.s32 $0x20, s5;
	[dreg:$0xc] =	wrdreg s7  }
0x17: {  	s2 =	sadd.s32 s17, s1;
	s7 =	sshrl.u32 s23, $0x3;
	[dreg:$0x4] =	wrdreg s5  }
0x18: {  	s18 =	sadd.s32 $0x40, s5;
	s19 =	simm.s32 $0x800;
	s7 =	sadd.s32 s0, s7  }
0x19: {  	s23 =	sshrl.u32 s10, $0x3;
	[dreg:$0xd] =	wrdreg s7;
	s7 =	sshrl.u32 s25, $0x3  }
0x1a: {  	s21 =	simm.s32 $0x5;
	[dreg:$0x5] =	wrdreg s14;
	s7 =	sadd.s32 s0, s7  }
0x1b: {  	s22 =	sshrl.u32 s2, $0x3;
	s0 =	sadd.s32 s0, s8;
	[dreg:$0xe] =	wrdreg s7  }
0x1c: {  	v0 =	vimm.f32 $0.0e+00;
	s25 =	sshrl.u32 s31, $0x3;
	[dreg:$0xf] =	wrdreg s0;
	s0 =	simm.s32 $0x2  }
.LBB2_1:
0x1d: {  	s2 =	simm.s32 $0x0;
	s7 =	simm.s32 $0x200  }
.LBB2_2:
0x1e: {  	p0 =	sne.s32 s7, $0xFE00;
	[tilespmem:s2+$0x870] =	vst v0  }
0x1f: {  	[tilespmem:s2+$0x800] =	vst v0  }
0x20: {  	[tilespmem:s2+$0x810] =	vst v0  }
.Ltmp0:
0x21: {  	[tilespmem:s2+$0x820] =	vst v0;
	(pc) =	sbr.rel @p0 .LBB2_2-.Ltmp0, $4  }
0x22: {  	[tilespmem:s2+$0x830] =	vst v0  }
0x23: {  	[tilespmem:s2+$0x840] =	vst v0  }
0x24: {  	[tilespmem:s2+$0x850] =	vst v0  }
0x25: {  	[tilespmem:s2+$0x860] =	vst v0;
	s2 =	sshra.s32 s7, $0x2;
	s7 =	sadd.s32 $0x200, s7  }
0x26: {  	[tilespmem:s2+$0x870] =	vst v0  }
0x27: {  	[tilespmem:s2+$0x800] =	vst v0  }
0x28: {  	[tilespmem:s2+$0x810] =	vst v0  }
0x29: {  	[tilespmem:s2+$0x820] =	vst v0  }
0x2a: {  	[tilespmem:s2+$0x830] =	vst v0  }
0x2b: {  	[tilespmem:s2+$0x840] =	vst v0  }
0x2c: {  	[tilespmem:s2+$0x850] =	vst v0  }
0x2d: {  	[tilespmem:s2+$0x860] =	vst v0  }
0x2e: {  	[spmem:s6] =	stream.linear.scatter [tilespmem:s19], [sflag:$0x4], $0x4000, $0x38;
	[tilespmem:$0x1C800] =	vst v63  }
0x2f: {  	_ =	swait.ge [sflag:s20], $0x4000  }
0x30: {  	[sflag:s20] =	ssyncset.done $0x0  }
0x31: {  	s11 =	rddreg [dreg:$0x8];
	[sflag:s20] =	ssyncadd.s32 $0xFFFFC000  }
0x32: {  	[spmem:s11] =	stream.linear.scatter [tilespmem:s19], [sflag:$0x4], $0x4000, $0x38;
	[tilespmem:$0x1C800] =	vst v63  }
0x33: {  	_ =	swait.ge [sflag:s20], $0x4000  }
0x34: {  	[sflag:s20] =	ssyncset.done $0x0  }
0x35: {  	s12 =	rddreg [dreg:$0x9];
	[sflag:s20] =	ssyncadd.s32 $0xFFFFC000  }
0x36: {  	[spmem:s12] =	stream.linear.scatter [tilespmem:s19], [sflag:$0x4], $0x4000, $0x38;
	[tilespmem:$0x1C800] =	vst v63  }
0x37: {  	_ =	swait.ge [sflag:s20], $0x4000  }
0x38: {  	[sflag:s20] =	ssyncset.done $0x0  }
0x39: {  	s13 =	rddreg [dreg:$0xa];
	[sflag:s20] =	ssyncadd.s32 $0xFFFFC000  }
0x3a: {  	[spmem:s13] =	stream.linear.scatter [tilespmem:s19], [sflag:$0x4], $0x4000, $0x38;
	[tilespmem:$0x1C800] =	vst v63  }
0x3b: {  	_ =	swait.ge [sflag:s20], $0x4000  }
0x3c: {  	[sflag:s20] =	ssyncset.done $0x0  }
0x3d: {  	s14 =	rddreg [dreg:$0xb];
	[sflag:s20] =	ssyncadd.s32 $0xFFFFC000  }
0x3e: {  	[spmem:s14] =	stream.linear.scatter [tilespmem:s19], [sflag:$0x4], $0x4000, $0x38;
	[tilespmem:$0x1C800] =	vst v63  }
0x3f: {  	_ =	swait.ge [sflag:s20], $0x4000  }
0x40: {  	[sflag:s20] =	ssyncset.done $0x0  }
0x41: {  	s7 =	simm.s32 $0x0;
	s15 =	rddreg [dreg:$0x4];
	[sflag:s20] =	ssyncadd.s32 $0xFFFFC000  }
0x42: {  	[tilespmem:s7], [sflag:$0x4] =	stream.linear.gather [hbm4b:s15+s7], $0x100, $0x38;
	[tilespmem:$0x1C800] =	vst v63  }
0x43: {  	_ =	swait.ge [sflag:s20], $0x100  }
0x44: {  	[sflag:s20] =	ssyncset.done $0x0  }
0x45: {  	s5 =	simm.s32 $0x100;
	s16 =	rddreg [dreg:$0x5];
	[sflag:s20] =	ssyncadd.s32 $0xFFFFFF00  }
0x46: {  	[tilespmem:s5], [sflag:$0x4] =	stream.linear.gather [hbm4b:s16+s7], $0x100, $0x38;
	[tilespmem:$0x1C800] =	vst v63  }
0x47: {  	p0 =	por $0x1, $0x1;
	s17 =	simm.s32 $0x400;
	_ =	swait.ge [sflag:s20], $0x100  }
0x48: {  	s9 =	simm.s32 $0x200;
	p1 =	por @!p0 $0x0, $0x0;
	[sflag:s20] =	ssyncset.done $0x0  }
0x49: {  	s2 =	sand.u32 $0x1C00, s17;
	p0 =	por p1, p0;
	[sflag:s20] =	ssyncadd.s32 $0xFFFFFF00  }
0x4a: {  	s9 =	sand.u32 $0x700, s9;
	s8 =	simm.s32 @!p0 $0x1;
	[bflag:$0x0] =	sbarrier.arrive $0xFFFF  }
0x4b: {  	[tilespmem:s19], [sflag:$0x2] =	stream.indirect.gather [hbm4b:s4+s26], $0x80, s7, s26, $0xb8;
	[tilespmem:$0x1C800] =	vst v63  }
0x4c: {  	s10 =	sand.u32 $0x1, s7;
	p1 =	por $0x0, $0x0;
	_ =	swait.ge @!p0 [sflag:s8], $0x100  }
0x4d: {  	p2 =	por @!p1 $0x0, $0x0;
	s7 =	sand.u32 $0xE, s7;
	[sflag:s8] =	ssyncset.done @!p0 $0x0  }
0x4e: {  	[sflag:s8] =	ssyncadd.s32 @!p0 $0xFFFFFF00;
	p0 =	seq.s32 s10, $0x1;
	s10 =	sshrl.u32 s2, $0x2  }
0x4f: {  	[tilespmem:s9], [sflag:$0x1] =	stream.linear.gather [hbm4b:s18+s3], $0x100, $0x38;
	[tilespmem:$0x1C800] =	vst v63  }
0x50: {  	s9 =	simm.s32 @p0 $0x80;
	s2 =	simm.s32 @p0 $0x800;
	s11 =	simm.s32 @p0 $0x3  }
0x51: {  	[tilespmem:s2], [sflag:$0x2] =	stream.indirect.gather @p0 [hbm4b:s4+s9], $0x80, s10, s9, $0xb8;
	[tilespmem:$0x1C800] =	vst v63  }
0x52: {  	p1 =	por p2, p1;
	s31 =	sor.u32 $0x1, s7;
	_ =	swait.ge @p0 [sflag:s11], $0x4000  }
0x53: {  	s8 =	simm.s32 $0x2;
	s7 =	sshll.u32 @p0 s31, $0x7;
	[sflag:s11] =	ssyncset.done @p0 $0x0  }
0x54: {  	s12 =	simm.s32 @p0 $0x4800;
	s13 =	simm.s32 @!p0 $0x2;
	[sflag:s11] =	ssyncadd.s32 @p0 $0xFFFFC000  }
0x55: {  	[spmem:s1] =	stream.indirect.scatter.add.f32 @p0 [tilespmem:s12], [sflag:$0x4], $0x80, s7, s9, $0xb8;
	[tilespmem:$0x1C800] =	vst v63  }
0x56: {  	s31 =	sshll.u32 @!p0 s31, $0x7;
	s12 =	simm.s32 @!p0 $0x80;
	s7 =	simm.s32 @!p0 $0x4800  }
0x57: {  	[tilespmem:s7], [sflag:$0x3] =	stream.indirect.gather @!p0 [hbm4b:s4+s12], $0x80, s10, s12, $0xb8;
	[tilespmem:$0x1C800] =	vst v63  }
0x58: {  	s2 =	simm.s32 $0x1;
	s11 =	simm.s32 @!p0 $0x5;
	_ =	swait.ge @!p0 [sflag:s13], $0x4000  }
0x59: {  	s9 =	simm.s32 $0x300;
	s11 =	simm.s32 @p0 $0x4;
	[sflag:s13] =	ssyncset.done @!p0 $0x0  }
0x5a: {  	s7 =	simm.s32 $0x2;
	s10 =	simm.s32 @!p0 $0x800;
	[sflag:s13] =	ssyncadd.s32 @!p0 $0xFFFFC000  }
0x5b: {  	[spmem:s1] =	stream.indirect.scatter.add.f32 @!p0 [tilespmem:s10], [sflag:$0x5], $0x80, s31, s12, $0xb8;
	[tilespmem:$0x1C800] =	vst v63  }
0x5c: {  	s10 =	sadd.s32 $0x20, s18;
	s31 =	simm.s32 $0x800;
	_ =	swait.ge [sflag:s11], $0x4000  }
.LBB2_4:
0x5d: {  	s12 =	simm.s32 @!p1 $0x1;
	[sflag:s11] =	ssyncset.done $0x0;
	s13 =	smov.u32 s2  }
0x5e: {  	s2 =	smov.u32 s8;
	s8 =	sadd.s32 $0x1, s8;
	s14 =	smov.u32 s9  }
0x5f: {  	s9 =	sadd.s32 $0x100, s9;
	p0 =	sne.s32 s8, $0x4D;
	[sflag:s11] =	ssyncadd.s32 $0xFFFFC000  }
0x60: {  	s5 =	sand.u32 $0xE, s7;
	s11 =	sand.u32 $0x1C00, s31;
	_ =	swait.ge @!p1 [sflag:s12], $0x100  }
0x61: {  	s14 =	sand.u32 $0x700, s14;
	s13 =	sand.u32 $0x1, s13;
	[sflag:s12] =	ssyncset.done @!p1 $0x0  }
0x62: {  	[sflag:s12] =	ssyncadd.s32 @!p1 $0xFFFFFF00;
	p1 =	seq.s32 s13, $0x1;
	s12 =	sshrl.u32 s11, $0x2  }
0x63: {  	[tilespmem:s14], [sflag:$0x1] =	stream.linear.gather [hbm4b:s10+s3], $0x100, $0x38;
	[tilespmem:$0x1C800] =	vst v63  }
0x64: {  	s13 =	simm.s32 @p1 $0x80;
	s11 =	simm.s32 @p1 $0x800;
	s14 =	simm.s32 @p1 $0x3  }
0x65: {  	[tilespmem:s11], [sflag:$0x2] =	stream.indirect.gather @p1 [hbm4b:s4+s13], $0x80, s12, s13, $0xb8;
	[tilespmem:$0x1C800] =	vst v63  }
0x66: {  	s5 =	sor.u32 $0x1, s5;
	s11 =	simm.s32 @!p1 $0x5;
	_ =	swait.ge @p1 [sflag:s14], $0x4000  }
0x67: {  	s15 =	sshll.u32 @p1 s5, $0x7;
	s16 =	simm.s32 @p1 $0x4800;
	[sflag:s14] =	ssyncset.done @p1 $0x0  }
0x68: {  	s17 =	simm.s32 @!p1 $0x4800;
	[sflag:s14] =	ssyncadd.s32 @p1 $0xFFFFC000;
	s14 =	simm.s32 @!p1 $0x80  }
0x69: {  	[spmem:s1] =	stream.indirect.scatter.add.f32 @p1 [tilespmem:s16], [sflag:$0x4], $0x80, s15, s13, $0xb8;
	[tilespmem:$0x1C800] =	vst v63  }
0x6a: {  	s7 =	sadd.s32 $0x2, s7;
	s10 =	sadd.s32 $0x20, s10;
	s13 =	simm.s32 @!p1 $0x2  }
0x6b: {  	[tilespmem:s17], [sflag:$0x3] =	stream.indirect.gather @!p1 [hbm4b:s4+s14], $0x80, s12, s14, $0xb8;
	[tilespmem:$0x1C800] =	vst v63  }
.Ltmp1:
0x6c: {  	s12 =	simm.s32 @!p1 $0x800;
	_ =	swait.ge @!p1 [sflag:s13], $0x4000;
	(pc) =	sbr.rel @p0 .LBB2_4-.Ltmp1, $4  }
0x6d: {  	p2 =	seq.s32 s2, $0x0;
	s5 =	sshll.u32 @!p1 s5, $0x7;
	[sflag:s13] =	ssyncset.done @!p1 $0x0  }
0x6e: {  	p3 =	seq.s32 @!p2 s2, $0x4E;
	s11 =	simm.s32 @p1 $0x4;
	[sflag:s13] =	ssyncadd.s32 @!p1 $0xFFFFC000  }
0x6f: {  	[spmem:s1] =	stream.indirect.scatter.add.f32 @!p1 [tilespmem:s12], [sflag:$0x5], $0x80, s5, s14, $0xb8;
	[tilespmem:$0x1C800] =	vst v63  }
0x70: {  	s31 =	sadd.s32 $0x400, s31;
	p1 =	por p3, p2;
	_ =	swait.ge [sflag:s11], $0x4000  }
0x71: {  	[sflag:s11] =	ssyncset.done $0x0  }
0x72: {  	s5 =	simm.s32 @!p1 $0x1;
	[sflag:s11] =	ssyncadd.s32 $0xFFFFC000  }
0x73: {  	s17 =	sand.u32 $0x1C00, s31;
	_ =	swait.ge @!p1 [sflag:s5], $0x100  }
0x74: {  	s2 =	sand.u32 $0x1, s2;
	s8 =	sand.u32 $0x700, s9;
	[sflag:s5] =	ssyncset.done @!p1 $0x0  }
0x75: {  	p0 =	seq.s32 s2, $0x1;
	s2 =	sshrl.u32 s17, $0x2;
	[sflag:s5] =	ssyncadd.s32 @!p1 $0xFFFFFF00  }
0x76: {  	[tilespmem:s8], [sflag:$0x1] =	stream.linear.gather [hbm4b:s10+s3], $0x100, $0x38;
	[tilespmem:$0x1C800] =	vst v63  }
0x77: {  	s9 =	simm.s32 @p0 $0x3;
	s5 =	simm.s32 @p0 $0x80;
	s8 =	simm.s32 @p0 $0x800  }
0x78: {  	[tilespmem:s8], [sflag:$0x2] =	stream.indirect.gather @p0 [hbm4b:s4+s5], $0x80, s2, s5, $0xb8;
	[tilespmem:$0x1C800] =	vst v63  }
0x79: {  	s7 =	sand.u32 $0xE, s7;
	_ =	swait.ge @p0 [sflag:s9], $0x4000  }
0x7a: {  	s7 =	sor.u32 $0x1, s7;
	[sflag:s9] =	ssyncset.done @p0 $0x0  }
0x7b: {  	s8 =	sshll.u32 @p0 s7, $0x7;
	[sflag:s9] =	ssyncadd.s32 @p0 $0xFFFFC000;
	s9 =	simm.s32 @p0 $0x4800  }
0x7c: {  	[spmem:s1] =	stream.indirect.scatter.add.f32 @p0 [tilespmem:s9], [sflag:$0x4], $0x80, s8, s5, $0xb8;
	[tilespmem:$0x1C800] =	vst v63  }
0x7d: {  	s5 =	simm.s32 @!p0 $0x80;
	s8 =	simm.s32 @!p0 $0x4800  }
0x7e: {  	[tilespmem:s8], [sflag:$0x3] =	stream.indirect.gather @!p0 [hbm4b:s4+s5], $0x80, s2, s5, $0xb8;
	[tilespmem:$0x1C800] =	vst v63  }
0x7f: {  	s2 =	simm.s32 @!p0 $0x2  }
0x80: {  	_ =	swait.ge @!p0 [sflag:s2], $0x4000  }
0x81: {  	[sflag:s2] =	ssyncset.done @!p0 $0x0  }
0x82: {  	s7 =	sshll.u32 @!p0 s7, $0x7;
	[sflag:s2] =	ssyncadd.s32 @!p0 $0xFFFFC000;
	s2 =	simm.s32 @!p0 $0x800  }
0x83: {  	[spmem:s1] =	stream.indirect.scatter.add.f32 @!p0 [tilespmem:s2], [sflag:$0x5], $0x80, s7, s5, $0xb8;
	[tilespmem:$0x1C800] =	vst v63  }
0x84: {  	s2 =	simm.s32 @!p0 $0x5  }
0x85: {  	s2 =	simm.s32 @p0 $0x4  }
0x86: {  	_ =	swait.ge [sflag:s2], $0x4000  }
0x87: {  	[sflag:s2] =	ssyncset.done $0x0  }
0x88: {  	[sflag:s2] =	ssyncadd.s32 $0xFFFFC000  }
0x89: {  	s7 =	sadd.s32 $0x400, s31;
	_ =	swait.ge [sflag:s28], $0x100  }
0x8a: {  	s2 =	sand.u32 $0x1C00, s7;
	[sflag:s28] =	ssyncset.done $0x0  }
0x8b: {  	s2 =	sshrl.u32 s2, $0x2;
	[sflag:s28] =	ssyncadd.s32 $0xFFFFFF00  }
0x8c: {  	[tilespmem:s19], [sflag:$0x2] =	stream.indirect.gather [hbm4b:s4+s26], $0x80, s2, s26, $0xb8;
	[tilespmem:$0x1C800] =	vst v63  }
0x8d: {  	_ =	swait.ge [sflag:s29], $0x4000  }
0x8e: {  	[sflag:s29] =	ssyncset.done $0x0  }
0x8f: {  	s9 =	simm.s32 $0x4800;
	s8 =	simm.s32 $0x580;
	[sflag:s29] =	ssyncadd.s32 $0xFFFFC000  }
0x90: {  	[spmem:s1] =	stream.indirect.scatter.add.f32 [tilespmem:s9], [sflag:$0x4], $0x80, s8, s26, $0xb8;
	[tilespmem:$0x1C800] =	vst v63  }
0x91: {  	_ =	swait.ge [sflag:s20], $0x4000  }
0x92: {  	[sflag:s20] =	ssyncset.done $0x0  }
0x93: {  	[sflag:s20] =	ssyncadd.s32 $0xFFFFC000  }
0x94: {  	_ =	swait.ge [sflag:s0], $0x4000  }
0x95: {  	[sflag:s0] =	ssyncset.done $0x0  }
0x96: {  	s10 =	simm.s32 $0x680;
	[sflag:s0] =	ssyncadd.s32 $0xFFFFC000  }
0x97: {  	[spmem:s1] =	stream.indirect.scatter.add.f32 [tilespmem:s19], [sflag:$0x5], $0x80, s10, s26, $0xb8;
	[tilespmem:$0x1C800] =	vst v63  }
0x98: {  	_ =	swait.ge [sflag:s21], $0x4000  }
0x99: {  	[sflag:s21] =	ssyncset.done $0x0  }
0x9a: {  	s11 =	stileid.u32;
	[sflag:s21] =	ssyncadd.s32 $0xFFFFC000  }
0x9b: {  	s2 =	sshll.u32 s11, $0x6;
	[bflag:$0x0] =	sbarrier.arrive $0xFFFF  }
0x9c: {  	s12 =	sshrl.u32 s6, $0x3;
	s2 =	sor.u32 $0x1C04, s2;
	s13 =	rddreg [dreg:$0x6]  }
0x9d: {  	[hbm:s13], [sflag:s2] =	dma.local [spmem:s12], $0x800  }
0x9e: {  	_ =	swait.ge [sflag:s20], $0x800  }
0x9f: {  	[sflag:s20] =	ssyncset.done $0x0  }
0xa0: {  	s14 =	rddreg [dreg:$0xc];
	[sflag:s20] =	ssyncadd.s32 $0xFFFFF800  }
0xa1: {  	[hbm:s14], [sflag:s2] =	dma.local [spmem:s22], $0x800  }
0xa2: {  	_ =	swait.ge [sflag:s20], $0x800  }
0xa3: {  	[sflag:s20] =	ssyncset.done $0x0  }
0xa4: {  	s15 =	rddreg [dreg:$0xd];
	[sflag:s20] =	ssyncadd.s32 $0xFFFFF800  }
0xa5: {  	[hbm:s15], [sflag:s2] =	dma.local [spmem:s23], $0x800  }
0xa6: {  	_ =	swait.ge [sflag:s20], $0x800  }
0xa7: {  	[sflag:s20] =	ssyncset.done $0x0  }
0xa8: {  	s16 =	rddreg [dreg:$0xe];
	[sflag:s20] =	ssyncadd.s32 $0xFFFFF800  }
0xa9: {  	[hbm:s16], [sflag:s2] =	dma.local [spmem:s24], $0x800  }
0xaa: {  	_ =	swait.ge [sflag:s20], $0x800  }
0xab: {  	[sflag:s20] =	ssyncset.done $0x0  }
0xac: {  	s17 =	rddreg [dreg:$0xf];
	[sflag:s20] =	ssyncadd.s32 $0xFFFFF800  }
0xad: {  	[hbm:s17], [sflag:s2] =	dma.local [spmem:s25], $0x800  }
0xae: {  	_ =	swait.ge [sflag:s20], $0x800  }
0xaf: {  	s30 =	sadd.s32 $0x1, s30;
	s31 =	rddreg [dreg:$0x7]  }
0xb0: {  	p0 =	sne.s32 s30, s31  }
.Ltmp2:
0xb1: {  	_ = 	snop;
	(pc) =	sbr.rel @p0 .LBB2_1-.Ltmp2, $3  }
0xb2: {  	_ =	sdelay $0x1  }
0xb3: {  	[sflag:s20] =	ssyncset.done $0x0  }
0xb4: {  	[sflag:s20] =	ssyncadd.s32 $0xFFFFF800  }
0xb5: {  	_ =	sfence.sel $0x180000  }
0xb6: {  	[bflag:$0x0] =	sbarrier.arrive $0xFFFF  }
0xb7: {  	_ =	strace $0x9000004A  }
0xb8: {  	s0 =	stileid.u32;
	[bflag:$0x2] =	sbarrier.arrive $0xFFFF  }
0xb9: {  	p0 =	sne.s32 s0, $0x0;
	s0 =	rddreg [dreg:$0x3]  }
0xba: {  	s0 =	sadd.s32 @!p0 $0x100000, s0  }
0xbb: {  	[sflag:s0] =	ssyncadd.tile.s32 @!p0 $0x1;
	_ =	shalt  }
.Lfunc_end2:
_tile_overlayer_lowered:
.L_overlay_start_2:
0xbc: {  	(tag) =	ssettag $0x2  }
0xbd: {  	s0 =	rddreg [dreg:$0x0];
	s2 =	stileid.u32  }
0xbe: {  	s1 =	rddreg [dreg:$0x1];
	p0 =	sne.s32 s2, $0x0  }
0xbf: {  	s3 =	rddreg [dreg:$0x2];
	[bflag:$0x3] =	sbarrier.arrive $0xFFFF;
	s2 =	simm.s32 @!p0 $0x1C04  }
0xc0: {  	[timem:s3], [sflag:s2] =	dma.local @!p0 [hbm:s0], s1  }
0xc1: {  	s0 =	simm.s32 @!p0 $0x4  }
0xc2: {  	_ =	swait.ge @!p0 [sflag:s0], s1  }
0xc3: {  	s1 =	ssub.s32 @!p0 $0x0, s1;
	[sflag:s0] =	ssyncset.done @!p0 $0x0  }
0xc4: {  	[sflag:s0] =	ssyncadd.s32 @!p0 s1  }
0xc5: {  	[bflag:$0x3] =	sbarrier.arrive $0xFFFF  }
0xc6: {  	_ =	shalt  }

// kernel: kernel.17.cloned.1.call-start
scs
__scs_entry_jumppad:
0x0: {  	(pc) =	sbr.rel $0x88, $3  }
0x1: {  	(tag) =	ssettag $0x0;
	lr =	simm.s32 $0x1  }
0x2: {  	[smem:$0x3F99] =	sst lr;
	_ =	strace $0xD0000000  }
0x3: {  	_ = 	snop  }
0x4: {  	_ = 	snop  }
0x5: {  	_ = 	snop  }
0x6: {  	_ = 	snop  }
0x7: {  	_ = 	snop  }
__scs_overlays_trampoline_lowered:
0x8: {  	[smem:$0x3FA8] =	sst s0  }
0x9: {  	[smem:$0x3FA9] =	sst s1  }
0xa: {  	[smem:$0x3FAA] =	sst s2  }
0xb: {  	[smem:$0x3FAB] =	sst s3  }
0xc: {  	[smem:$0x3FAC] =	sst s4  }
0xd: {  	[smem:$0x3FAD] =	sst s5  }
0xe: {  	[smem:$0x3FAE] =	sst s6  }
0xf: {  	[smem:$0x3FAF] =	sst s7  }
0x10: {  	[smem:$0x3FB0] =	sst s8  }
0x11: {  	[smem:$0x3FB1] =	sst s9;
	s0 =	simm.s32 @!p0 $0x0  }
0x12: {  	s1 =	sld [smem:$0x3F97];
	s0 =	simm.s32 @p0 $0x1  }
0x13: {  	[smem:$0x3FB2] =	sst s0;
	s0 =	simm.s32 @!p1 $0x0  }
0x14: {  	s2 =	sld [smem:$0x3F96];
	s0 =	simm.s32 @p1 $0x1  }
0x15: {  	[smem:$0x3FB3] =	sst s0;
	s0 =	simm.s32 @!p2 $0x0  }
0x16: {  	s3 =	sld [smem:$0x3FDB];
	s0 =	simm.s32 @p2 $0x1  }
0x17: {  	s4 =	simm.s32 $0x1BF5;
	[smem:$0x3FB5] =	sst s0  }
0x18: {  	s0 =	sld [smem:$0x3F98];
	_ =	swait.ge [sflag:s4], $0x0  }
0x19: {  	s7 =	sld [smem:$0x3F99]  }
0x1a: {  	s8 =	sadd.s32 $0xFFFFE003, lr  }
0x1b: {  	s9 =	sadd.s32 $0xFFFFFEF7, lr;
	s5 =	simm.s32 $0xFFFFFFFF;
	p2 =	slt.u32 s8, $0xFFFFF086  }
0x1c: {  	p1 =	slt.u32 s9, $0xF7A;
	s5 =	simm.s32 @!p2 $0x0  }
0x1d: {  	s5 =	simm.s32 @p1 $0x1;
	p0 =	seq.s32 s7, s2  }
0x1e: {  	s7 =	smul.u32 @!p0 $0xF7A, s2;
	p2 =	seq.s32 @!p0 s5, $0x0  }
0x1f: {  	s9 =	smul.u32 $0xF7A, s1;
	s8 =	simm.s32 @!p0 $0x1BF5;
	p2 =	por !p2, p0  }
0x20: {  	[sflag:s8] =	ssyncset.s32 @!p0 $0xFFFFF086;
	s6 =	sadd.s32 @!p0 s3, s7;
	s7 =	simm.s32 @!p0 $0x108  }
0x21: {  	s3 =	sadd.s32 s3, s9;
	s6 =	sadd.s32 @!p0 $0x88, s6;
	s7 =	simm.s32 @p2 $0x1082  }
0x22: {  	[simem:s7], [sflag:s8] =	dma.local @!p0 [hbm:s6], $0xF7A  }
0x23: {  	s9 =	sor.u32 $0xD0000000, s2;
	s6 =	simm.s32 $0x108;
	_ =	swait.ge @!p0 [sflag:s8], $0x0  }
0x24: {  	s3 =	sadd.s32 $0x88, s3;
	s6 =	simm.s32 @!p1 $0x1082;
	[sflag:s4] =	ssyncset.s32 $0xFFFFF086  }
0x25: {  	[simem:s6], [sflag:s4] =	dma.local [hbm:s3], $0xF7A  }
0x26: {  	[smem:$0x3F99] =	sst s1;
	(tag) =	ssettag s2;
	_ =	strace s9  }
0x27: {  	s1 =	sld [smem:$0x3FA9]  }
0x28: {  	s2 =	sld [smem:$0x3FAA]  }
0x29: {  	s4 =	sld [smem:$0x3FAC]  }
0x2a: {  	p0 =	seq.s32 s5, $0x0;
	s5 =	sld [smem:$0x3FAD]  }
0x2b: {  	s6 =	sld [smem:$0x3FAE]  }
0x2c: {  	s7 =	sld [smem:$0x3FAF]  }
0x2d: {  	s3 =	simm.s32 $0x108;
	s8 =	sld [smem:$0x3FB0]  }
0x2e: {  	s3 =	simm.s32 @!p0 $0x1082;
	s9 =	sld [smem:$0x3FB1]  }
0x2f: {  	lr =	sadd.s32 s0, s3;
	s0 =	sld [smem:$0x3FA8]  }
0x30: {  	s3 =	sld [smem:$0x3FAB]  }
0x31: {  	[smem:$0x3FB4] =	sst s10  }
0x32: {  	s10 =	sld [smem:$0x3FB2];
	_ =	sdelay $0x3  }
0x33: {  	p0 =	seq.s32 s10, $0x1;
	s10 =	sld [smem:$0x3FB4];
	_ =	sdelay $0x3  }
0x34: {  	[smem:$0x3FB4] =	sst s10  }
0x35: {  	s10 =	sld [smem:$0x3FB3];
	_ =	sdelay $0x3  }
0x36: {  	p1 =	seq.s32 s10, $0x1;
	s10 =	sld [smem:$0x3FB4];
	_ =	sdelay $0x3  }
0x37: {  	[smem:$0x3FB4] =	sst s10  }
0x38: {  	s10 =	sld [smem:$0x3FB5]  }
0x39: {  	_ = 	snop;
	(pc) =	sbr.ind lr, $3  }
0x3a: {  	_ = 	snop  }
0x3b: {  	_ = 	snop  }
0x3c: {  	p2 =	seq.s32 s10, $0x1;
	s10 =	sld [smem:$0x3FB4]  }
0x3d: {  	_ =	shalt  }
0x3e: {  	_ =	shalt  }
0x3f: {  	_ =	shalt  }
0x40: {  	_ =	shalt  }
0x41: {  	_ =	shalt  }
0x42: {  	_ =	shalt  }
0x43: {  	_ =	shalt  }
0x44: {  	_ =	shalt  }
0x45: {  	_ =	shalt  }
0x46: {  	_ =	shalt  }
0x47: {  	_ =	shalt  }
0x48: {  	_ =	shalt  }
0x49: {  	_ =	shalt  }
0x4a: {  	_ =	shalt  }
0x4b: {  	_ =	shalt  }
0x4c: {  	_ =	shalt  }
0x4d: {  	_ =	shalt  }
0x4e: {  	_ =	shalt  }
0x4f: {  	_ =	shalt  }
0x50: {  	_ =	shalt  }
0x51: {  	_ =	shalt  }
0x52: {  	_ =	shalt  }
0x53: {  	_ =	shalt  }
0x54: {  	_ =	shalt  }
0x55: {  	_ =	shalt  }
0x56: {  	_ =	shalt  }
0x57: {  	_ =	shalt  }
0x58: {  	_ =	shalt  }
0x59: {  	_ =	shalt  }
0x5a: {  	_ =	shalt  }
0x5b: {  	_ =	shalt  }
0x5c: {  	_ =	shalt  }
0x5d: {  	_ =	shalt  }
0x5e: {  	_ =	shalt  }
0x5f: {  	_ =	shalt  }
0x60: {  	_ =	shalt  }
0x61: {  	_ =	shalt  }
0x62: {  	_ =	shalt  }
0x63: {  	_ =	shalt  }
0x64: {  	_ =	shalt  }
0x65: {  	_ =	shalt  }
0x66: {  	_ =	shalt  }
0x67: {  	_ =	shalt  }
0x68: {  	_ =	shalt  }
0x69: {  	_ =	shalt  }
0x6a: {  	_ =	shalt  }
0x6b: {  	_ =	shalt  }
0x6c: {  	_ =	shalt  }
0x6d: {  	_ =	shalt  }
0x6e: {  	_ =	shalt  }
0x6f: {  	_ =	shalt  }
0x70: {  	_ =	shalt  }
0x71: {  	_ =	shalt  }
0x72: {  	_ =	shalt  }
0x73: {  	_ =	shalt  }
0x74: {  	_ =	shalt  }
0x75: {  	_ =	shalt  }
0x76: {  	_ =	shalt  }
0x77: {  	_ =	shalt  }
0x78: {  	_ =	shalt  }
0x79: {  	_ =	shalt  }
0x7a: {  	_ =	shalt  }
0x7b: {  	_ =	shalt  }
0x7c: {  	_ =	shalt  }
0x7d: {  	_ =	shalt  }
0x7e: {  	_ =	shalt  }
0x7f: {  	_ =	shalt  }
0x80: {  	_ =	shalt  }
0x81: {  	_ =	shalt  }
0x82: {  	_ =	shalt  }
0x83: {  	_ =	shalt  }
0x84: {  	_ =	shalt  }
0x85: {  	_ =	shalt  }
0x86: {  	_ =	shalt  }
0x87: {  	_ =	shalt  }
.Lfunc_end0:
.L_simem_size_0:
called_computation.2_lowered:
.L_overlay_start_0:
0x88: {  	s2 =	sld [smem:$0x3FD9]  }
0x89: {  	s3 =	sld [smem:$0x3FFE];
	_ =	sdelay $0x1  }
0x8a: {  	s1 =	srdreg.scid  }
0x8b: {  	s0 =	sand.u32 $0x1, s1  }
0x8c: {  	s17 =	sshll.u32 s0, $0xA;
	s2 =	sadd.s32 s3, s2  }
0x8d: {  	s2 =	sadd.s32 s2, s17  }
0x8e: {  	[smem:$0x3FC0] =	sst s2  }
0x8f: {  	_ = 	snop  }
0x90: {  	s2 =	sld [smem:$0x3FD0];
	(tm) =	ssettm $0x1  }
0x91: {  	s18 =	sld [smem:$0x3FFB];
	_ =	sdelay $0x3  }
0x92: {  	_ =	strace s18  }
0x93: {  	s3 =	sld [smem:$0x3FFC];
	_ =	sdelay $0x3  }
0x94: {  	_ =	strace s3  }
0x95: {  	s3 =	sld [smem:$0x3FFD];
	_ =	sdelay $0x3  }
0x96: {  	_ =	strace s3  }
0x97: {  	_ =	strace $0x8FFFFFFF  }
0x98: {  	s19 =	sld [smem:$0x3FDB];
	_ =	sdelay $0x1  }
0x99: {  	s4 =	simm.s32 $_scs_section_size  }
0x9a: {  	s5 =	simm.s32 $_size__tile_overlayer_lowered;
	s6 =	simm.s32 $_tile_overlayer_lowered  }
0x9b: {  	s22 =	simm.s32 $0x1BFF;
	s21 =	sshll.u32 s6, $0x1;
	s3 =	sadd.s32 s4, s19  }
0x9c: {  	s7 =	simm.s32 $0x0;
	s20 =	sshll.u32 s5, $0x1;
	s5 =	sadd.s32 s21, s3  }
0x9d: {  	[timem:s7], [sflag:s22] =	dma.local [hbm:s5], s20  }
0x9e: {  	_ =	swait.ge [sflag:s22], s20  }
0x9f: {  	s4 =	ssub.s32 $0x0, s20;
	[sflag:s22] =	ssyncset.done $0x0  }
0xa0: {  	[sflag:s22] =	ssyncadd.s32 s4;
	_ =	sdelay $0x1  }
0xa1: {  	s23 =	simm.s32 $0x1B8B  }
0xa2: {  	_ =	swait.ge [sflag:s23], $0x1  }
0xa3: {  	[sflag:s23] =	ssyncset.done $0x0  }
0xa4: {  	s25 =	simm.s32 $0x1B8E;
	s24 =	sld [smem:$0x3FFE];
	[sflag:s23] =	ssyncadd.s32 $0xFFFFFFFF  }
0xa5: {  	s26 =	simm.s32 $execute0_lowered;
	[smem:$0x3FD2] =	sst s25  }
0xa6: {  	s5 =	sshll.u32 s26, $0x1;
	_ =	strace $0x8000004C;
	[dreg:$0x1] =	wrdreg $0xFFFFFFFF  }
0xa7: {  	s28 =	simm.s32 $_size_execute0_lowered;
	s3 =	sadd.s32 s3, s5;
	[dreg:$0x0] =	wrdreg $0x0  }
0xa8: {  	s5 =	sshll.u32 s28, $0x1;
	[dreg:$0x2] =	wrdreg s3  }
0xa9: {  	[dreg:$0x3] =	wrdreg s5  }
0xaa: {  	[dreg:$0x4] =	wrdreg $0xC0  }
0xab: {  	_ =	task [dreg:s7], $0x5FFFF  }
0xac: {  	[dreg:$0x1] =	wrdreg $0xFFFFFFFF  }
0xad: {  	[dreg:$0x0] =	wrdreg $0x60  }
0xae: {  	[dreg:$0x2] =	wrdreg s24  }
0xaf: {  	[dreg:$0x3] =	wrdreg s2  }
0xb0: {  	[dreg:$0x4] =	wrdreg $0x88000  }
0xb1: {  	[dreg:$0x5] =	wrdreg $0x9  }
0xb2: {  	_ =	task.clear_ibuf [dreg:s7], $0x6FFFF;
	_ =	strace $0x9000004C  }
0xb3: {  	s29 =	simm.s32 $0x9;
	_ =	strace $0x8000004E  }
0xb4: {  	_ =	swait.ge [sflag:s29], $0x1  }
0xb5: {  	[sflag:s29] =	ssyncadd.s32 $0xFFFFFFFF  }
0xb6: {  	_ =	strace $0x9000004E  }
0xb7: {  	_ =	sfence  }
0xb8: {  	s30 =	sld [smem:$0x0];
	_ =	sdelay $0x2  }
0xb9: {  	s31 =	sshll.u32 s1, $0xD;
	s1 =	sshrl.u32 s1, $0x2  }
0xba: {  	s3 =	sand.u32 $0x4000, s31;
	s1 =	sadd.s32 s1, s30  }
0xbb: {  	s0 =	sor.u32 s3, s0;
	s1 =	sshll.u32 s1, $0x11  }
0xbc: {  	s0 =	sor.u32 s1, s0  }
0xbd: {  	s0 =	sadd.s32 $0x8F2B, s0  }
0xbe: {  	[sflag:s0] =	ssyncadd.remote.s32 $0x1  }
0xbf: {  	_ =	sfence.sel $0xFFFF  }
0xc0: {  	[dreg:$0x0] =	wrdreg $0xFFFFFFFF;
	(pc) =	sbr.abs _section_cstart, $3  }
0xc1: {  	[dreg:$0x1] =	wrdreg $0xFFFFFFFF  }
0xc2: {  	_ =	task.clear_ibuf [dreg:s7], $0x2FFFF;
	_ =	strace $0x9FFFFFFF  }
0xc3: {  	(tm) =	ssettm $0x7FFFFFFF  }
tec
execute0_lowered:
.L_overlay_start_1:
0x0: {  	(tag) =	ssettag $0x1  }
0x1: {  	s0 =	rddreg [dreg:$0x0]  }
0x2: {  	s2 =	rddreg [dreg:$0x1]  }
0x3: {  	s1 =	rddreg [dreg:$0x2];
	s3 =	simm.s32 $0x0  }
0x4: {  	s5 =	srdreg.scid;
	s11 =	stileid.u32;
	s28 =	simm.s32 $0x1  }
0x5: {  	s29 =	simm.s32 $0x3;
	s30 =	simm.s32 $0x0;
	s6 =	smul.u32 $0x4F, s11  }
0x6: {  	[smem:$0x7FF] =	sst s3;
	s4 =	sadd.s32 $0x4400, s0;
	s9 =	smul.u32 $0x14000, s11  }
0x7: {  	s5 =	sand.u32 $0x1, s5;
	s0 =	sadd.s32 $0x54400, s0;
	s11 =	smul.u32 $0x50000, s11  }
0x8: {  	_ =	strace $0x8000004D;
	s7 =	ssub.s32 $0x2, s5;
	s8 =	smul.u32 $0x140000, s5  }
0x9: {  	p0 =	seq.s32 s5, $0x0;
	s5 =	sadd.s32 $0x4F0, s6;
	s10 =	sshrl.u32 s7, $0x1  }
0xa: {  	s17 =	sadd.s32 $0x4000, s9;
	s22 =	sadd.s32 $0x8000, s9;
	s24 =	sadd.s32 $0xC000, s9  }
0xb: {  	s5 =	smov.u32 @p0 s6;
	s7 =	ssub.s32 s7, s10;
	s12 =	sadd.s32 s8, s9  }
0xc: {  	s6 =	sshrl.u32 s11, $0x2;
	s20 =	sadd.s32 s8, s17;
	s23 =	sadd.s32 s8, s22  }
0xd: {  	s9 =	sadd.s32 $0x10000, s9;
	s25 =	sadd.s32 s8, s24;
	s10 =	sadd.s32 s22, s1  }
0xe: {  	s26 =	sadd.s32 s24, s1;
	s5 =	sshll.u32 s5, $0x5;
	s13 =	sshrl.u32 s12, $0x3  }
0xf: {  	s6 =	sadd.s32 s6, s1;
	s15 =	smax.u32 s7, $0x1;
	s7 =	sshrl.u32 s20, $0x3  }
0x10: {  	s5 =	sadd.s32 s2, s5;
	s2 =	sadd.s32 s0, s13;
	[dreg:$0x7] =	wrdreg s15  }
0x11: {  	s8 =	sadd.s32 s8, s9;
	s16 =	sadd.s32 $0x4000, s6;
	[dreg:$0x6] =	wrdreg s2  }
0x12: {  	s31 =	sadd.s32 s9, s1;
	s18 =	sadd.s32 $0x8000, s6;
	[dreg:$0x8] =	wrdreg s16  }
0x13: {  	s20 =	simm.s32 $0x4;
	s19 =	sadd.s32 $0xC000, s6;
	[dreg:$0x9] =	wrdreg s18  }
0x14: {  	s24 =	sshrl.u32 s26, $0x3;
	s21 =	sadd.s32 $0x10000, s6;
	[dreg:$0xa] =	wrdreg s19  }
0x15: {  	s26 =	simm.s32 $0x80;
	s7 =	sadd.s32 s0, s7;
	[dreg:$0xb] =	wrdreg s21  }
0x16: {  	s8 =	sshrl.u32 s8, $0x3;
	s14 =	sadd.s32 $0x20, s5;
	[dreg:$0xc] =	wrdreg s7  }
0x17: {  	s2 =	sadd.s32 s17, s1;
	s7 =	sshrl.u32 s23, $0x3;
	[dreg:$0x4] =	wrdreg s5  }
0x18: {  	s18 =	sadd.s32 $0x40, s5;
	s19 =	simm.s32 $0x800;
	s7 =	sadd.s32 s0, s7  }
0x19: {  	s23 =	sshrl.u32 s10, $0x3;
	[dreg:$0xd] =	wrdreg s7;
	s7 =	sshrl.u32 s25, $0x3  }
0x1a: {  	s21 =	simm.s32 $0x5;
	[dreg:$0x5] =	wrdreg s14;
	s7 =	sadd.s32 s0, s7  }
0x1b: {  	s22 =	sshrl.u32 s2, $0x3;
	s0 =	sadd.s32 s0, s8;
	[dreg:$0xe] =	wrdreg s7  }
0x1c: {  	v0 =	vimm.f32 $0.0e+00;
	s25 =	sshrl.u32 s31, $0x3;
	[dreg:$0xf] =	wrdreg s0;
	s0 =	simm.s32 $0x2  }
.LBB2_1:
0x1d: {  	s2 =	simm.s32 $0x0;
	s7 =	simm.s32 $0x200  }
.LBB2_2:
0x1e: {  	p0 =	sne.s32 s7, $0xFE00;
	[tilespmem:s2+$0x870] =	vst v0  }
0x1f: {  	[tilespmem:s2+$0x800] =	vst v0  }
0x20: {  	[tilespmem:s2+$0x810] =	vst v0  }
.Ltmp0:
0x21: {  	[tilespmem:s2+$0x820] =	vst v0;
	(pc) =	sbr.rel @p0 .LBB2_2-.Ltmp0, $4  }
0x22: {  	[tilespmem:s2+$0x830] =	vst v0  }
0x23: {  	[tilespmem:s2+$0x840] =	vst v0  }
0x24: {  	[tilespmem:s2+$0x850] =	vst v0  }
0x25: {  	[tilespmem:s2+$0x860] =	vst v0;
	s2 =	sshra.s32 s7, $0x2;
	s7 =	sadd.s32 $0x200, s7  }
0x26: {  	[tilespmem:s2+$0x870] =	vst v0  }
0x27: {  	[tilespmem:s2+$0x800] =	vst v0  }
0x28: {  	[tilespmem:s2+$0x810] =	vst v0  }
0x29: {  	[tilespmem:s2+$0x820] =	vst v0  }
0x2a: {  	[tilespmem:s2+$0x830] =	vst v0  }
0x2b: {  	[tilespmem:s2+$0x840] =	vst v0  }
0x2c: {  	[tilespmem:s2+$0x850] =	vst v0  }
0x2d: {  	[tilespmem:s2+$0x860] =	vst v0  }
0x2e: {  	[spmem:s6] =	stream.linear.scatter [tilespmem:s19], [sflag:$0x4], $0x4000, $0x38;
	[tilespmem:$0x1C800] =	vst v63  }
0x2f: {  	_ =	swait.ge [sflag:s20], $0x4000  }
0x30: {  	[sflag:s20] =	ssyncset.done $0x0  }
0x31: {  	s11 =	rddreg [dreg:$0x8];
	[sflag:s20] =	ssyncadd.s32 $0xFFFFC000  }
0x32: {  	[spmem:s11] =	stream.linear.scatter [tilespmem:s19], [sflag:$0x4], $0x4000, $0x38;
	[tilespmem:$0x1C800] =	vst v63  }
0x33: {  	_ =	swait.ge [sflag:s20], $0x4000  }
0x34: {  	[sflag:s20] =	ssyncset.done $0x0  }
0x35: {  	s12 =	rddreg [dreg:$0x9];
	[sflag:s20] =	ssyncadd.s32 $0xFFFFC000  }
0x36: {  	[spmem:s12] =	stream.linear.scatter [tilespmem:s19], [sflag:$0x4], $0x4000, $0x38;
	[tilespmem:$0x1C800] =	vst v63  }
0x37: {  	_ =	swait.ge [sflag:s20], $0x4000  }
0x38: {  	[sflag:s20] =	ssyncset.done $0x0  }
0x39: {  	s13 =	rddreg [dreg:$0xa];
	[sflag:s20] =	ssyncadd.s32 $0xFFFFC000  }
0x3a: {  	[spmem:s13] =	stream.linear.scatter [tilespmem:s19], [sflag:$0x4], $0x4000, $0x38;
	[tilespmem:$0x1C800] =	vst v63  }
0x3b: {  	_ =	swait.ge [sflag:s20], $0x4000  }
0x3c: {  	[sflag:s20] =	ssyncset.done $0x0  }
0x3d: {  	s14 =	rddreg [dreg:$0xb];
	[sflag:s20] =	ssyncadd.s32 $0xFFFFC000  }
0x3e: {  	[spmem:s14] =	stream.linear.scatter [tilespmem:s19], [sflag:$0x4], $0x4000, $0x38;
	[tilespmem:$0x1C800] =	vst v63  }
0x3f: {  	_ =	swait.ge [sflag:s20], $0x4000  }
0x40: {  	[sflag:s20] =	ssyncset.done $0x0  }
0x41: {  	s7 =	simm.s32 $0x0;
	s15 =	rddreg [dreg:$0x4];
	[sflag:s20] =	ssyncadd.s32 $0xFFFFC000  }
0x42: {  	[tilespmem:s7], [sflag:$0x4] =	stream.linear.gather [hbm4b:s15+s7], $0x100, $0x38;
	[tilespmem:$0x1C800] =	vst v63  }
0x43: {  	_ =	swait.ge [sflag:s20], $0x100  }
0x44: {  	[sflag:s20] =	ssyncset.done $0x0  }
0x45: {  	s5 =	simm.s32 $0x100;
	s16 =	rddreg [dreg:$0x5];
	[sflag:s20] =	ssyncadd.s32 $0xFFFFFF00  }
0x46: {  	[tilespmem:s5], [sflag:$0x4] =	stream.linear.gather [hbm4b:s16+s7], $0x100, $0x38;
	[tilespmem:$0x1C800] =	vst v63  }
0x47: {  	p0 =	por $0x1, $0x1;
	s17 =	simm.s32 $0x400;
	_ =	swait.ge [sflag:s20], $0x100  }
0x48: {  	s9 =	simm.s32 $0x200;
	p1 =	por @!p0 $0x0, $0x0;
	[sflag:s20] =	ssyncset.done $0x0  }
0x49: {  	s2 =	sand.u32 $0x1C00, s17;
	p0 =	por p1, p0;
	[sflag:s20] =	ssyncadd.s32 $0xFFFFFF00  }
0x4a: {  	s9 =	sand.u32 $0x700, s9;
	s8 =	simm.s32 @!p0 $0x1;
	[bflag:$0x0] =	sbarrier.arrive $0xFFFF  }
0x4b: {  	[tilespmem:s19], [sflag:$0x2] =	stream.indirect.gather [hbm4b:s4+s26], $0x80, s7, s26, $0xb8;
	[tilespmem:$0x1C800] =	vst v63  }
0x4c: {  	s10 =	sand.u32 $0x1, s7;
	p1 =	por $0x0, $0x0;
	_ =	swait.ge @!p0 [sflag:s8], $0x100  }
0x4d: {  	p2 =	por @!p1 $0x0, $0x0;
	s7 =	sand.u32 $0xE, s7;
	[sflag:s8] =	ssyncset.done @!p0 $0x0  }
0x4e: {  	[sflag:s8] =	ssyncadd.s32 @!p0 $0xFFFFFF00;
	p0 =	seq.s32 s10, $0x1;
	s10 =	sshrl.u32 s2, $0x2  }
0x4f: {  	[tilespmem:s9], [sflag:$0x1] =	stream.linear.gather [hbm4b:s18+s3], $0x100, $0x38;
	[tilespmem:$0x1C800] =	vst v63  }
0x50: {  	s9 =	simm.s32 @p0 $0x80;
	s2 =	simm.s32 @p0 $0x800;
	s11 =	simm.s32 @p0 $0x3  }
0x51: {  	[tilespmem:s2], [sflag:$0x2] =	stream.indirect.gather @p0 [hbm4b:s4+s9], $0x80, s10, s9, $0xb8;
	[tilespmem:$0x1C800] =	vst v63  }
0x52: {  	p1 =	por p2, p1;
	s31 =	sor.u32 $0x1, s7;
	_ =	swait.ge @p0 [sflag:s11], $0x4000  }
0x53: {  	s8 =	simm.s32 $0x2;
	s7 =	sshll.u32 @p0 s31, $0x7;
	[sflag:s11] =	ssyncset.done @p0 $0x0  }
0x54: {  	s12 =	simm.s32 @p0 $0x4800;
	s13 =	simm.s32 @!p0 $0x2;
	[sflag:s11] =	ssyncadd.s32 @p0 $0xFFFFC000  }
0x55: {  	[spmem:s1] =	stream.indirect.scatter.add.f32 @p0 [tilespmem:s12], [sflag:$0x4], $0x80, s7, s9, $0xb8;
	[tilespmem:$0x1C800] =	vst v63  }
0x56: {  	s31 =	sshll.u32 @!p0 s31, $0x7;
	s12 =	simm.s32 @!p0 $0x80;
	s7 =	simm.s32 @!p0 $0x4800  }
0x57: {  	[tilespmem:s7], [sflag:$0x3] =	stream.indirect.gather @!p0 [hbm4b:s4+s12], $0x80, s10, s12, $0xb8;
	[tilespmem:$0x1C800] =	vst v63  }
0x58: {  	s2 =	simm.s32 $0x1;
	s11 =	simm.s32 @!p0 $0x5;
	_ =	swait.ge @!p0 [sflag:s13], $0x4000  }
0x59: {  	s9 =	simm.s32 $0x300;
	s11 =	simm.s32 @p0 $0x4;
	[sflag:s13] =	ssyncset.done @!p0 $0x0  }
0x5a: {  	s7 =	simm.s32 $0x2;
	s10 =	simm.s32 @!p0 $0x800;
	[sflag:s13] =	ssyncadd.s32 @!p0 $0xFFFFC000  }
0x5b: {  	[spmem:s1] =	stream.indirect.scatter.add.f32 @!p0 [tilespmem:s10], [sflag:$0x5], $0x80, s31, s12, $0xb8;
	[tilespmem:$0x1C800] =	vst v63  }
0x5c: {  	s10 =	sadd.s32 $0x20, s18;
	s31 =	simm.s32 $0x800;
	_ =	swait.ge [sflag:s11], $0x4000  }
.LBB2_4:
0x5d: {  	s12 =	simm.s32 @!p1 $0x1;
	[sflag:s11] =	ssyncset.done $0x0;
	s13 =	smov.u32 s2  }
0x5e: {  	s2 =	smov.u32 s8;
	s8 =	sadd.s32 $0x1, s8;
	s14 =	smov.u32 s9  }
0x5f: {  	s9 =	sadd.s32 $0x100, s9;
	p0 =	sne.s32 s8, $0x4D;
	[sflag:s11] =	ssyncadd.s32 $0xFFFFC000  }
0x60: {  	s5 =	sand.u32 $0xE, s7;
	s11 =	sand.u32 $0x1C00, s31;
	_ =	swait.ge @!p1 [sflag:s12], $0x100  }
0x61: {  	s14 =	sand.u32 $0x700, s14;
	s13 =	sand.u32 $0x1, s13;
	[sflag:s12] =	ssyncset.done @!p1 $0x0  }
0x62: {  	[sflag:s12] =	ssyncadd.s32 @!p1 $0xFFFFFF00;
	p1 =	seq.s32 s13, $0x1;
	s12 =	sshrl.u32 s11, $0x2  }
0x63: {  	[tilespmem:s14], [sflag:$0x1] =	stream.linear.gather [hbm4b:s10+s3], $0x100, $0x38;
	[tilespmem:$0x1C800] =	vst v63  }
0x64: {  	s13 =	simm.s32 @p1 $0x80;
	s11 =	simm.s32 @p1 $0x800;
	s14 =	simm.s32 @p1 $0x3  }
0x65: {  	[tilespmem:s11], [sflag:$0x2] =	stream.indirect.gather @p1 [hbm4b:s4+s13], $0x80, s12, s13, $0xb8;
	[tilespmem:$0x1C800] =	vst v63  }
0x66: {  	s5 =	sor.u32 $0x1, s5;
	s11 =	simm.s32 @!p1 $0x5;
	_ =	swait.ge @p1 [sflag:s14], $0x4000  }
0x67: {  	s15 =	sshll.u32 @p1 s5, $0x7;
	s16 =	simm.s32 @p1 $0x4800;
	[sflag:s14] =	ssyncset.done @p1 $0x0  }
0x68: {  	s17 =	simm.s32 @!p1 $0x4800;
	[sflag:s14] =	ssyncadd.s32 @p1 $0xFFFFC000;
	s14 =	simm.s32 @!p1 $0x80  }
0x69: {  	[spmem:s1] =	stream.indirect.scatter.add.f32 @p1 [tilespmem:s16], [sflag:$0x4], $0x80, s15, s13, $0xb8;
	[tilespmem:$0x1C800] =	vst v63  }
0x6a: {  	s7 =	sadd.s32 $0x2, s7;
	s10 =	sadd.s32 $0x20, s10;
	s13 =	simm.s32 @!p1 $0x2  }
0x6b: {  	[tilespmem:s17], [sflag:$0x3] =	stream.indirect.gather @!p1 [hbm4b:s4+s14], $0x80, s12, s14, $0xb8;
	[tilespmem:$0x1C800] =	vst v63  }
.Ltmp1:
0x6c: {  	s12 =	simm.s32 @!p1 $0x800;
	_ =	swait.ge @!p1 [sflag:s13], $0x4000;
	(pc) =	sbr.rel @p0 .LBB2_4-.Ltmp1, $4  }
0x6d: {  	p2 =	seq.s32 s2, $0x0;
	s5 =	sshll.u32 @!p1 s5, $0x7;
	[sflag:s13] =	ssyncset.done @!p1 $0x0  }
0x6e: {  	p3 =	seq.s32 @!p2 s2, $0x4E;
	s11 =	simm.s32 @p1 $0x4;
	[sflag:s13] =	ssyncadd.s32 @!p1 $0xFFFFC000  }
0x6f: {  	[spmem:s1] =	stream.indirect.scatter.add.f32 @!p1 [tilespmem:s12], [sflag:$0x5], $0x80, s5, s14, $0xb8;
	[tilespmem:$0x1C800] =	vst v63  }
0x70: {  	s31 =	sadd.s32 $0x400, s31;
	p1 =	por p3, p2;
	_ =	swait.ge [sflag:s11], $0x4000  }
0x71: {  	[sflag:s11] =	ssyncset.done $0x0  }
0x72: {  	s5 =	simm.s32 @!p1 $0x1;
	[sflag:s11] =	ssyncadd.s32 $0xFFFFC000  }
0x73: {  	s17 =	sand.u32 $0x1C00, s31;
	_ =	swait.ge @!p1 [sflag:s5], $0x100  }
0x74: {  	s2 =	sand.u32 $0x1, s2;
	s8 =	sand.u32 $0x700, s9;
	[sflag:s5] =	ssyncset.done @!p1 $0x0  }
0x75: {  	p0 =	seq.s32 s2, $0x1;
	s2 =	sshrl.u32 s17, $0x2;
	[sflag:s5] =	ssyncadd.s32 @!p1 $0xFFFFFF00  }
0x76: {  	[tilespmem:s8], [sflag:$0x1] =	stream.linear.gather [hbm4b:s10+s3], $0x100, $0x38;
	[tilespmem:$0x1C800] =	vst v63  }
0x77: {  	s9 =	simm.s32 @p0 $0x3;
	s5 =	simm.s32 @p0 $0x80;
	s8 =	simm.s32 @p0 $0x800  }
0x78: {  	[tilespmem:s8], [sflag:$0x2] =	stream.indirect.gather @p0 [hbm4b:s4+s5], $0x80, s2, s5, $0xb8;
	[tilespmem:$0x1C800] =	vst v63  }
0x79: {  	s7 =	sand.u32 $0xE, s7;
	_ =	swait.ge @p0 [sflag:s9], $0x4000  }
0x7a: {  	s7 =	sor.u32 $0x1, s7;
	[sflag:s9] =	ssyncset.done @p0 $0x0  }
0x7b: {  	s8 =	sshll.u32 @p0 s7, $0x7;
	[sflag:s9] =	ssyncadd.s32 @p0 $0xFFFFC000;
	s9 =	simm.s32 @p0 $0x4800  }
0x7c: {  	[spmem:s1] =	stream.indirect.scatter.add.f32 @p0 [tilespmem:s9], [sflag:$0x4], $0x80, s8, s5, $0xb8;
	[tilespmem:$0x1C800] =	vst v63  }
0x7d: {  	s5 =	simm.s32 @!p0 $0x80;
	s8 =	simm.s32 @!p0 $0x4800  }
0x7e: {  	[tilespmem:s8], [sflag:$0x3] =	stream.indirect.gather @!p0 [hbm4b:s4+s5], $0x80, s2, s5, $0xb8;
	[tilespmem:$0x1C800] =	vst v63  }
0x7f: {  	s2 =	simm.s32 @!p0 $0x2  }
0x80: {  	_ =	swait.ge @!p0 [sflag:s2], $0x4000  }
0x81: {  	[sflag:s2] =	ssyncset.done @!p0 $0x0  }
0x82: {  	s7 =	sshll.u32 @!p0 s7, $0x7;
	[sflag:s2] =	ssyncadd.s32 @!p0 $0xFFFFC000;
	s2 =	simm.s32 @!p0 $0x800  }
0x83: {  	[spmem:s1] =	stream.indirect.scatter.add.f32 @!p0 [tilespmem:s2], [sflag:$0x5], $0x80, s7, s5, $0xb8;
	[tilespmem:$0x1C800] =	vst v63  }
0x84: {  	s2 =	simm.s32 @!p0 $0x5  }
0x85: {  	s2 =	simm.s32 @p0 $0x4  }
0x86: {  	_ =	swait.ge [sflag:s2], $0x4000  }
0x87: {  	[sflag:s2] =	ssyncset.done $0x0  }
0x88: {  	[sflag:s2] =	ssyncadd.s32 $0xFFFFC000  }
0x89: {  	s7 =	sadd.s32 $0x400, s31;
	_ =	swait.ge [sflag:s28], $0x100  }
0x8a: {  	s2 =	sand.u32 $0x1C00, s7;
	[sflag:s28] =	ssyncset.done $0x0  }
0x8b: {  	s2 =	sshrl.u32 s2, $0x2;
	[sflag:s28] =	ssyncadd.s32 $0xFFFFFF00  }
0x8c: {  	[tilespmem:s19], [sflag:$0x2] =	stream.indirect.gather [hbm4b:s4+s26], $0x80, s2, s26, $0xb8;
	[tilespmem:$0x1C800] =	vst v63  }
0x8d: {  	_ =	swait.ge [sflag:s29], $0x4000  }
0x8e: {  	[sflag:s29] =	ssyncset.done $0x0  }
0x8f: {  	s9 =	simm.s32 $0x4800;
	s8 =	simm.s32 $0x580;
	[sflag:s29] =	ssyncadd.s32 $0xFFFFC000  }
0x90: {  	[spmem:s1] =	stream.indirect.scatter.add.f32 [tilespmem:s9], [sflag:$0x4], $0x80, s8, s26, $0xb8;
	[tilespmem:$0x1C800] =	vst v63  }
0x91: {  	_ =	swait.ge [sflag:s20], $0x4000  }
0x92: {  	[sflag:s20] =	ssyncset.done $0x0  }
0x93: {  	[sflag:s20] =	ssyncadd.s32 $0xFFFFC000  }
0x94: {  	_ =	swait.ge [sflag:s0], $0x4000  }
0x95: {  	[sflag:s0] =	ssyncset.done $0x0  }
0x96: {  	s10 =	simm.s32 $0x680;
	[sflag:s0] =	ssyncadd.s32 $0xFFFFC000  }
0x97: {  	[spmem:s1] =	stream.indirect.scatter.add.f32 [tilespmem:s19], [sflag:$0x5], $0x80, s10, s26, $0xb8;
	[tilespmem:$0x1C800] =	vst v63  }
0x98: {  	_ =	swait.ge [sflag:s21], $0x4000  }
0x99: {  	[sflag:s21] =	ssyncset.done $0x0  }
0x9a: {  	s11 =	stileid.u32;
	[sflag:s21] =	ssyncadd.s32 $0xFFFFC000  }
0x9b: {  	s2 =	sshll.u32 s11, $0x6;
	[bflag:$0x0] =	sbarrier.arrive $0xFFFF  }
0x9c: {  	s12 =	sshrl.u32 s6, $0x3;
	s2 =	sor.u32 $0x1C04, s2;
	s13 =	rddreg [dreg:$0x6]  }
0x9d: {  	[hbm:s13], [sflag:s2] =	dma.local [spmem:s12], $0x800  }
0x9e: {  	_ =	swait.ge [sflag:s20], $0x800  }
0x9f: {  	[sflag:s20] =	ssyncset.done $0x0  }
0xa0: {  	s14 =	rddreg [dreg:$0xc];
	[sflag:s20] =	ssyncadd.s32 $0xFFFFF800  }
0xa1: {  	[hbm:s14], [sflag:s2] =	dma.local [spmem:s22], $0x800  }
0xa2: {  	_ =	swait.ge [sflag:s20], $0x800  }
0xa3: {  	[sflag:s20] =	ssyncset.done $0x0  }
0xa4: {  	s15 =	rddreg [dreg:$0xd];
	[sflag:s20] =	ssyncadd.s32 $0xFFFFF800  }
0xa5: {  	[hbm:s15], [sflag:s2] =	dma.local [spmem:s23], $0x800  }
0xa6: {  	_ =	swait.ge [sflag:s20], $0x800  }
0xa7: {  	[sflag:s20] =	ssyncset.done $0x0  }
0xa8: {  	s16 =	rddreg [dreg:$0xe];
	[sflag:s20] =	ssyncadd.s32 $0xFFFFF800  }
0xa9: {  	[hbm:s16], [sflag:s2] =	dma.local [spmem:s24], $0x800  }
0xaa: {  	_ =	swait.ge [sflag:s20], $0x800  }
0xab: {  	[sflag:s20] =	ssyncset.done $0x0  }
0xac: {  	s17 =	rddreg [dreg:$0xf];
	[sflag:s20] =	ssyncadd.s32 $0xFFFFF800  }
0xad: {  	[hbm:s17], [sflag:s2] =	dma.local [spmem:s25], $0x800  }
0xae: {  	_ =	swait.ge [sflag:s20], $0x800  }
0xaf: {  	s30 =	sadd.s32 $0x1, s30;
	s31 =	rddreg [dreg:$0x7]  }
0xb0: {  	p0 =	sne.s32 s30, s31  }
.Ltmp2:
0xb1: {  	_ = 	snop;
	(pc) =	sbr.rel @p0 .LBB2_1-.Ltmp2, $3  }
0xb2: {  	_ =	sdelay $0x1  }
0xb3: {  	[sflag:s20] =	ssyncset.done $0x0  }
0xb4: {  	[sflag:s20] =	ssyncadd.s32 $0xFFFFF800  }
0xb5: {  	_ =	sfence.sel $0x180000  }
0xb6: {  	[bflag:$0x0] =	sbarrier.arrive $0xFFFF  }
0xb7: {  	_ =	strace $0x9000004D  }
0xb8: {  	s0 =	stileid.u32;
	[bflag:$0x2] =	sbarrier.arrive $0xFFFF  }
0xb9: {  	p0 =	sne.s32 s0, $0x0;
	s0 =	rddreg [dreg:$0x3]  }
0xba: {  	s0 =	sadd.s32 @!p0 $0x100000, s0  }
0xbb: {  	[sflag:s0] =	ssyncadd.tile.s32 @!p0 $0x1;
	_ =	shalt  }
.Lfunc_end2:
_tile_overlayer_lowered:
.L_overlay_start_2:
0xbc: {  	(tag) =	ssettag $0x2  }
0xbd: {  	s0 =	rddreg [dreg:$0x0];
	s2 =	stileid.u32  }
0xbe: {  	s1 =	rddreg [dreg:$0x1];
	p0 =	sne.s32 s2, $0x0  }
0xbf: {  	s3 =	rddreg [dreg:$0x2];
	[bflag:$0x3] =	sbarrier.arrive $0xFFFF;
	s2 =	simm.s32 @!p0 $0x1C04  }
0xc0: {  	[timem:s3], [sflag:s2] =	dma.local @!p0 [hbm:s0], s1  }
0xc1: {  	s0 =	simm.s32 @!p0 $0x4  }
0xc2: {  	_ =	swait.ge @!p0 [sflag:s0], s1  }
0xc3: {  	s1 =	ssub.s32 @!p0 $0x0, s1;
	[sflag:s0] =	ssyncset.done @!p0 $0x0  }
0xc4: {  	[sflag:s0] =	ssyncadd.s32 @!p0 s1  }
0xc5: {  	[bflag:$0x3] =	sbarrier.arrive $0xFFFF  }
0xc6: {  	_ =	shalt  }

// kernel: kernel.20.cloned.1.call-start
scs
__scs_entry_jumppad:
0x0: {  	(pc) =	sbr.rel $0x88, $3  }
0x1: {  	(tag) =	ssettag $0x0;
	lr =	simm.s32 $0x1  }
0x2: {  	[smem:$0x3F99] =	sst lr;
	_ =	strace $0xD0000000  }
0x3: {  	_ = 	snop  }
0x4: {  	_ = 	snop  }
0x5: {  	_ = 	snop  }
0x6: {  	_ = 	snop  }
0x7: {  	_ = 	snop  }
__scs_overlays_trampoline_lowered:
0x8: {  	[smem:$0x3FA8] =	sst s0  }
0x9: {  	[smem:$0x3FA9] =	sst s1  }
0xa: {  	[smem:$0x3FAA] =	sst s2  }
0xb: {  	[smem:$0x3FAB] =	sst s3  }
0xc: {  	[smem:$0x3FAC] =	sst s4  }
0xd: {  	[smem:$0x3FAD] =	sst s5  }
0xe: {  	[smem:$0x3FAE] =	sst s6  }
0xf: {  	[smem:$0x3FAF] =	sst s7  }
0x10: {  	[smem:$0x3FB0] =	sst s8  }
0x11: {  	[smem:$0x3FB1] =	sst s9;
	s0 =	simm.s32 @!p0 $0x0  }
0x12: {  	s1 =	sld [smem:$0x3F97];
	s0 =	simm.s32 @p0 $0x1  }
0x13: {  	[smem:$0x3FB2] =	sst s0;
	s0 =	simm.s32 @!p1 $0x0  }
0x14: {  	s2 =	sld [smem:$0x3F96];
	s0 =	simm.s32 @p1 $0x1  }
0x15: {  	[smem:$0x3FB3] =	sst s0;
	s0 =	simm.s32 @!p2 $0x0  }
0x16: {  	s3 =	sld [smem:$0x3FDB];
	s0 =	simm.s32 @p2 $0x1  }
0x17: {  	s4 =	simm.s32 $0x1BF5;
	[smem:$0x3FB5] =	sst s0  }
0x18: {  	s0 =	sld [smem:$0x3F98];
	_ =	swait.ge [sflag:s4], $0x0  }
0x19: {  	s7 =	sld [smem:$0x3F99]  }
0x1a: {  	s8 =	sadd.s32 $0xFFFFE003, lr  }
0x1b: {  	s9 =	sadd.s32 $0xFFFFFEF7, lr;
	s5 =	simm.s32 $0xFFFFFFFF;
	p2 =	slt.u32 s8, $0xFFFFF086  }
0x1c: {  	p1 =	slt.u32 s9, $0xF7A;
	s5 =	simm.s32 @!p2 $0x0  }
0x1d: {  	s5 =	simm.s32 @p1 $0x1;
	p0 =	seq.s32 s7, s2  }
0x1e: {  	s7 =	smul.u32 @!p0 $0xF7A, s2;
	p2 =	seq.s32 @!p0 s5, $0x0  }
0x1f: {  	s9 =	smul.u32 $0xF7A, s1;
	s8 =	simm.s32 @!p0 $0x1BF5;
	p2 =	por !p2, p0  }
0x20: {  	[sflag:s8] =	ssyncset.s32 @!p0 $0xFFFFF086;
	s6 =	sadd.s32 @!p0 s3, s7;
	s7 =	simm.s32 @!p0 $0x108  }
0x21: {  	s3 =	sadd.s32 s3, s9;
	s6 =	sadd.s32 @!p0 $0x88, s6;
	s7 =	simm.s32 @p2 $0x1082  }
0x22: {  	[simem:s7], [sflag:s8] =	dma.local @!p0 [hbm:s6], $0xF7A  }
0x23: {  	s9 =	sor.u32 $0xD0000000, s2;
	s6 =	simm.s32 $0x108;
	_ =	swait.ge @!p0 [sflag:s8], $0x0  }
0x24: {  	s3 =	sadd.s32 $0x88, s3;
	s6 =	simm.s32 @!p1 $0x1082;
	[sflag:s4] =	ssyncset.s32 $0xFFFFF086  }
0x25: {  	[simem:s6], [sflag:s4] =	dma.local [hbm:s3], $0xF7A  }
0x26: {  	[smem:$0x3F99] =	sst s1;
	(tag) =	ssettag s2;
	_ =	strace s9  }
0x27: {  	s1 =	sld [smem:$0x3FA9]  }
0x28: {  	s2 =	sld [smem:$0x3FAA]  }
0x29: {  	s4 =	sld [smem:$0x3FAC]  }
0x2a: {  	p0 =	seq.s32 s5, $0x0;
	s5 =	sld [smem:$0x3FAD]  }
0x2b: {  	s6 =	sld [smem:$0x3FAE]  }
0x2c: {  	s7 =	sld [smem:$0x3FAF]  }
0x2d: {  	s3 =	simm.s32 $0x108;
	s8 =	sld [smem:$0x3FB0]  }
0x2e: {  	s3 =	simm.s32 @!p0 $0x1082;
	s9 =	sld [smem:$0x3FB1]  }
0x2f: {  	lr =	sadd.s32 s0, s3;
	s0 =	sld [smem:$0x3FA8]  }
0x30: {  	s3 =	sld [smem:$0x3FAB]  }
0x31: {  	[smem:$0x3FB4] =	sst s10  }
0x32: {  	s10 =	sld [smem:$0x3FB2];
	_ =	sdelay $0x3  }
0x33: {  	p0 =	seq.s32 s10, $0x1;
	s10 =	sld [smem:$0x3FB4];
	_ =	sdelay $0x3  }
0x34: {  	[smem:$0x3FB4] =	sst s10  }
0x35: {  	s10 =	sld [smem:$0x3FB3];
	_ =	sdelay $0x3  }
0x36: {  	p1 =	seq.s32 s10, $0x1;
	s10 =	sld [smem:$0x3FB4];
	_ =	sdelay $0x3  }
0x37: {  	[smem:$0x3FB4] =	sst s10  }
0x38: {  	s10 =	sld [smem:$0x3FB5]  }
0x39: {  	_ = 	snop;
	(pc) =	sbr.ind lr, $3  }
0x3a: {  	_ = 	snop  }
0x3b: {  	_ = 	snop  }
0x3c: {  	p2 =	seq.s32 s10, $0x1;
	s10 =	sld [smem:$0x3FB4]  }
0x3d: {  	_ =	shalt  }
0x3e: {  	_ =	shalt  }
0x3f: {  	_ =	shalt  }
0x40: {  	_ =	shalt  }
0x41: {  	_ =	shalt  }
0x42: {  	_ =	shalt  }
0x43: {  	_ =	shalt  }
0x44: {  	_ =	shalt  }
0x45: {  	_ =	shalt  }
0x46: {  	_ =	shalt  }
0x47: {  	_ =	shalt  }
0x48: {  	_ =	shalt  }
0x49: {  	_ =	shalt  }
0x4a: {  	_ =	shalt  }
0x4b: {  	_ =	shalt  }
0x4c: {  	_ =	shalt  }
0x4d: {  	_ =	shalt  }
0x4e: {  	_ =	shalt  }
0x4f: {  	_ =	shalt  }
0x50: {  	_ =	shalt  }
0x51: {  	_ =	shalt  }
0x52: {  	_ =	shalt  }
0x53: {  	_ =	shalt  }
0x54: {  	_ =	shalt  }
0x55: {  	_ =	shalt  }
0x56: {  	_ =	shalt  }
0x57: {  	_ =	shalt  }
0x58: {  	_ =	shalt  }
0x59: {  	_ =	shalt  }
0x5a: {  	_ =	shalt  }
0x5b: {  	_ =	shalt  }
0x5c: {  	_ =	shalt  }
0x5d: {  	_ =	shalt  }
0x5e: {  	_ =	shalt  }
0x5f: {  	_ =	shalt  }
0x60: {  	_ =	shalt  }
0x61: {  	_ =	shalt  }
0x62: {  	_ =	shalt  }
0x63: {  	_ =	shalt  }
0x64: {  	_ =	shalt  }
0x65: {  	_ =	shalt  }
0x66: {  	_ =	shalt  }
0x67: {  	_ =	shalt  }
0x68: {  	_ =	shalt  }
0x69: {  	_ =	shalt  }
0x6a: {  	_ =	shalt  }
0x6b: {  	_ =	shalt  }
0x6c: {  	_ =	shalt  }
0x6d: {  	_ =	shalt  }
0x6e: {  	_ =	shalt  }
0x6f: {  	_ =	shalt  }
0x70: {  	_ =	shalt  }
0x71: {  	_ =	shalt  }
0x72: {  	_ =	shalt  }
0x73: {  	_ =	shalt  }
0x74: {  	_ =	shalt  }
0x75: {  	_ =	shalt  }
0x76: {  	_ =	shalt  }
0x77: {  	_ =	shalt  }
0x78: {  	_ =	shalt  }
0x79: {  	_ =	shalt  }
0x7a: {  	_ =	shalt  }
0x7b: {  	_ =	shalt  }
0x7c: {  	_ =	shalt  }
0x7d: {  	_ =	shalt  }
0x7e: {  	_ =	shalt  }
0x7f: {  	_ =	shalt  }
0x80: {  	_ =	shalt  }
0x81: {  	_ =	shalt  }
0x82: {  	_ =	shalt  }
0x83: {  	_ =	shalt  }
0x84: {  	_ =	shalt  }
0x85: {  	_ =	shalt  }
0x86: {  	_ =	shalt  }
0x87: {  	_ =	shalt  }
.Lfunc_end0:
.L_simem_size_0:
called_computation.3_lowered:
.L_overlay_start_0:
0x88: {  	s2 =	sld [smem:$0x3FD9]  }
0x89: {  	s3 =	sld [smem:$0x3FFE];
	_ =	sdelay $0x1  }
0x8a: {  	s1 =	srdreg.scid  }
0x8b: {  	s0 =	sand.u32 $0x1, s1  }
0x8c: {  	s17 =	sshll.u32 s0, $0xA;
	s2 =	sadd.s32 s3, s2  }
0x8d: {  	s2 =	sadd.s32 s2, s17  }
0x8e: {  	[smem:$0x3FC0] =	sst s2  }
0x8f: {  	_ = 	snop  }
0x90: {  	s2 =	sld [smem:$0x3FD0];
	(tm) =	ssettm $0x1  }
0x91: {  	s18 =	sld [smem:$0x3FFB];
	_ =	sdelay $0x3  }
0x92: {  	_ =	strace s18  }
0x93: {  	s3 =	sld [smem:$0x3FFC];
	_ =	sdelay $0x3  }
0x94: {  	_ =	strace s3  }
0x95: {  	s3 =	sld [smem:$0x3FFD];
	_ =	sdelay $0x3  }
0x96: {  	_ =	strace s3  }
0x97: {  	_ =	strace $0x8FFFFFFF  }
0x98: {  	s19 =	sld [smem:$0x3FDB];
	_ =	sdelay $0x1  }
0x99: {  	s4 =	simm.s32 $_scs_section_size  }
0x9a: {  	s5 =	simm.s32 $_size__tile_overlayer_lowered;
	s6 =	simm.s32 $_tile_overlayer_lowered  }
0x9b: {  	s22 =	simm.s32 $0x1BFF;
	s21 =	sshll.u32 s6, $0x1;
	s3 =	sadd.s32 s4, s19  }
0x9c: {  	s7 =	simm.s32 $0x0;
	s20 =	sshll.u32 s5, $0x1;
	s5 =	sadd.s32 s21, s3  }
0x9d: {  	[timem:s7], [sflag:s22] =	dma.local [hbm:s5], s20  }
0x9e: {  	_ =	swait.ge [sflag:s22], s20  }
0x9f: {  	s4 =	ssub.s32 $0x0, s20;
	[sflag:s22] =	ssyncset.done $0x0  }
0xa0: {  	[sflag:s22] =	ssyncadd.s32 s4;
	_ =	sdelay $0x1  }
0xa1: {  	s23 =	simm.s32 $0x1B8B  }
0xa2: {  	_ =	swait.ge [sflag:s23], $0x1  }
0xa3: {  	[sflag:s23] =	ssyncset.done $0x0  }
0xa4: {  	s25 =	simm.s32 $0x1B8E;
	s24 =	sld [smem:$0x3FFE];
	[sflag:s23] =	ssyncadd.s32 $0xFFFFFFFF  }
0xa5: {  	s26 =	simm.s32 $execute0_lowered;
	[smem:$0x3FD2] =	sst s25  }
0xa6: {  	s5 =	sshll.u32 s26, $0x1;
	_ =	strace $0x8000004F;
	[dreg:$0x1] =	wrdreg $0xFFFFFFFF  }
0xa7: {  	s28 =	simm.s32 $_size_execute0_lowered;
	s3 =	sadd.s32 s3, s5;
	[dreg:$0x0] =	wrdreg $0x0  }
0xa8: {  	s5 =	sshll.u32 s28, $0x1;
	[dreg:$0x2] =	wrdreg s3  }
0xa9: {  	[dreg:$0x3] =	wrdreg s5  }
0xaa: {  	[dreg:$0x4] =	wrdreg $0xC0  }
0xab: {  	_ =	task [dreg:s7], $0x5FFFF  }
0xac: {  	[dreg:$0x1] =	wrdreg $0xFFFFFFFF  }
0xad: {  	[dreg:$0x0] =	wrdreg $0x60  }
0xae: {  	[dreg:$0x2] =	wrdreg s24  }
0xaf: {  	[dreg:$0x3] =	wrdreg s2  }
0xb0: {  	[dreg:$0x4] =	wrdreg $0x88000  }
0xb1: {  	[dreg:$0x5] =	wrdreg $0x9  }
0xb2: {  	_ =	task.clear_ibuf [dreg:s7], $0x6FFFF;
	_ =	strace $0x9000004F  }
0xb3: {  	s29 =	simm.s32 $0x9;
	_ =	strace $0x80000051  }
0xb4: {  	_ =	swait.ge [sflag:s29], $0x1  }
0xb5: {  	[sflag:s29] =	ssyncadd.s32 $0xFFFFFFFF  }
0xb6: {  	_ =	strace $0x90000051  }
0xb7: {  	_ =	sfence  }
0xb8: {  	s30 =	sld [smem:$0x0];
	_ =	sdelay $0x2  }
0xb9: {  	s31 =	sshll.u32 s1, $0xD;
	s1 =	sshrl.u32 s1, $0x2  }
0xba: {  	s3 =	sand.u32 $0x4000, s31;
	s1 =	sadd.s32 s1, s30  }
0xbb: {  	s0 =	sor.u32 s3, s0;
	s1 =	sshll.u32 s1, $0x11  }
0xbc: {  	s0 =	sor.u32 s1, s0  }
0xbd: {  	s0 =	sadd.s32 $0x8F2B, s0  }
0xbe: {  	[sflag:s0] =	ssyncadd.remote.s32 $0x1  }
0xbf: {  	_ =	sfence.sel $0xFFFF  }
0xc0: {  	[dreg:$0x0] =	wrdreg $0xFFFFFFFF;
	(pc) =	sbr.abs _section_cstart, $3  }
0xc1: {  	[dreg:$0x1] =	wrdreg $0xFFFFFFFF  }
0xc2: {  	_ =	task.clear_ibuf [dreg:s7], $0x2FFFF;
	_ =	strace $0x9FFFFFFF  }
0xc3: {  	(tm) =	ssettm $0x7FFFFFFF  }
tec
execute0_lowered:
.L_overlay_start_1:
0x0: {  	(tag) =	ssettag $0x1  }
0x1: {  	s0 =	rddreg [dreg:$0x0]  }
0x2: {  	s2 =	rddreg [dreg:$0x1]  }
0x3: {  	s1 =	rddreg [dreg:$0x2];
	s3 =	simm.s32 $0x0  }
0x4: {  	s5 =	srdreg.scid;
	s11 =	stileid.u32;
	s28 =	simm.s32 $0x1  }
0x5: {  	s29 =	simm.s32 $0x3;
	s30 =	simm.s32 $0x0;
	s6 =	smul.u32 $0x4F, s11  }
0x6: {  	[smem:$0x7FF] =	sst s3;
	s4 =	sadd.s32 $0x4400, s0;
	s9 =	smul.u32 $0x14000, s11  }
0x7: {  	s5 =	sand.u32 $0x1, s5;
	s0 =	sadd.s32 $0x54400, s0;
	s11 =	smul.u32 $0x50000, s11  }
0x8: {  	_ =	strace $0x80000050;
	s7 =	ssub.s32 $0x2, s5;
	s8 =	smul.u32 $0x140000, s5  }
0x9: {  	p0 =	seq.s32 s5, $0x0;
	s5 =	sadd.s32 $0x4F0, s6;
	s10 =	sshrl.u32 s7, $0x1  }
0xa: {  	s17 =	sadd.s32 $0x4000, s9;
	s22 =	sadd.s32 $0x8000, s9;
	s24 =	sadd.s32 $0xC000, s9  }
0xb: {  	s5 =	smov.u32 @p0 s6;
	s7 =	ssub.s32 s7, s10;
	s12 =	sadd.s32 s8, s9  }
0xc: {  	s6 =	sshrl.u32 s11, $0x2;
	s20 =	sadd.s32 s8, s17;
	s23 =	sadd.s32 s8, s22  }
0xd: {  	s9 =	sadd.s32 $0x10000, s9;
	s25 =	sadd.s32 s8, s24;
	s10 =	sadd.s32 s22, s1  }
0xe: {  	s26 =	sadd.s32 s24, s1;
	s5 =	sshll.u32 s5, $0x5;
	s13 =	sshrl.u32 s12, $0x3  }
0xf: {  	s6 =	sadd.s32 s6, s1;
	s15 =	smax.u32 s7, $0x1;
	s7 =	sshrl.u32 s20, $0x3  }
0x10: {  	s5 =	sadd.s32 s2, s5;
	s2 =	sadd.s32 s0, s13;
	[dreg:$0x7] =	wrdreg s15  }
0x11: {  	s8 =	sadd.s32 s8, s9;
	s16 =	sadd.s32 $0x4000, s6;
	[dreg:$0x6] =	wrdreg s2  }
0x12: {  	s31 =	sadd.s32 s9, s1;
	s18 =	sadd.s32 $0x8000, s6;
	[dreg:$0x8] =	wrdreg s16  }
0x13: {  	s20 =	simm.s32 $0x4;
	s19 =	sadd.s32 $0xC000, s6;
	[dreg:$0x9] =	wrdreg s18  }
0x14: {  	s24 =	sshrl.u32 s26, $0x3;
	s21 =	sadd.s32 $0x10000, s6;
	[dreg:$0xa] =	wrdreg s19  }
0x15: {  	s26 =	simm.s32 $0x80;
	s7 =	sadd.s32 s0, s7;
	[dreg:$0xb] =	wrdreg s21  }
0x16: {  	s8 =	sshrl.u32 s8, $0x3;
	s14 =	sadd.s32 $0x20, s5;
	[dreg:$0xc] =	wrdreg s7  }
0x17: {  	s2 =	sadd.s32 s17, s1;
	s7 =	sshrl.u32 s23, $0x3;
	[dreg:$0x4] =	wrdreg s5  }
0x18: {  	s18 =	sadd.s32 $0x40, s5;
	s19 =	simm.s32 $0x800;
	s7 =	sadd.s32 s0, s7  }
0x19: {  	s23 =	sshrl.u32 s10, $0x3;
	[dreg:$0xd] =	wrdreg s7;
	s7 =	sshrl.u32 s25, $0x3  }
0x1a: {  	s21 =	simm.s32 $0x5;
	[dreg:$0x5] =	wrdreg s14;
	s7 =	sadd.s32 s0, s7  }
0x1b: {  	s22 =	sshrl.u32 s2, $0x3;
	s0 =	sadd.s32 s0, s8;
	[dreg:$0xe] =	wrdreg s7  }
0x1c: {  	v0 =	vimm.f32 $0.0e+00;
	s25 =	sshrl.u32 s31, $0x3;
	[dreg:$0xf] =	wrdreg s0;
	s0 =	simm.s32 $0x2  }
.LBB2_1:
0x1d: {  	s2 =	simm.s32 $0x0;
	s7 =	simm.s32 $0x200  }
.LBB2_2:
0x1e: {  	p0 =	sne.s32 s7, $0xFE00;
	[tilespmem:s2+$0x870] =	vst v0  }
0x1f: {  	[tilespmem:s2+$0x800] =	vst v0  }
0x20: {  	[tilespmem:s2+$0x810] =	vst v0  }
.Ltmp0:
0x21: {  	[tilespmem:s2+$0x820] =	vst v0;
	(pc) =	sbr.rel @p0 .LBB2_2-.Ltmp0, $4  }
0x22: {  	[tilespmem:s2+$0x830] =	vst v0  }
0x23: {  	[tilespmem:s2+$0x840] =	vst v0  }
0x24: {  	[tilespmem:s2+$0x850] =	vst v0  }
0x25: {  	[tilespmem:s2+$0x860] =	vst v0;
	s2 =	sshra.s32 s7, $0x2;
	s7 =	sadd.s32 $0x200, s7  }
0x26: {  	[tilespmem:s2+$0x870] =	vst v0  }
0x27: {  	[tilespmem:s2+$0x800] =	vst v0  }
0x28: {  	[tilespmem:s2+$0x810] =	vst v0  }
0x29: {  	[tilespmem:s2+$0x820] =	vst v0  }
0x2a: {  	[tilespmem:s2+$0x830] =	vst v0  }
0x2b: {  	[tilespmem:s2+$0x840] =	vst v0  }
0x2c: {  	[tilespmem:s2+$0x850] =	vst v0  }
0x2d: {  	[tilespmem:s2+$0x860] =	vst v0  }
0x2e: {  	[spmem:s6] =	stream.linear.scatter [tilespmem:s19], [sflag:$0x4], $0x4000, $0x38;
	[tilespmem:$0x1C800] =	vst v63  }
0x2f: {  	_ =	swait.ge [sflag:s20], $0x4000  }
0x30: {  	[sflag:s20] =	ssyncset.done $0x0  }
0x31: {  	s11 =	rddreg [dreg:$0x8];
	[sflag:s20] =	ssyncadd.s32 $0xFFFFC000  }
0x32: {  	[spmem:s11] =	stream.linear.scatter [tilespmem:s19], [sflag:$0x4], $0x4000, $0x38;
	[tilespmem:$0x1C800] =	vst v63  }
0x33: {  	_ =	swait.ge [sflag:s20], $0x4000  }
0x34: {  	[sflag:s20] =	ssyncset.done $0x0  }
0x35: {  	s12 =	rddreg [dreg:$0x9];
	[sflag:s20] =	ssyncadd.s32 $0xFFFFC000  }
0x36: {  	[spmem:s12] =	stream.linear.scatter [tilespmem:s19], [sflag:$0x4], $0x4000, $0x38;
	[tilespmem:$0x1C800] =	vst v63  }
0x37: {  	_ =	swait.ge [sflag:s20], $0x4000  }
0x38: {  	[sflag:s20] =	ssyncset.done $0x0  }
0x39: {  	s13 =	rddreg [dreg:$0xa];
	[sflag:s20] =	ssyncadd.s32 $0xFFFFC000  }
0x3a: {  	[spmem:s13] =	stream.linear.scatter [tilespmem:s19], [sflag:$0x4], $0x4000, $0x38;
	[tilespmem:$0x1C800] =	vst v63  }
0x3b: {  	_ =	swait.ge [sflag:s20], $0x4000  }
0x3c: {  	[sflag:s20] =	ssyncset.done $0x0  }
0x3d: {  	s14 =	rddreg [dreg:$0xb];
	[sflag:s20] =	ssyncadd.s32 $0xFFFFC000  }
0x3e: {  	[spmem:s14] =	stream.linear.scatter [tilespmem:s19], [sflag:$0x4], $0x4000, $0x38;
	[tilespmem:$0x1C800] =	vst v63  }
0x3f: {  	_ =	swait.ge [sflag:s20], $0x4000  }
0x40: {  	[sflag:s20] =	ssyncset.done $0x0  }
0x41: {  	s7 =	simm.s32 $0x0;
	s15 =	rddreg [dreg:$0x4];
	[sflag:s20] =	ssyncadd.s32 $0xFFFFC000  }
0x42: {  	[tilespmem:s7], [sflag:$0x4] =	stream.linear.gather [hbm4b:s15+s7], $0x100, $0x38;
	[tilespmem:$0x1C800] =	vst v63  }
0x43: {  	_ =	swait.ge [sflag:s20], $0x100  }
0x44: {  	[sflag:s20] =	ssyncset.done $0x0  }
0x45: {  	s5 =	simm.s32 $0x100;
	s16 =	rddreg [dreg:$0x5];
	[sflag:s20] =	ssyncadd.s32 $0xFFFFFF00  }
0x46: {  	[tilespmem:s5], [sflag:$0x4] =	stream.linear.gather [hbm4b:s16+s7], $0x100, $0x38;
	[tilespmem:$0x1C800] =	vst v63  }
0x47: {  	p0 =	por $0x1, $0x1;
	s17 =	simm.s32 $0x400;
	_ =	swait.ge [sflag:s20], $0x100  }
0x48: {  	s9 =	simm.s32 $0x200;
	p1 =	por @!p0 $0x0, $0x0;
	[sflag:s20] =	ssyncset.done $0x0  }
0x49: {  	s2 =	sand.u32 $0x1C00, s17;
	p0 =	por p1, p0;
	[sflag:s20] =	ssyncadd.s32 $0xFFFFFF00  }
0x4a: {  	s9 =	sand.u32 $0x700, s9;
	s8 =	simm.s32 @!p0 $0x1;
	[bflag:$0x0] =	sbarrier.arrive $0xFFFF  }
0x4b: {  	[tilespmem:s19], [sflag:$0x2] =	stream.indirect.gather [hbm4b:s4+s26], $0x80, s7, s26, $0xb8;
	[tilespmem:$0x1C800] =	vst v63  }
0x4c: {  	s10 =	sand.u32 $0x1, s7;
	p1 =	por $0x0, $0x0;
	_ =	swait.ge @!p0 [sflag:s8], $0x100  }
0x4d: {  	p2 =	por @!p1 $0x0, $0x0;
	s7 =	sand.u32 $0xE, s7;
	[sflag:s8] =	ssyncset.done @!p0 $0x0  }
0x4e: {  	[sflag:s8] =	ssyncadd.s32 @!p0 $0xFFFFFF00;
	p0 =	seq.s32 s10, $0x1;
	s10 =	sshrl.u32 s2, $0x2  }
0x4f: {  	[tilespmem:s9], [sflag:$0x1] =	stream.linear.gather [hbm4b:s18+s3], $0x100, $0x38;
	[tilespmem:$0x1C800] =	vst v63  }
0x50: {  	s9 =	simm.s32 @p0 $0x80;
	s2 =	simm.s32 @p0 $0x800;
	s11 =	simm.s32 @p0 $0x3  }
0x51: {  	[tilespmem:s2], [sflag:$0x2] =	stream.indirect.gather @p0 [hbm4b:s4+s9], $0x80, s10, s9, $0xb8;
	[tilespmem:$0x1C800] =	vst v63  }
0x52: {  	p1 =	por p2, p1;
	s31 =	sor.u32 $0x1, s7;
	_ =	swait.ge @p0 [sflag:s11], $0x4000  }
0x53: {  	s8 =	simm.s32 $0x2;
	s7 =	sshll.u32 @p0 s31, $0x7;
	[sflag:s11] =	ssyncset.done @p0 $0x0  }
0x54: {  	s12 =	simm.s32 @p0 $0x4800;
	s13 =	simm.s32 @!p0 $0x2;
	[sflag:s11] =	ssyncadd.s32 @p0 $0xFFFFC000  }
0x55: {  	[spmem:s1] =	stream.indirect.scatter.add.f32 @p0 [tilespmem:s12], [sflag:$0x4], $0x80, s7, s9, $0xb8;
	[tilespmem:$0x1C800] =	vst v63  }
0x56: {  	s31 =	sshll.u32 @!p0 s31, $0x7;
	s12 =	simm.s32 @!p0 $0x80;
	s7 =	simm.s32 @!p0 $0x4800  }
0x57: {  	[tilespmem:s7], [sflag:$0x3] =	stream.indirect.gather @!p0 [hbm4b:s4+s12], $0x80, s10, s12, $0xb8;
	[tilespmem:$0x1C800] =	vst v63  }
0x58: {  	s2 =	simm.s32 $0x1;
	s11 =	simm.s32 @!p0 $0x5;
	_ =	swait.ge @!p0 [sflag:s13], $0x4000  }
0x59: {  	s9 =	simm.s32 $0x300;
	s11 =	simm.s32 @p0 $0x4;
	[sflag:s13] =	ssyncset.done @!p0 $0x0  }
0x5a: {  	s7 =	simm.s32 $0x2;
	s10 =	simm.s32 @!p0 $0x800;
	[sflag:s13] =	ssyncadd.s32 @!p0 $0xFFFFC000  }
0x5b: {  	[spmem:s1] =	stream.indirect.scatter.add.f32 @!p0 [tilespmem:s10], [sflag:$0x5], $0x80, s31, s12, $0xb8;
	[tilespmem:$0x1C800] =	vst v63  }
0x5c: {  	s10 =	sadd.s32 $0x20, s18;
	s31 =	simm.s32 $0x800;
	_ =	swait.ge [sflag:s11], $0x4000  }
.LBB2_4:
0x5d: {  	s12 =	simm.s32 @!p1 $0x1;
	[sflag:s11] =	ssyncset.done $0x0;
	s13 =	smov.u32 s2  }
0x5e: {  	s2 =	smov.u32 s8;
	s8 =	sadd.s32 $0x1, s8;
	s14 =	smov.u32 s9  }
0x5f: {  	s9 =	sadd.s32 $0x100, s9;
	p0 =	sne.s32 s8, $0x4D;
	[sflag:s11] =	ssyncadd.s32 $0xFFFFC000  }
0x60: {  	s5 =	sand.u32 $0xE, s7;
	s11 =	sand.u32 $0x1C00, s31;
	_ =	swait.ge @!p1 [sflag:s12], $0x100  }
0x61: {  	s14 =	sand.u32 $0x700, s14;
	s13 =	sand.u32 $0x1, s13;
	[sflag:s12] =	ssyncset.done @!p1 $0x0  }
0x62: {  	[sflag:s12] =	ssyncadd.s32 @!p1 $0xFFFFFF00;
	p1 =	seq.s32 s13, $0x1;
	s12 =	sshrl.u32 s11, $0x2  }
0x63: {  	[tilespmem:s14], [sflag:$0x1] =	stream.linear.gather [hbm4b:s10+s3], $0x100, $0x38;
	[tilespmem:$0x1C800] =	vst v63  }
0x64: {  	s13 =	simm.s32 @p1 $0x80;
	s11 =	simm.s32 @p1 $0x800;
	s14 =	simm.s32 @p1 $0x3  }
0x65: {  	[tilespmem:s11], [sflag:$0x2] =	stream.indirect.gather @p1 [hbm4b:s4+s13], $0x80, s12, s13, $0xb8;
	[tilespmem:$0x1C800] =	vst v63  }
0x66: {  	s5 =	sor.u32 $0x1, s5;
	s11 =	simm.s32 @!p1 $0x5;
	_ =	swait.ge @p1 [sflag:s14], $0x4000  }
0x67: {  	s15 =	sshll.u32 @p1 s5, $0x7;
	s16 =	simm.s32 @p1 $0x4800;
	[sflag:s14] =	ssyncset.done @p1 $0x0  }
0x68: {  	s17 =	simm.s32 @!p1 $0x4800;
	[sflag:s14] =	ssyncadd.s32 @p1 $0xFFFFC000;
	s14 =	simm.s32 @!p1 $0x80  }
0x69: {  	[spmem:s1] =	stream.indirect.scatter.add.f32 @p1 [tilespmem:s16], [sflag:$0x4], $0x80, s15, s13, $0xb8;
	[tilespmem:$0x1C800] =	vst v63  }
0x6a: {  	s7 =	sadd.s32 $0x2, s7;
	s10 =	sadd.s32 $0x20, s10;
	s13 =	simm.s32 @!p1 $0x2  }
0x6b: {  	[tilespmem:s17], [sflag:$0x3] =	stream.indirect.gather @!p1 [hbm4b:s4+s14], $0x80, s12, s14, $0xb8;
	[tilespmem:$0x1C800] =	vst v63  }
.Ltmp1:
0x6c: {  	s12 =	simm.s32 @!p1 $0x800;
	_ =	swait.ge @!p1 [sflag:s13], $0x4000;
	(pc) =	sbr.rel @p0 .LBB2_4-.Ltmp1, $4  }
0x6d: {  	p2 =	seq.s32 s2, $0x0;
	s5 =	sshll.u32 @!p1 s5, $0x7;
	[sflag:s13] =	ssyncset.done @!p1 $0x0  }
0x6e: {  	p3 =	seq.s32 @!p2 s2, $0x4E;
	s11 =	simm.s32 @p1 $0x4;
	[sflag:s13] =	ssyncadd.s32 @!p1 $0xFFFFC000  }
0x6f: {  	[spmem:s1] =	stream.indirect.scatter.add.f32 @!p1 [tilespmem:s12], [sflag:$0x5], $0x80, s5, s14, $0xb8;
	[tilespmem:$0x1C800] =	vst v63  }
0x70: {  	s31 =	sadd.s32 $0x400, s31;
	p1 =	por p3, p2;
	_ =	swait.ge [sflag:s11], $0x4000  }
0x71: {  	[sflag:s11] =	ssyncset.done $0x0  }
0x72: {  	s5 =	simm.s32 @!p1 $0x1;
	[sflag:s11] =	ssyncadd.s32 $0xFFFFC000  }
0x73: {  	s17 =	sand.u32 $0x1C00, s31;
	_ =	swait.ge @!p1 [sflag:s5], $0x100  }
0x74: {  	s2 =	sand.u32 $0x1, s2;
	s8 =	sand.u32 $0x700, s9;
	[sflag:s5] =	ssyncset.done @!p1 $0x0  }
0x75: {  	p0 =	seq.s32 s2, $0x1;
	s2 =	sshrl.u32 s17, $0x2;
	[sflag:s5] =	ssyncadd.s32 @!p1 $0xFFFFFF00  }
0x76: {  	[tilespmem:s8], [sflag:$0x1] =	stream.linear.gather [hbm4b:s10+s3], $0x100, $0x38;
	[tilespmem:$0x1C800] =	vst v63  }
0x77: {  	s9 =	simm.s32 @p0 $0x3;
	s5 =	simm.s32 @p0 $0x80;
	s8 =	simm.s32 @p0 $0x800  }
0x78: {  	[tilespmem:s8], [sflag:$0x2] =	stream.indirect.gather @p0 [hbm4b:s4+s5], $0x80, s2, s5, $0xb8;
	[tilespmem:$0x1C800] =	vst v63  }
0x79: {  	s7 =	sand.u32 $0xE, s7;
	_ =	swait.ge @p0 [sflag:s9], $0x4000  }
0x7a: {  	s7 =	sor.u32 $0x1, s7;
	[sflag:s9] =	ssyncset.done @p0 $0x0  }
0x7b: {  	s8 =	sshll.u32 @p0 s7, $0x7;
	[sflag:s9] =	ssyncadd.s32 @p0 $0xFFFFC000;
	s9 =	simm.s32 @p0 $0x4800  }
0x7c: {  	[spmem:s1] =	stream.indirect.scatter.add.f32 @p0 [tilespmem:s9], [sflag:$0x4], $0x80, s8, s5, $0xb8;
	[tilespmem:$0x1C800] =	vst v63  }
0x7d: {  	s5 =	simm.s32 @!p0 $0x80;
	s8 =	simm.s32 @!p0 $0x4800  }
0x7e: {  	[tilespmem:s8], [sflag:$0x3] =	stream.indirect.gather @!p0 [hbm4b:s4+s5], $0x80, s2, s5, $0xb8;
	[tilespmem:$0x1C800] =	vst v63  }
0x7f: {  	s2 =	simm.s32 @!p0 $0x2  }
0x80: {  	_ =	swait.ge @!p0 [sflag:s2], $0x4000  }
0x81: {  	[sflag:s2] =	ssyncset.done @!p0 $0x0  }
0x82: {  	s7 =	sshll.u32 @!p0 s7, $0x7;
	[sflag:s2] =	ssyncadd.s32 @!p0 $0xFFFFC000;
	s2 =	simm.s32 @!p0 $0x800  }
0x83: {  	[spmem:s1] =	stream.indirect.scatter.add.f32 @!p0 [tilespmem:s2], [sflag:$0x5], $0x80, s7, s5, $0xb8;
	[tilespmem:$0x1C800] =	vst v63  }
0x84: {  	s2 =	simm.s32 @!p0 $0x5  }
0x85: {  	s2 =	simm.s32 @p0 $0x4  }
0x86: {  	_ =	swait.ge [sflag:s2], $0x4000  }
0x87: {  	[sflag:s2] =	ssyncset.done $0x0  }
0x88: {  	[sflag:s2] =	ssyncadd.s32 $0xFFFFC000  }
0x89: {  	s7 =	sadd.s32 $0x400, s31;
	_ =	swait.ge [sflag:s28], $0x100  }
0x8a: {  	s2 =	sand.u32 $0x1C00, s7;
	[sflag:s28] =	ssyncset.done $0x0  }
0x8b: {  	s2 =	sshrl.u32 s2, $0x2;
	[sflag:s28] =	ssyncadd.s32 $0xFFFFFF00  }
0x8c: {  	[tilespmem:s19], [sflag:$0x2] =	stream.indirect.gather [hbm4b:s4+s26], $0x80, s2, s26, $0xb8;
	[tilespmem:$0x1C800] =	vst v63  }
0x8d: {  	_ =	swait.ge [sflag:s29], $0x4000  }
0x8e: {  	[sflag:s29] =	ssyncset.done $0x0  }
0x8f: {  	s9 =	simm.s32 $0x4800;
	s8 =	simm.s32 $0x580;
	[sflag:s29] =	ssyncadd.s32 $0xFFFFC000  }
0x90: {  	[spmem:s1] =	stream.indirect.scatter.add.f32 [tilespmem:s9], [sflag:$0x4], $0x80, s8, s26, $0xb8;
	[tilespmem:$0x1C800] =	vst v63  }
0x91: {  	_ =	swait.ge [sflag:s20], $0x4000  }
0x92: {  	[sflag:s20] =	ssyncset.done $0x0  }
0x93: {  	[sflag:s20] =	ssyncadd.s32 $0xFFFFC000  }
0x94: {  	_ =	swait.ge [sflag:s0], $0x4000  }
0x95: {  	[sflag:s0] =	ssyncset.done $0x0  }
0x96: {  	s10 =	simm.s32 $0x680;
	[sflag:s0] =	ssyncadd.s32 $0xFFFFC000  }
0x97: {  	[spmem:s1] =	stream.indirect.scatter.add.f32 [tilespmem:s19], [sflag:$0x5], $0x80, s10, s26, $0xb8;
	[tilespmem:$0x1C800] =	vst v63  }
0x98: {  	_ =	swait.ge [sflag:s21], $0x4000  }
0x99: {  	[sflag:s21] =	ssyncset.done $0x0  }
0x9a: {  	s11 =	stileid.u32;
	[sflag:s21] =	ssyncadd.s32 $0xFFFFC000  }
0x9b: {  	s2 =	sshll.u32 s11, $0x6;
	[bflag:$0x0] =	sbarrier.arrive $0xFFFF  }
0x9c: {  	s12 =	sshrl.u32 s6, $0x3;
	s2 =	sor.u32 $0x1C04, s2;
	s13 =	rddreg [dreg:$0x6]  }
0x9d: {  	[hbm:s13], [sflag:s2] =	dma.local [spmem:s12], $0x800  }
0x9e: {  	_ =	swait.ge [sflag:s20], $0x800  }
0x9f: {  	[sflag:s20] =	ssyncset.done $0x0  }
0xa0: {  	s14 =	rddreg [dreg:$0xc];
	[sflag:s20] =	ssyncadd.s32 $0xFFFFF800  }
0xa1: {  	[hbm:s14], [sflag:s2] =	dma.local [spmem:s22], $0x800  }
0xa2: {  	_ =	swait.ge [sflag:s20], $0x800  }
0xa3: {  	[sflag:s20] =	ssyncset.done $0x0  }
0xa4: {  	s15 =	rddreg [dreg:$0xd];
	[sflag:s20] =	ssyncadd.s32 $0xFFFFF800  }
0xa5: {  	[hbm:s15], [sflag:s2] =	dma.local [spmem:s23], $0x800  }
0xa6: {  	_ =	swait.ge [sflag:s20], $0x800  }
0xa7: {  	[sflag:s20] =	ssyncset.done $0x0  }
0xa8: {  	s16 =	rddreg [dreg:$0xe];
	[sflag:s20] =	ssyncadd.s32 $0xFFFFF800  }
0xa9: {  	[hbm:s16], [sflag:s2] =	dma.local [spmem:s24], $0x800  }
0xaa: {  	_ =	swait.ge [sflag:s20], $0x800  }
0xab: {  	[sflag:s20] =	ssyncset.done $0x0  }
0xac: {  	s17 =	rddreg [dreg:$0xf];
	[sflag:s20] =	ssyncadd.s32 $0xFFFFF800  }
0xad: {  	[hbm:s17], [sflag:s2] =	dma.local [spmem:s25], $0x800  }
0xae: {  	_ =	swait.ge [sflag:s20], $0x800  }
0xaf: {  	s30 =	sadd.s32 $0x1, s30;
	s31 =	rddreg [dreg:$0x7]  }
0xb0: {  	p0 =	sne.s32 s30, s31  }
.Ltmp2:
0xb1: {  	_ = 	snop;
	(pc) =	sbr.rel @p0 .LBB2_1-.Ltmp2, $3  }
0xb2: {  	_ =	sdelay $0x1  }
0xb3: {  	[sflag:s20] =	ssyncset.done $0x0  }
0xb4: {  	[sflag:s20] =	ssyncadd.s32 $0xFFFFF800  }
0xb5: {  	_ =	sfence.sel $0x180000  }
0xb6: {  	[bflag:$0x0] =	sbarrier.arrive $0xFFFF  }
0xb7: {  	_ =	strace $0x90000050  }
0xb8: {  	s0 =	stileid.u32;
	[bflag:$0x2] =	sbarrier.arrive $0xFFFF  }
0xb9: {  	p0 =	sne.s32 s0, $0x0;
	s0 =	rddreg [dreg:$0x3]  }
0xba: {  	s0 =	sadd.s32 @!p0 $0x100000, s0  }
0xbb: {  	[sflag:s0] =	ssyncadd.tile.s32 @!p0 $0x1;
	_ =	shalt  }
.Lfunc_end2:
_tile_overlayer_lowered:
.L_overlay_start_2:
0xbc: {  	(tag) =	ssettag $0x2  }
0xbd: {  	s0 =	rddreg [dreg:$0x0];
	s2 =	stileid.u32  }
0xbe: {  	s1 =	rddreg [dreg:$0x1];
	p0 =	sne.s32 s2, $0x0  }
0xbf: {  	s3 =	rddreg [dreg:$0x2];
	[bflag:$0x3] =	sbarrier.arrive $0xFFFF;
	s2 =	simm.s32 @!p0 $0x1C04  }
0xc0: {  	[timem:s3], [sflag:s2] =	dma.local @!p0 [hbm:s0], s1  }
0xc1: {  	s0 =	simm.s32 @!p0 $0x4  }
0xc2: {  	_ =	swait.ge @!p0 [sflag:s0], s1  }
0xc3: {  	s1 =	ssub.s32 @!p0 $0x0, s1;
	[sflag:s0] =	ssyncset.done @!p0 $0x0  }
0xc4: {  	[sflag:s0] =	ssyncadd.s32 @!p0 s1  }
0xc5: {  	[bflag:$0x3] =	sbarrier.arrive $0xFFFF  }
0xc6: {  	_ =	shalt  }

</sc_bundles>
